<compile_context>
chip_gen: v7x
topology: tpu7x:2x2x1
jax: 0.10.2.dev20260603
libtpu: 0.0.44.dev20260713+nightly
codegen_flags: <defaults>
</compile_context>

<pallas_src>
import functools

import jax
import jax.numpy as jnp
from jax import lax
from jax.experimental import pallas as pl
from jax.experimental.pallas import tpu as pltpu
from jax.experimental.pallas import tpu_sc as plsc

N = 10000
E = 320000
D_IN = 128
HID = 16
D_OUT = 128

NC = 2
NS = 16
NW = NC * NS
EPT = E // NW
B = 125
K = EPT // B
DW = 8
PAD_N = 10240
RPT = PAD_N // NS
PR = PAD_N // HID
NPR = N // HID
PKW = HID * HID

_mesh = plsc.VectorSubcoreMesh(
    core_axis_name="c", subcore_axis_name="s", num_cores=NC, num_subcores=NS
)
_sc_params = pltpu.CompilerParams(use_tc_tiling_on_sc=False)


@functools.partial(
    pl.kernel,
    out_type=jax.ShapeDtypeStruct((NC, 2, PAD_N), jnp.float32),
    mesh=_mesh,
    compiler_params=_sc_params,
    scratch_types=[
        pltpu.VMEM((K, B), jnp.int32),
        pltpu.VMEM((K, B), jnp.int32),
        pltpu.VMEM((128,), jnp.float32),
        pltpu.VMEM((RPT,), jnp.float32),
        pltpu.VMEM_SHARED((PAD_N,), jnp.float32),
        pltpu.VMEM_SHARED((PAD_N,), jnp.float32),
        pltpu.SemaphoreType.DMA,
        pltpu.SemaphoreType.DMA,
    ],
)
def _sc_degrees(ei_hbm, out_hbm, sidx, didx, ones_v, zbuf,
                dout_sh, din_sh, semo, semi):
    cid = lax.axis_index("c")
    sid = lax.axis_index("s")
    wid = cid * NS + sid

    zero16 = jnp.zeros((16,), jnp.float32)
    one16 = jnp.ones((16,), jnp.float32)

    def fill_z(i, _):
        zbuf[pl.ds(i * 16, 16)] = zero16
        return 0
    lax.fori_loop(0, RPT // 16, fill_z, 0)
    for i in range(8):
        ones_v[pl.ds(i * 16, 16)] = one16

    pltpu.sync_copy(zbuf, dout_sh.at[pl.ds(sid * RPT, RPT)])
    pltpu.sync_copy(zbuf, din_sh.at[pl.ds(sid * RPT, RPT)])
    plsc.subcore_barrier()

    pltpu.sync_copy(ei_hbm.at[0, wid], sidx)
    pltpu.sync_copy(ei_hbm.at[1, wid], didx)

    def step(j, _):
        pltpu.async_copy(ones_v.at[pl.ds(0, B)], dout_sh.at[sidx.at[j]],
                         semo, add=True)
        pltpu.async_copy(ones_v.at[pl.ds(0, B)], din_sh.at[didx.at[j]],
                         semi, add=True)

        @pl.when(j >= DW)
        def _():
            pltpu.make_async_copy(ones_v.at[pl.ds(0, B)],
                                  dout_sh.at[sidx.at[j - DW]], semo).wait()
            pltpu.make_async_copy(ones_v.at[pl.ds(0, B)],
                                  din_sh.at[didx.at[j - DW]], semi).wait()
        return 0
    lax.fori_loop(0, K, step, 0)
    for w in range(DW):
        pltpu.make_async_copy(ones_v.at[pl.ds(0, B)],
                              dout_sh.at[sidx.at[K - DW + w]], semo).wait()
        pltpu.make_async_copy(ones_v.at[pl.ds(0, B)],
                              din_sh.at[didx.at[K - DW + w]], semi).wait()
    plsc.subcore_barrier()

    pltpu.sync_copy(dout_sh.at[pl.ds(sid * RPT, RPT)], zbuf)
    pltpu.sync_copy(zbuf, out_hbm.at[cid, 0, pl.ds(sid * RPT, RPT)])
    pltpu.sync_copy(din_sh.at[pl.ds(sid * RPT, RPT)], zbuf)
    pltpu.sync_copy(zbuf, out_hbm.at[cid, 1, pl.ds(sid * RPT, RPT)])


@functools.partial(
    pl.kernel,
    out_type=jax.ShapeDtypeStruct((NC, PAD_N, HID), jnp.float32),
    mesh=_mesh,
    compiler_params=_sc_params,
    scratch_types=[
        pltpu.VMEM((K, B), jnp.int32),
        pltpu.VMEM((K, B), jnp.int32),
        pltpu.VMEM((8, B, HID), jnp.float32),
        pltpu.VMEM((RPT, HID), jnp.float32),
        pltpu.VMEM_SHARED((PAD_N, HID), jnp.float32),
        pltpu.SemaphoreType.DMA,
        pltpu.SemaphoreType.DMA,
        pltpu.SemaphoreType.DMA,
        pltpu.SemaphoreType.DMA,
        pltpu.SemaphoreType.DMA,
        pltpu.SemaphoreType.DMA,
        pltpu.SemaphoreType.DMA,
        pltpu.SemaphoreType.DMA,
        pltpu.SemaphoreType.DMA,
        pltpu.SemaphoreType.DMA,
        pltpu.SemaphoreType.DMA,
        pltpu.SemaphoreType.DMA,
        pltpu.SemaphoreType.DMA,
        pltpu.SemaphoreType.DMA,
        pltpu.SemaphoreType.DMA,
        pltpu.SemaphoreType.DMA,
    ],
)
def _sc_aggregate(table_hbm, ei_hbm, out_hbm, sidx, didx, mring, zbuf, agg_sh,
                  g0, g1, g2, g3, g4, g5, g6, g7,
                  s0, s1, s2, s3, s4, s5, s6, s7):
    cid = lax.axis_index("c")
    sid = lax.axis_index("s")
    wid = cid * NS + sid
    msgs = tuple(mring.at[b] for b in range(8))
    gsem = (g0, g1, g2, g3, g4, g5, g6, g7)
    ssem = (s0, s1, s2, s3, s4, s5, s6, s7)

    zero16 = jnp.zeros((16,), jnp.float32)

    def fill_z(i, _):
        zbuf[i, :] = zero16
        return 0
    lax.fori_loop(0, RPT, fill_z, 0)

    pltpu.sync_copy(zbuf, agg_sh.at[pl.ds(sid * RPT, RPT)])
    plsc.subcore_barrier()

    pltpu.sync_copy(ei_hbm.at[0, wid], sidx)
    pltpu.sync_copy(ei_hbm.at[1, wid], didx)

    for j0 in range(4):
        pltpu.async_copy(table_hbm.at[sidx.at[j0]], msgs[j0], gsem[j0])

    def step(i, _):
        for b in range(8):
            j = 8 * i + b
            bn = (b + 4) % 8
            pltpu.make_async_copy(table_hbm.at[sidx.at[j]], msgs[b],
                                  gsem[b]).wait()
            pltpu.async_copy(msgs[b], agg_sh.at[didx.at[j]], ssem[b],
                             add=True)

            @pl.when(j >= 4)
            def _():
                pltpu.make_async_copy(msgs[bn], agg_sh.at[didx.at[j - 4]],
                                      ssem[bn]).wait()

            @pl.when(j + 4 < K)
            def _():
                pltpu.async_copy(table_hbm.at[sidx.at[j + 4]], msgs[bn],
                                 gsem[bn])
        return 0
    lax.fori_loop(0, K // 8, step, 0)
    for j0 in range(K - 4, K):
        b = j0 % 8
        pltpu.make_async_copy(msgs[b], agg_sh.at[didx.at[j0]],
                              ssem[b]).wait()
    plsc.subcore_barrier()

    pltpu.sync_copy(agg_sh.at[pl.ds(sid * RPT, RPT)], zbuf)
    pltpu.sync_copy(zbuf, out_hbm.at[cid, pl.ds(sid * RPT, RPT)])


def _scale(pa, pb):
    return lax.rsqrt(jnp.maximum(pa + pb, 1.0))


def _replicate(s16, width):
    rows = s16.shape[0]
    s3 = lax.broadcast_in_dim(s16, (rows, HID, width), (0, 1))
    return jnp.reshape(s3, (rows, HID * width))


def _tc_layer1_body(fp_ref, w_ref, dg_ref, o_ref):
    s16 = _scale(dg_ref[0, 0, :NPR, :], dg_ref[1, 0, :NPR, :])
    srep = _replicate(s16, D_IN)
    x = fp_ref[...] * srep
    o_ref[...] = jnp.dot(x, w_ref[...], preferred_element_type=jnp.float32)


_tc_layer1 = pl.pallas_call(
    _tc_layer1_body,
    out_shape=jax.ShapeDtypeStruct((NPR, PKW), jnp.float32),
)


def _tc_mid_body(p_ref, dg_ref, bias_ref, o_ref):
    s_in = _replicate(_scale(dg_ref[0, 1], dg_ref[1, 1]), HID)
    s_out = _replicate(_scale(dg_ref[0, 0], dg_ref[1, 0]), HID)
    h = (p_ref[0] + p_ref[1]) * s_in + bias_ref[...]
    o_ref[...] = jnp.maximum(h, 0.0) * s_out


_tc_mid = pl.pallas_call(
    _tc_mid_body,
    out_shape=jax.ShapeDtypeStruct((PR, PKW), jnp.float32),
)


def _tc_layer2_body(p_ref, w_ref, dg_ref, bias_ref, o_ref):
    agg = p_ref[0] + p_ref[1]
    y = jnp.dot(agg, w_ref[...], preferred_element_type=jnp.float32)
    s_in = _replicate(_scale(dg_ref[0, 1], dg_ref[1, 1]), D_OUT)
    o_ref[...] = y * s_in + bias_ref[...]


_tc_layer2 = pl.pallas_call(
    _tc_layer2_body,
    out_shape=jax.ShapeDtypeStruct((PR, HID * D_OUT), jnp.float32),
)


def kernel(features, edge_index, W1, b1, W2, b2):
    ei = edge_index.reshape(2, NW, K, B)

    deg = _sc_degrees(ei)
    dgp = deg.reshape(2, 2, PR, HID)

    fp = features.reshape(NPR, HID * D_IN)
    w1p = jnp.kron(jnp.eye(HID, dtype=W1.dtype), W1)
    t1p = _tc_layer1(fp, w1p, dgp)

    p1 = _sc_aggregate(t1p.reshape(N, HID), ei)
    t2p = _tc_mid(p1.reshape(2, PR, PKW), dgp,
                  jnp.tile(b1, HID).reshape(1, PKW))

    p2 = _sc_aggregate(t2p.reshape(PAD_N, HID), ei)
    w2p = jnp.kron(jnp.eye(HID, dtype=W2.dtype), W2)
    outp = _tc_layer2(p2.reshape(2, PR, PKW), w2p, dgp,
                      jnp.tile(b2, HID).reshape(1, HID * D_OUT))
    return outp.reshape(PAD_N, D_OUT)[:N]

# --- scband reference (transcript-rebuilt; emitter-appended) ---
"""Pipeline reference for scband-bank-gcn-72387378806985 (READ-ONLY COPY).

The authoritative reference and input builder live on the scoring server;
editing this copy changes nothing except your own understanding.
"""

import jax, jax.numpy as jnp
import numpy as np

N = 10000
E = 320000
D_IN = 128
H = 16
D_OUT = 128


def setup_inputs(seed: int = 0) -> dict:
    key = jax.random.key(seed)
    k1, k2, k3, k4, k5, k6 = jax.random.split(key, 6)
    features = jax.random.normal(k1, (N, D_IN), dtype=jnp.float32)
    edge_index = jax.random.randint(k2, (2, E), 0, N, dtype=jnp.int32)
    W1 = jax.random.normal(k3, (D_IN, H), dtype=jnp.float32) * (1.0 / np.sqrt(D_IN))
    b1 = jnp.zeros((H,), dtype=jnp.float32)
    W2 = jax.random.normal(k4, (H, D_OUT), dtype=jnp.float32) * (1.0 / np.sqrt(H))
    b2 = jnp.zeros((D_OUT,), dtype=jnp.float32)
    return {"features": features, "edge_index": edge_index, "W1": W1, "b1": b1, "W2": W2, "b2": b2}


def _graph_conv(feat, src, dst, W, b, act):
    # DGL GraphConv, norm='both':
    #   feat_src = feat * out_deg^{-1/2}; aggregate sum over edges src->dst;
    #   rst = agg * in_deg^{-1/2} @ W (weight applied before aggregation if in>out) + b
    ones = jnp.ones((src.shape[0],), dtype=feat.dtype)
    out_deg = jax.ops.segment_sum(ones, src, num_segments=N)
    out_deg = jnp.clip(out_deg, 1.0, None)
    feat = feat * (out_deg ** -0.5)[:, None]
    if W.shape[0] > W.shape[1]:
        # mult W first to reduce message dim, then aggregate
        feat = feat @ W
        agg = jax.ops.segment_sum(feat[src], dst, num_segments=N)
    else:
        # aggregate first, then mult W
        agg = jax.ops.segment_sum(feat[src], dst, num_segments=N)
        agg = agg @ W
    in_deg = jax.ops.segment_sum(ones, dst, num_segments=N)
    in_deg = jnp.clip(in_deg, 1.0, None)
    rst = agg * (in_deg ** -0.5)[:, None] + b
    if act is not None:
        rst = act(rst)
    return rst


def reference(features, edge_index, W1, b1, W2, b2):
    src = edge_index[0]
    dst = edge_index[1]
    h = _graph_conv(features, src, dst, W1, b1, jax.nn.relu)
    h = _graph_conv(h, src, dst, W2, b2, None)
    return h

if __name__ == "__main__":
    import jax
    _d = setup_inputs()
    print(jax.jit(kernel)(*tuple(_d.values())))

</pallas_src>

<mosaic_0001>
#map = affine_map<(d0, d1) -> (0, 0, 0, 0)>
#map1 = affine_map<(d0, d1) -> (0, 0, 0)>
module attributes {stable_mosaic.version = 14 : i64} {
  func.func @_sc_degrees(%arg0: i32, %arg1: i32, %arg2: memref<2x32x80x125xi32, #tpu.memory_space<hbm>>, %arg3: memref<2x2x10240xf32, #tpu.memory_space<hbm>>, %arg4: memref<80x125xi32, #tpu.memory_space<vmem>>, %arg5: memref<80x125xi32, #tpu.memory_space<vmem>>, %arg6: memref<128xf32, #tpu.memory_space<vmem>>, %arg7: memref<640xf32, #tpu.memory_space<vmem>>, %arg8: memref<10240xf32, #tpu.memory_space<vmem_shared>>, %arg9: memref<10240xf32, #tpu.memory_space<vmem_shared>>, %arg10: memref<!tpu.dma_semaphore, #tpu.memory_space<semaphore_mem>>, %arg11: memref<!tpu.dma_semaphore, #tpu.memory_space<semaphore_mem>>) attributes {dimension_semantics = [#tpu.dimension_semantics<core_parallel>, #tpu.dimension_semantics<subcore_parallel>], iteration_bounds = array<i64: 2, 16>, scalar_prefetch = 0 : i64, scratch_operands = 8 : i64, tpu.core_type = #tpu.core_type<sc_vector_subcore>, window_params = [{transform_indices = #map}, {transform_indices = #map1}]} {
    %mul3A = arith.constant 16 : i32
    %mul3A_0 = arith.muli %arg0, %mul3A : i32
    %add3A = arith.addi %mul3A_0, %arg1 : i32
    %broadcast_in_dim3A = arith.constant 0.000000e+00 : f32
    %broadcast_in_dim3A_1 = vector.broadcast %broadcast_in_dim3A : f32 to vector<16xf32>
    %broadcast_in_dim3A_2 = arith.constant 1.000000e+00 : f32
    %broadcast_in_dim3A_3 = vector.broadcast %broadcast_in_dim3A_2 : f32 to vector<16xf32>
    %scan3A = arith.constant 0 : i32
    %scan3A_4 = arith.constant 0 : i32
    %scan3A_5 = arith.constant 40 : i32
    %scan3A_6 = arith.addi %scan3A_4, %scan3A_5 : i32
    %scan3A_7 = arith.constant 1 : i32
    %scan3A_8 = scf.for %scan3A_191 = %scan3A_4 to %scan3A_6 step %scan3A_7 iter_args(%scan3A_192 = %scan3A) -> (i32)  : i32 {
      %mul3A_193 = arith.constant 16 : i32
      %mul3A_194 = arith.muli %scan3A_191, %mul3A_193 : i32
      %swap3A_195 = arith.index_cast %mul3A_194 : i32 to index
      %swap3A_196 = tpu.vector_load %arg7[%swap3A_195] {strides = array<i32>} : memref<640xf32, #tpu.memory_space<vmem>>, vector<16xf32>,
      %swap3A_197 = vector.shape_cast %swap3A_196 : vector<16xf32> to vector<16xf32>
      %swap3A_198 = vector.shape_cast %broadcast_in_dim3A_1 : vector<16xf32> to vector<16xf32>
      tpu.vector_store %arg7[%swap3A_195], %swap3A_198 {strides = array<i32>} : memref<640xf32, #tpu.memory_space<vmem>>, vector<16xf32>,
      %scan3A_199 = arith.constant 0 : i32
      scf.yield %scan3A_199 : i32
    }
    %scan3A_9 = arith.constant 40 : i32
    %swap3A = arith.constant 0 : index
    %swap3A_10 = tpu.vector_load %arg6[%swap3A] {strides = array<i32>} : memref<128xf32, #tpu.memory_space<vmem>>, vector<16xf32>,
    %swap3A_11 = vector.shape_cast %swap3A_10 : vector<16xf32> to vector<16xf32>
    %swap3A_12 = vector.shape_cast %broadcast_in_dim3A_3 : vector<16xf32> to vector<16xf32>
    tpu.vector_store %arg6[%swap3A], %swap3A_12 {strides = array<i32>} : memref<128xf32, #tpu.memory_space<vmem>>, vector<16xf32>,
    %swap3A_13 = arith.constant 16 : index
    %swap3A_14 = tpu.vector_load %arg6[%swap3A_13] {strides = array<i32>} : memref<128xf32, #tpu.memory_space<vmem>>, vector<16xf32>,
    %swap3A_15 = vector.shape_cast %swap3A_14 : vector<16xf32> to vector<16xf32>
    %swap3A_16 = vector.shape_cast %broadcast_in_dim3A_3 : vector<16xf32> to vector<16xf32>
    tpu.vector_store %arg6[%swap3A_13], %swap3A_16 {strides = array<i32>} : memref<128xf32, #tpu.memory_space<vmem>>, vector<16xf32>,
    %swap3A_17 = arith.constant 32 : index
    %swap3A_18 = tpu.vector_load %arg6[%swap3A_17] {strides = array<i32>} : memref<128xf32, #tpu.memory_space<vmem>>, vector<16xf32>,
    %swap3A_19 = vector.shape_cast %swap3A_18 : vector<16xf32> to vector<16xf32>
    %swap3A_20 = vector.shape_cast %broadcast_in_dim3A_3 : vector<16xf32> to vector<16xf32>
    tpu.vector_store %arg6[%swap3A_17], %swap3A_20 {strides = array<i32>} : memref<128xf32, #tpu.memory_space<vmem>>, vector<16xf32>,
    %swap3A_21 = arith.constant 48 : index
    %swap3A_22 = tpu.vector_load %arg6[%swap3A_21] {strides = array<i32>} : memref<128xf32, #tpu.memory_space<vmem>>, vector<16xf32>,
    %swap3A_23 = vector.shape_cast %swap3A_22 : vector<16xf32> to vector<16xf32>
    %swap3A_24 = vector.shape_cast %broadcast_in_dim3A_3 : vector<16xf32> to vector<16xf32>
    tpu.vector_store %arg6[%swap3A_21], %swap3A_24 {strides = array<i32>} : memref<128xf32, #tpu.memory_space<vmem>>, vector<16xf32>,
    %swap3A_25 = arith.constant 64 : index
    %swap3A_26 = tpu.vector_load %arg6[%swap3A_25] {strides = array<i32>} : memref<128xf32, #tpu.memory_space<vmem>>, vector<16xf32>,
    %swap3A_27 = vector.shape_cast %swap3A_26 : vector<16xf32> to vector<16xf32>
    %swap3A_28 = vector.shape_cast %broadcast_in_dim3A_3 : vector<16xf32> to vector<16xf32>
    tpu.vector_store %arg6[%swap3A_25], %swap3A_28 {strides = array<i32>} : memref<128xf32, #tpu.memory_space<vmem>>, vector<16xf32>,
    %swap3A_29 = arith.constant 80 : index
    %swap3A_30 = tpu.vector_load %arg6[%swap3A_29] {strides = array<i32>} : memref<128xf32, #tpu.memory_space<vmem>>, vector<16xf32>,
    %swap3A_31 = vector.shape_cast %swap3A_30 : vector<16xf32> to vector<16xf32>
    %swap3A_32 = vector.shape_cast %broadcast_in_dim3A_3 : vector<16xf32> to vector<16xf32>
    tpu.vector_store %arg6[%swap3A_29], %swap3A_32 {strides = array<i32>} : memref<128xf32, #tpu.memory_space<vmem>>, vector<16xf32>,
    %swap3A_33 = arith.constant 96 : index
    %swap3A_34 = tpu.vector_load %arg6[%swap3A_33] {strides = array<i32>} : memref<128xf32, #tpu.memory_space<vmem>>, vector<16xf32>,
    %swap3A_35 = vector.shape_cast %swap3A_34 : vector<16xf32> to vector<16xf32>
    %swap3A_36 = vector.shape_cast %broadcast_in_dim3A_3 : vector<16xf32> to vector<16xf32>
    tpu.vector_store %arg6[%swap3A_33], %swap3A_36 {strides = array<i32>} : memref<128xf32, #tpu.memory_space<vmem>>, vector<16xf32>,
    %swap3A_37 = arith.constant 112 : index
    %swap3A_38 = tpu.vector_load %arg6[%swap3A_37] {strides = array<i32>} : memref<128xf32, #tpu.memory_space<vmem>>, vector<16xf32>,
    %swap3A_39 = vector.shape_cast %swap3A_38 : vector<16xf32> to vector<16xf32>
    %swap3A_40 = vector.shape_cast %broadcast_in_dim3A_3 : vector<16xf32> to vector<16xf32>
    tpu.vector_store %arg6[%swap3A_37], %swap3A_40 {strides = array<i32>} : memref<128xf32, #tpu.memory_space<vmem>>, vector<16xf32>,
    %mul3A_41 = arith.constant 640 : i32
    %mul3A_42 = arith.muli %arg1, %mul3A_41 : i32
    "tpu.region"() ({
      %run_scoped3A_191 = tpu.sem_alloc : memref<!tpu.dma_semaphore, #tpu.memory_space<semaphore_mem>>
      %dma_start3A = tpu.memref_slice %arg8[%mul3A_42] : memref<10240xf32, #tpu.memory_space<vmem_shared>> -> memref<640xf32, #tpu.memory_space<vmem_shared>>
      %dma_start3A_192 = tpu.memref_slice %arg8[%mul3A_42] : memref<10240xf32, #tpu.memory_space<vmem_shared>> -> memref<640xf32, #tpu.memory_space<vmem_shared>>
      tpu.enqueue_dma source(%arg7 : memref<640xf32, #tpu.memory_space<vmem>>) target(%dma_start3A_192 : memref<640xf32, #tpu.memory_space<vmem_shared>>) target_semaphore(%run_scoped3A_191 : memref<!tpu.dma_semaphore, #tpu.memory_space<semaphore_mem>>)
      %dma_wait3A_193 = tpu.memref_slice %arg8[%mul3A_42] : memref<10240xf32, #tpu.memory_space<vmem_shared>> -> memref<640xf32, #tpu.memory_space<vmem_shared>>
      %dma_wait3A_194 = tpu.memref_slice %arg8[%mul3A_42] : memref<10240xf32, #tpu.memory_space<vmem_shared>> -> memref<640xf32, #tpu.memory_space<vmem_shared>>
      tpu.wait_dma2 semaphore(%run_scoped3A_191 : memref<!tpu.dma_semaphore, #tpu.memory_space<semaphore_mem>>) src(%arg7 : memref<640xf32, #tpu.memory_space<vmem>>) dst(%dma_wait3A_194 : memref<640xf32, #tpu.memory_space<vmem_shared>>)
      tpu.yield
    }) : () -> ()
    %mul3A_43 = arith.constant 640 : i32
    %mul3A_44 = arith.muli %arg1, %mul3A_43 : i32
    "tpu.region"() ({
      %run_scoped3A_191 = tpu.sem_alloc : memref<!tpu.dma_semaphore, #tpu.memory_space<semaphore_mem>>
      %dma_start3A = tpu.memref_slice %arg9[%mul3A_44] : memref<10240xf32, #tpu.memory_space<vmem_shared>> -> memref<640xf32, #tpu.memory_space<vmem_shared>>
      %dma_start3A_192 = tpu.memref_slice %arg9[%mul3A_44] : memref<10240xf32, #tpu.memory_space<vmem_shared>> -> memref<640xf32, #tpu.memory_space<vmem_shared>>
      tpu.enqueue_dma source(%arg7 : memref<640xf32, #tpu.memory_space<vmem>>) target(%dma_start3A_192 : memref<640xf32, #tpu.memory_space<vmem_shared>>) target_semaphore(%run_scoped3A_191 : memref<!tpu.dma_semaphore, #tpu.memory_space<semaphore_mem>>)
      %dma_wait3A_193 = tpu.memref_slice %arg9[%mul3A_44] : memref<10240xf32, #tpu.memory_space<vmem_shared>> -> memref<640xf32, #tpu.memory_space<vmem_shared>>
      %dma_wait3A_194 = tpu.memref_slice %arg9[%mul3A_44] : memref<10240xf32, #tpu.memory_space<vmem_shared>> -> memref<640xf32, #tpu.memory_space<vmem_shared>>
      tpu.wait_dma2 semaphore(%run_scoped3A_191 : memref<!tpu.dma_semaphore, #tpu.memory_space<semaphore_mem>>) src(%arg7 : memref<640xf32, #tpu.memory_space<vmem>>) dst(%dma_wait3A_194 : memref<640xf32, #tpu.memory_space<vmem_shared>>)
      tpu.yield
    }) : () -> ()
    %barrier3A = arith.constant 0 : index
    tpu.barrier barrier_id(%barrier3A)
    %run_scoped3A = arith.constant 0 : i32
    "tpu.region"() ({
      %run_scoped3A_191 = tpu.sem_alloc : memref<!tpu.dma_semaphore, #tpu.memory_space<semaphore_mem>>
      %dma_start3A = arith.constant 0 : i32
      %dma_start3A_192 = arith.constant 0 : i32
      %dma_start3A_193 = tpu.memref_slice %arg2[%run_scoped3A, %add3A, %dma_start3A, %dma_start3A_192] : memref<2x32x80x125xi32, #tpu.memory_space<hbm>> -> memref<1x1x80x125xi32, #tpu.memory_space<hbm>>
      %dma_start3A_194 = tpu.memref_squeeze %dma_start3A_193 : memref<1x1x80x125xi32, #tpu.memory_space<hbm>> -> memref<80x125xi32, #tpu.memory_space<hbm>>
      %dma_start3A_195 = arith.constant 0 : i32
      %dma_start3A_196 = arith.constant 0 : i32
      %dma_start3A_197 = tpu.memref_slice %arg2[%run_scoped3A, %add3A, %dma_start3A_195, %dma_start3A_196] : memref<2x32x80x125xi32, #tpu.memory_space<hbm>> -> memref<1x1x80x125xi32, #tpu.memory_space<hbm>>
      %dma_start3A_198 = tpu.memref_squeeze %dma_start3A_197 : memref<1x1x80x125xi32, #tpu.memory_space<hbm>> -> memref<80x125xi32, #tpu.memory_space<hbm>>
      tpu.enqueue_dma source(%dma_start3A_198 : memref<80x125xi32, #tpu.memory_space<hbm>>) target(%arg4 : memref<80x125xi32, #tpu.memory_space<vmem>>) target_semaphore(%run_scoped3A_191 : memref<!tpu.dma_semaphore, #tpu.memory_space<semaphore_mem>>)
      %dma_wait3A_199 = arith.constant 0 : i32
      %dma_wait3A_200 = arith.constant 0 : i32
      %dma_wait3A_201 = tpu.memref_slice %arg2[%run_scoped3A, %add3A, %dma_wait3A_199, %dma_wait3A_200] : memref<2x32x80x125xi32, #tpu.memory_space<hbm>> -> memref<1x1x80x125xi32, #tpu.memory_space<hbm>>
      %dma_wait3A_202 = tpu.memref_squeeze %dma_wait3A_201 : memref<1x1x80x125xi32, #tpu.memory_space<hbm>> -> memref<80x125xi32, #tpu.memory_space<hbm>>
      %dma_wait3A_203 = arith.constant 0 : i32
      %dma_wait3A_204 = arith.constant 0 : i32
      %dma_wait3A_205 = tpu.memref_slice %arg2[%run_scoped3A, %add3A, %dma_wait3A_203, %dma_wait3A_204] : memref<2x32x80x125xi32, #tpu.memory_space<hbm>> -> memref<1x1x80x125xi32, #tpu.memory_space<hbm>>
      %dma_wait3A_206 = tpu.memref_squeeze %dma_wait3A_205 : memref<1x1x80x125xi32, #tpu.memory_space<hbm>> -> memref<80x125xi32, #tpu.memory_space<hbm>>
      tpu.wait_dma2 semaphore(%run_scoped3A_191 : memref<!tpu.dma_semaphore, #tpu.memory_space<semaphore_mem>>) src(%dma_wait3A_206 : memref<80x125xi32, #tpu.memory_space<hbm>>) dst(%arg4 : memref<80x125xi32, #tpu.memory_space<vmem>>)
      tpu.yield
    }) : () -> ()
    %run_scoped3A_45 = arith.constant 1 : i32
    "tpu.region"() ({
      %run_scoped3A_191 = tpu.sem_alloc : memref<!tpu.dma_semaphore, #tpu.memory_space<semaphore_mem>>
      %dma_start3A = arith.constant 0 : i32
      %dma_start3A_192 = arith.constant 0 : i32
      %dma_start3A_193 = tpu.memref_slice %arg2[%run_scoped3A_45, %add3A, %dma_start3A, %dma_start3A_192] : memref<2x32x80x125xi32, #tpu.memory_space<hbm>> -> memref<1x1x80x125xi32, #tpu.memory_space<hbm>>
      %dma_start3A_194 = tpu.memref_squeeze %dma_start3A_193 : memref<1x1x80x125xi32, #tpu.memory_space<hbm>> -> memref<80x125xi32, #tpu.memory_space<hbm>>
      %dma_start3A_195 = arith.constant 0 : i32
      %dma_start3A_196 = arith.constant 0 : i32
      %dma_start3A_197 = tpu.memref_slice %arg2[%run_scoped3A_45, %add3A, %dma_start3A_195, %dma_start3A_196] : memref<2x32x80x125xi32, #tpu.memory_space<hbm>> -> memref<1x1x80x125xi32, #tpu.memory_space<hbm>>
      %dma_start3A_198 = tpu.memref_squeeze %dma_start3A_197 : memref<1x1x80x125xi32, #tpu.memory_space<hbm>> -> memref<80x125xi32, #tpu.memory_space<hbm>>
      tpu.enqueue_dma source(%dma_start3A_198 : memref<80x125xi32, #tpu.memory_space<hbm>>) target(%arg5 : memref<80x125xi32, #tpu.memory_space<vmem>>) target_semaphore(%run_scoped3A_191 : memref<!tpu.dma_semaphore, #tpu.memory_space<semaphore_mem>>)
      %dma_wait3A_199 = arith.constant 0 : i32
      %dma_wait3A_200 = arith.constant 0 : i32
      %dma_wait3A_201 = tpu.memref_slice %arg2[%run_scoped3A_45, %add3A, %dma_wait3A_199, %dma_wait3A_200] : memref<2x32x80x125xi32, #tpu.memory_space<hbm>> -> memref<1x1x80x125xi32, #tpu.memory_space<hbm>>
      %dma_wait3A_202 = tpu.memref_squeeze %dma_wait3A_201 : memref<1x1x80x125xi32, #tpu.memory_space<hbm>> -> memref<80x125xi32, #tpu.memory_space<hbm>>
      %dma_wait3A_203 = arith.constant 0 : i32
      %dma_wait3A_204 = arith.constant 0 : i32
      %dma_wait3A_205 = tpu.memref_slice %arg2[%run_scoped3A_45, %add3A, %dma_wait3A_203, %dma_wait3A_204] : memref<2x32x80x125xi32, #tpu.memory_space<hbm>> -> memref<1x1x80x125xi32, #tpu.memory_space<hbm>>
      %dma_wait3A_206 = tpu.memref_squeeze %dma_wait3A_205 : memref<1x1x80x125xi32, #tpu.memory_space<hbm>> -> memref<80x125xi32, #tpu.memory_space<hbm>>
      tpu.wait_dma2 semaphore(%run_scoped3A_191 : memref<!tpu.dma_semaphore, #tpu.memory_space<semaphore_mem>>) src(%dma_wait3A_206 : memref<80x125xi32, #tpu.memory_space<hbm>>) dst(%arg5 : memref<80x125xi32, #tpu.memory_space<vmem>>)
      tpu.yield
    }) : () -> ()
    %scan3A_46 = arith.constant 0 : i32
    %scan3A_47 = arith.constant 0 : i32
    %scan3A_48 = arith.constant 80 : i32
    %scan3A_49 = arith.addi %scan3A_47, %scan3A_48 : i32
    %scan3A_50 = arith.constant 1 : i32
    %scan3A_51 = scf.for %scan3A_191 = %scan3A_47 to %scan3A_49 step %scan3A_50 iter_args(%scan3A_192 = %scan3A_46) -> (i32)  : i32 {
      %dma_start3A = arith.constant 0 : i32
      %dma_start3A_193 = tpu.memref_slice %arg6[%dma_start3A] : memref<128xf32, #tpu.memory_space<vmem>> -> memref<125xf32, #tpu.memory_space<vmem>>
      %dma_start3A_194 = arith.constant 0 : i32
      %dma_start3A_195 = tpu.memref_slice %arg4[%scan3A_191, %dma_start3A_194] : memref<80x125xi32, #tpu.memory_space<vmem>> -> memref<1x125xi32, #tpu.memory_space<vmem>>
      %dma_start3A_196 = tpu.memref_squeeze %dma_start3A_195 : memref<1x125xi32, #tpu.memory_space<vmem>> -> memref<125xi32, #tpu.memory_space<vmem>>
      %dma_start3A_197 = arith.constant 0 : i32
      %dma_start3A_198 = tpu.memref_slice %arg8[%dma_start3A_197] : memref<10240xf32, #tpu.memory_space<vmem_shared>> -> memref<10240xf32, #tpu.memory_space<vmem_shared>>
      tpu.enqueue_indirect_dma source(%dma_start3A_193 : memref<125xf32, #tpu.memory_space<vmem>>) target(%dma_start3A_198 : memref<10240xf32, #tpu.memory_space<vmem_shared>>) offsets(%dma_start3A_196 : memref<125xi32, #tpu.memory_space<vmem>>) semaphore(%arg10 : memref<!tpu.dma_semaphore, #tpu.memory_space<semaphore_mem>>) {add = true}
      %dma_start3A_199 = arith.constant 0 : i32
      %dma_start3A_200 = tpu.memref_slice %arg6[%dma_start3A_199] : memref<128xf32, #tpu.memory_space<vmem>> -> memref<125xf32, #tpu.memory_space<vmem>>
      %dma_start3A_201 = arith.constant 0 : i32
      %dma_start3A_202 = tpu.memref_slice %arg5[%scan3A_191, %dma_start3A_201] : memref<80x125xi32, #tpu.memory_space<vmem>> -> memref<1x125xi32, #tpu.memory_space<vmem>>
      %dma_start3A_203 = tpu.memref_squeeze %dma_start3A_202 : memref<1x125xi32, #tpu.memory_space<vmem>> -> memref<125xi32, #tpu.memory_space<vmem>>
      %dma_start3A_204 = arith.constant 0 : i32
      %dma_start3A_205 = tpu.memref_slice %arg9[%dma_start3A_204] : memref<10240xf32, #tpu.memory_space<vmem_shared>> -> memref<10240xf32, #tpu.memory_space<vmem_shared>>
      tpu.enqueue_indirect_dma source(%dma_start3A_200 : memref<125xf32, #tpu.memory_space<vmem>>) target(%dma_start3A_205 : memref<10240xf32, #tpu.memory_space<vmem_shared>>) offsets(%dma_start3A_203 : memref<125xi32, #tpu.memory_space<vmem>>) semaphore(%arg11 : memref<!tpu.dma_semaphore, #tpu.memory_space<semaphore_mem>>) {add = true}
      %ge3A = arith.constant 8 : i32
      %ge3A_206 = arith.cmpi sge, %scan3A_191, %ge3A : i32
      %convert_element_type3A = arith.extui %ge3A_206 : i1 to i32
      %cond3A = arith.constant 0 : i32
      %cond3A_207 = arith.cmpi ne, %convert_element_type3A, %cond3A : i32
      scf.if %cond3A_207 {
        %sub3A = arith.constant 8 : i32
        %sub3A_209 = arith.subi %scan3A_191, %sub3A : i32
        %dma_wait3A_210 = arith.constant 0 : i32
        %dma_wait3A_211 = tpu.memref_slice %arg6[%dma_wait3A_210] : memref<128xf32, #tpu.memory_space<vmem>> -> memref<125xf32, #tpu.memory_space<vmem>>
        %dma_wait3A_212 = arith.constant 0 : i32
        %dma_wait3A_213 = tpu.memref_slice %arg4[%sub3A_209, %dma_wait3A_212] : memref<80x125xi32, #tpu.memory_space<vmem>> -> memref<1x125xi32, #tpu.memory_space<vmem>>
        %dma_wait3A_214 = tpu.memref_squeeze %dma_wait3A_213 : memref<1x125xi32, #tpu.memory_space<vmem>> -> memref<125xi32, #tpu.memory_space<vmem>>
        %dma_wait3A_215 = arith.constant 0 : i32
        %dma_wait3A_216 = tpu.memref_slice %arg8[%dma_wait3A_215] : memref<10240xf32, #tpu.memory_space<vmem_shared>> -> memref<10240xf32, #tpu.memory_space<vmem_shared>>
        tpu.wait_indirect_dma semaphore(%arg10 : memref<!tpu.dma_semaphore, #tpu.memory_space<semaphore_mem>>) src(%dma_wait3A_211 : memref<125xf32, #tpu.memory_space<vmem>>) dst(%dma_wait3A_216 : memref<10240xf32, #tpu.memory_space<vmem_shared>>)
        %sub3A_217 = arith.constant 8 : i32
        %sub3A_218 = arith.subi %scan3A_191, %sub3A_217 : i32
        %dma_wait3A_219 = arith.constant 0 : i32
        %dma_wait3A_220 = tpu.memref_slice %arg6[%dma_wait3A_219] : memref<128xf32, #tpu.memory_space<vmem>> -> memref<125xf32, #tpu.memory_space<vmem>>
        %dma_wait3A_221 = arith.constant 0 : i32
        %dma_wait3A_222 = tpu.memref_slice %arg5[%sub3A_218, %dma_wait3A_221] : memref<80x125xi32, #tpu.memory_space<vmem>> -> memref<1x125xi32, #tpu.memory_space<vmem>>
        %dma_wait3A_223 = tpu.memref_squeeze %dma_wait3A_222 : memref<1x125xi32, #tpu.memory_space<vmem>> -> memref<125xi32, #tpu.memory_space<vmem>>
        %dma_wait3A_224 = arith.constant 0 : i32
        %dma_wait3A_225 = tpu.memref_slice %arg9[%dma_wait3A_224] : memref<10240xf32, #tpu.memory_space<vmem_shared>> -> memref<10240xf32, #tpu.memory_space<vmem_shared>>
        tpu.wait_indirect_dma semaphore(%arg11 : memref<!tpu.dma_semaphore, #tpu.memory_space<semaphore_mem>>) src(%dma_wait3A_220 : memref<125xf32, #tpu.memory_space<vmem>>) dst(%dma_wait3A_225 : memref<10240xf32, #tpu.memory_space<vmem_shared>>)
      } else {
      }
      %scan3A_208 = arith.constant 0 : i32
      scf.yield %scan3A_208 : i32
    }
    %scan3A_52 = arith.constant 80 : i32
    %dma_wait3A = arith.constant 72 : i32
    %dma_wait3A_53 = arith.constant 0 : i32
    %dma_wait3A_54 = tpu.memref_slice %arg6[%dma_wait3A_53] : memref<128xf32, #tpu.memory_space<vmem>> -> memref<125xf32, #tpu.memory_space<vmem>>
    %dma_wait3A_55 = arith.constant 0 : i32
    %dma_wait3A_56 = tpu.memref_slice %arg4[%dma_wait3A, %dma_wait3A_55] : memref<80x125xi32, #tpu.memory_space<vmem>> -> memref<1x125xi32, #tpu.memory_space<vmem>>
    %dma_wait3A_57 = tpu.memref_squeeze %dma_wait3A_56 : memref<1x125xi32, #tpu.memory_space<vmem>> -> memref<125xi32, #tpu.memory_space<vmem>>
    %dma_wait3A_58 = arith.constant 0 : i32
    %dma_wait3A_59 = tpu.memref_slice %arg8[%dma_wait3A_58] : memref<10240xf32, #tpu.memory_space<vmem_shared>> -> memref<10240xf32, #tpu.memory_space<vmem_shared>>
    tpu.wait_indirect_dma semaphore(%arg10 : memref<!tpu.dma_semaphore, #tpu.memory_space<semaphore_mem>>) src(%dma_wait3A_54 : memref<125xf32, #tpu.memory_space<vmem>>) dst(%dma_wait3A_59 : memref<10240xf32, #tpu.memory_space<vmem_shared>>)
    %dma_wait3A_60 = arith.constant 72 : i32
    %dma_wait3A_61 = arith.constant 0 : i32
    %dma_wait3A_62 = tpu.memref_slice %arg6[%dma_wait3A_61] : memref<128xf32, #tpu.memory_space<vmem>> -> memref<125xf32, #tpu.memory_space<vmem>>
    %dma_wait3A_63 = arith.constant 0 : i32
    %dma_wait3A_64 = tpu.memref_slice %arg5[%dma_wait3A_60, %dma_wait3A_63] : memref<80x125xi32, #tpu.memory_space<vmem>> -> memref<1x125xi32, #tpu.memory_space<vmem>>
    %dma_wait3A_65 = tpu.memref_squeeze %dma_wait3A_64 : memref<1x125xi32, #tpu.memory_space<vmem>> -> memref<125xi32, #tpu.memory_space<vmem>>
    %dma_wait3A_66 = arith.constant 0 : i32
    %dma_wait3A_67 = tpu.memref_slice %arg9[%dma_wait3A_66] : memref<10240xf32, #tpu.memory_space<vmem_shared>> -> memref<10240xf32, #tpu.memory_space<vmem_shared>>
    tpu.wait_indirect_dma semaphore(%arg11 : memref<!tpu.dma_semaphore, #tpu.memory_space<semaphore_mem>>) src(%dma_wait3A_62 : memref<125xf32, #tpu.memory_space<vmem>>) dst(%dma_wait3A_67 : memref<10240xf32, #tpu.memory_space<vmem_shared>>)
    %dma_wait3A_68 = arith.constant 73 : i32
    %dma_wait3A_69 = arith.constant 0 : i32
    %dma_wait3A_70 = tpu.memref_slice %arg6[%dma_wait3A_69] : memref<128xf32, #tpu.memory_space<vmem>> -> memref<125xf32, #tpu.memory_space<vmem>>
    %dma_wait3A_71 = arith.constant 0 : i32
    %dma_wait3A_72 = tpu.memref_slice %arg4[%dma_wait3A_68, %dma_wait3A_71] : memref<80x125xi32, #tpu.memory_space<vmem>> -> memref<1x125xi32, #tpu.memory_space<vmem>>
    %dma_wait3A_73 = tpu.memref_squeeze %dma_wait3A_72 : memref<1x125xi32, #tpu.memory_space<vmem>> -> memref<125xi32, #tpu.memory_space<vmem>>
    %dma_wait3A_74 = arith.constant 0 : i32
    %dma_wait3A_75 = tpu.memref_slice %arg8[%dma_wait3A_74] : memref<10240xf32, #tpu.memory_space<vmem_shared>> -> memref<10240xf32, #tpu.memory_space<vmem_shared>>
    tpu.wait_indirect_dma semaphore(%arg10 : memref<!tpu.dma_semaphore, #tpu.memory_space<semaphore_mem>>) src(%dma_wait3A_70 : memref<125xf32, #tpu.memory_space<vmem>>) dst(%dma_wait3A_75 : memref<10240xf32, #tpu.memory_space<vmem_shared>>)
    %dma_wait3A_76 = arith.constant 73 : i32
    %dma_wait3A_77 = arith.constant 0 : i32
    %dma_wait3A_78 = tpu.memref_slice %arg6[%dma_wait3A_77] : memref<128xf32, #tpu.memory_space<vmem>> -> memref<125xf32, #tpu.memory_space<vmem>>
    %dma_wait3A_79 = arith.constant 0 : i32
    %dma_wait3A_80 = tpu.memref_slice %arg5[%dma_wait3A_76, %dma_wait3A_79] : memref<80x125xi32, #tpu.memory_space<vmem>> -> memref<1x125xi32, #tpu.memory_space<vmem>>
    %dma_wait3A_81 = tpu.memref_squeeze %dma_wait3A_80 : memref<1x125xi32, #tpu.memory_space<vmem>> -> memref<125xi32, #tpu.memory_space<vmem>>
    %dma_wait3A_82 = arith.constant 0 : i32
    %dma_wait3A_83 = tpu.memref_slice %arg9[%dma_wait3A_82] : memref<10240xf32, #tpu.memory_space<vmem_shared>> -> memref<10240xf32, #tpu.memory_space<vmem_shared>>
    tpu.wait_indirect_dma semaphore(%arg11 : memref<!tpu.dma_semaphore, #tpu.memory_space<semaphore_mem>>) src(%dma_wait3A_78 : memref<125xf32, #tpu.memory_space<vmem>>) dst(%dma_wait3A_83 : memref<10240xf32, #tpu.memory_space<vmem_shared>>)
    %dma_wait3A_84 = arith.constant 74 : i32
    %dma_wait3A_85 = arith.constant 0 : i32
    %dma_wait3A_86 = tpu.memref_slice %arg6[%dma_wait3A_85] : memref<128xf32, #tpu.memory_space<vmem>> -> memref<125xf32, #tpu.memory_space<vmem>>
    %dma_wait3A_87 = arith.constant 0 : i32
    %dma_wait3A_88 = tpu.memref_slice %arg4[%dma_wait3A_84, %dma_wait3A_87] : memref<80x125xi32, #tpu.memory_space<vmem>> -> memref<1x125xi32, #tpu.memory_space<vmem>>
    %dma_wait3A_89 = tpu.memref_squeeze %dma_wait3A_88 : memref<1x125xi32, #tpu.memory_space<vmem>> -> memref<125xi32, #tpu.memory_space<vmem>>
    %dma_wait3A_90 = arith.constant 0 : i32
    %dma_wait3A_91 = tpu.memref_slice %arg8[%dma_wait3A_90] : memref<10240xf32, #tpu.memory_space<vmem_shared>> -> memref<10240xf32, #tpu.memory_space<vmem_shared>>
    tpu.wait_indirect_dma semaphore(%arg10 : memref<!tpu.dma_semaphore, #tpu.memory_space<semaphore_mem>>) src(%dma_wait3A_86 : memref<125xf32, #tpu.memory_space<vmem>>) dst(%dma_wait3A_91 : memref<10240xf32, #tpu.memory_space<vmem_shared>>)
    %dma_wait3A_92 = arith.constant 74 : i32
    %dma_wait3A_93 = arith.constant 0 : i32
    %dma_wait3A_94 = tpu.memref_slice %arg6[%dma_wait3A_93] : memref<128xf32, #tpu.memory_space<vmem>> -> memref<125xf32, #tpu.memory_space<vmem>>
    %dma_wait3A_95 = arith.constant 0 : i32
    %dma_wait3A_96 = tpu.memref_slice %arg5[%dma_wait3A_92, %dma_wait3A_95] : memref<80x125xi32, #tpu.memory_space<vmem>> -> memref<1x125xi32, #tpu.memory_space<vmem>>
    %dma_wait3A_97 = tpu.memref_squeeze %dma_wait3A_96 : memref<1x125xi32, #tpu.memory_space<vmem>> -> memref<125xi32, #tpu.memory_space<vmem>>
    %dma_wait3A_98 = arith.constant 0 : i32
    %dma_wait3A_99 = tpu.memref_slice %arg9[%dma_wait3A_98] : memref<10240xf32, #tpu.memory_space<vmem_shared>> -> memref<10240xf32, #tpu.memory_space<vmem_shared>>
    tpu.wait_indirect_dma semaphore(%arg11 : memref<!tpu.dma_semaphore, #tpu.memory_space<semaphore_mem>>) src(%dma_wait3A_94 : memref<125xf32, #tpu.memory_space<vmem>>) dst(%dma_wait3A_99 : memref<10240xf32, #tpu.memory_space<vmem_shared>>)
    %dma_wait3A_100 = arith.constant 75 : i32
    %dma_wait3A_101 = arith.constant 0 : i32
    %dma_wait3A_102 = tpu.memref_slice %arg6[%dma_wait3A_101] : memref<128xf32, #tpu.memory_space<vmem>> -> memref<125xf32, #tpu.memory_space<vmem>>
    %dma_wait3A_103 = arith.constant 0 : i32
    %dma_wait3A_104 = tpu.memref_slice %arg4[%dma_wait3A_100, %dma_wait3A_103] : memref<80x125xi32, #tpu.memory_space<vmem>> -> memref<1x125xi32, #tpu.memory_space<vmem>>
    %dma_wait3A_105 = tpu.memref_squeeze %dma_wait3A_104 : memref<1x125xi32, #tpu.memory_space<vmem>> -> memref<125xi32, #tpu.memory_space<vmem>>
    %dma_wait3A_106 = arith.constant 0 : i32
    %dma_wait3A_107 = tpu.memref_slice %arg8[%dma_wait3A_106] : memref<10240xf32, #tpu.memory_space<vmem_shared>> -> memref<10240xf32, #tpu.memory_space<vmem_shared>>
    tpu.wait_indirect_dma semaphore(%arg10 : memref<!tpu.dma_semaphore, #tpu.memory_space<semaphore_mem>>) src(%dma_wait3A_102 : memref<125xf32, #tpu.memory_space<vmem>>) dst(%dma_wait3A_107 : memref<10240xf32, #tpu.memory_space<vmem_shared>>)
    %dma_wait3A_108 = arith.constant 75 : i32
    %dma_wait3A_109 = arith.constant 0 : i32
    %dma_wait3A_110 = tpu.memref_slice %arg6[%dma_wait3A_109] : memref<128xf32, #tpu.memory_space<vmem>> -> memref<125xf32, #tpu.memory_space<vmem>>
    %dma_wait3A_111 = arith.constant 0 : i32
    %dma_wait3A_112 = tpu.memref_slice %arg5[%dma_wait3A_108, %dma_wait3A_111] : memref<80x125xi32, #tpu.memory_space<vmem>> -> memref<1x125xi32, #tpu.memory_space<vmem>>
    %dma_wait3A_113 = tpu.memref_squeeze %dma_wait3A_112 : memref<1x125xi32, #tpu.memory_space<vmem>> -> memref<125xi32, #tpu.memory_space<vmem>>
    %dma_wait3A_114 = arith.constant 0 : i32
    %dma_wait3A_115 = tpu.memref_slice %arg9[%dma_wait3A_114] : memref<10240xf32, #tpu.memory_space<vmem_shared>> -> memref<10240xf32, #tpu.memory_space<vmem_shared>>
    tpu.wait_indirect_dma semaphore(%arg11 : memref<!tpu.dma_semaphore, #tpu.memory_space<semaphore_mem>>) src(%dma_wait3A_110 : memref<125xf32, #tpu.memory_space<vmem>>) dst(%dma_wait3A_115 : memref<10240xf32, #tpu.memory_space<vmem_shared>>)
    %dma_wait3A_116 = arith.constant 76 : i32
    %dma_wait3A_117 = arith.constant 0 : i32
    %dma_wait3A_118 = tpu.memref_slice %arg6[%dma_wait3A_117] : memref<128xf32, #tpu.memory_space<vmem>> -> memref<125xf32, #tpu.memory_space<vmem>>
    %dma_wait3A_119 = arith.constant 0 : i32
    %dma_wait3A_120 = tpu.memref_slice %arg4[%dma_wait3A_116, %dma_wait3A_119] : memref<80x125xi32, #tpu.memory_space<vmem>> -> memref<1x125xi32, #tpu.memory_space<vmem>>
    %dma_wait3A_121 = tpu.memref_squeeze %dma_wait3A_120 : memref<1x125xi32, #tpu.memory_space<vmem>> -> memref<125xi32, #tpu.memory_space<vmem>>
    %dma_wait3A_122 = arith.constant 0 : i32
    %dma_wait3A_123 = tpu.memref_slice %arg8[%dma_wait3A_122] : memref<10240xf32, #tpu.memory_space<vmem_shared>> -> memref<10240xf32, #tpu.memory_space<vmem_shared>>
    tpu.wait_indirect_dma semaphore(%arg10 : memref<!tpu.dma_semaphore, #tpu.memory_space<semaphore_mem>>) src(%dma_wait3A_118 : memref<125xf32, #tpu.memory_space<vmem>>) dst(%dma_wait3A_123 : memref<10240xf32, #tpu.memory_space<vmem_shared>>)
    %dma_wait3A_124 = arith.constant 76 : i32
    %dma_wait3A_125 = arith.constant 0 : i32
    %dma_wait3A_126 = tpu.memref_slice %arg6[%dma_wait3A_125] : memref<128xf32, #tpu.memory_space<vmem>> -> memref<125xf32, #tpu.memory_space<vmem>>
    %dma_wait3A_127 = arith.constant 0 : i32
    %dma_wait3A_128 = tpu.memref_slice %arg5[%dma_wait3A_124, %dma_wait3A_127] : memref<80x125xi32, #tpu.memory_space<vmem>> -> memref<1x125xi32, #tpu.memory_space<vmem>>
    %dma_wait3A_129 = tpu.memref_squeeze %dma_wait3A_128 : memref<1x125xi32, #tpu.memory_space<vmem>> -> memref<125xi32, #tpu.memory_space<vmem>>
    %dma_wait3A_130 = arith.constant 0 : i32
    %dma_wait3A_131 = tpu.memref_slice %arg9[%dma_wait3A_130] : memref<10240xf32, #tpu.memory_space<vmem_shared>> -> memref<10240xf32, #tpu.memory_space<vmem_shared>>
    tpu.wait_indirect_dma semaphore(%arg11 : memref<!tpu.dma_semaphore, #tpu.memory_space<semaphore_mem>>) src(%dma_wait3A_126 : memref<125xf32, #tpu.memory_space<vmem>>) dst(%dma_wait3A_131 : memref<10240xf32, #tpu.memory_space<vmem_shared>>)
    %dma_wait3A_132 = arith.constant 77 : i32
    %dma_wait3A_133 = arith.constant 0 : i32
    %dma_wait3A_134 = tpu.memref_slice %arg6[%dma_wait3A_133] : memref<128xf32, #tpu.memory_space<vmem>> -> memref<125xf32, #tpu.memory_space<vmem>>
    %dma_wait3A_135 = arith.constant 0 : i32
    %dma_wait3A_136 = tpu.memref_slice %arg4[%dma_wait3A_132, %dma_wait3A_135] : memref<80x125xi32, #tpu.memory_space<vmem>> -> memref<1x125xi32, #tpu.memory_space<vmem>>
    %dma_wait3A_137 = tpu.memref_squeeze %dma_wait3A_136 : memref<1x125xi32, #tpu.memory_space<vmem>> -> memref<125xi32, #tpu.memory_space<vmem>>
    %dma_wait3A_138 = arith.constant 0 : i32
    %dma_wait3A_139 = tpu.memref_slice %arg8[%dma_wait3A_138] : memref<10240xf32, #tpu.memory_space<vmem_shared>> -> memref<10240xf32, #tpu.memory_space<vmem_shared>>
    tpu.wait_indirect_dma semaphore(%arg10 : memref<!tpu.dma_semaphore, #tpu.memory_space<semaphore_mem>>) src(%dma_wait3A_134 : memref<125xf32, #tpu.memory_space<vmem>>) dst(%dma_wait3A_139 : memref<10240xf32, #tpu.memory_space<vmem_shared>>)
    %dma_wait3A_140 = arith.constant 77 : i32
    %dma_wait3A_141 = arith.constant 0 : i32
    %dma_wait3A_142 = tpu.memref_slice %arg6[%dma_wait3A_141] : memref<128xf32, #tpu.memory_space<vmem>> -> memref<125xf32, #tpu.memory_space<vmem>>
    %dma_wait3A_143 = arith.constant 0 : i32
    %dma_wait3A_144 = tpu.memref_slice %arg5[%dma_wait3A_140, %dma_wait3A_143] : memref<80x125xi32, #tpu.memory_space<vmem>> -> memref<1x125xi32, #tpu.memory_space<vmem>>
    %dma_wait3A_145 = tpu.memref_squeeze %dma_wait3A_144 : memref<1x125xi32, #tpu.memory_space<vmem>> -> memref<125xi32, #tpu.memory_space<vmem>>
    %dma_wait3A_146 = arith.constant 0 : i32
    %dma_wait3A_147 = tpu.memref_slice %arg9[%dma_wait3A_146] : memref<10240xf32, #tpu.memory_space<vmem_shared>> -> memref<10240xf32, #tpu.memory_space<vmem_shared>>
    tpu.wait_indirect_dma semaphore(%arg11 : memref<!tpu.dma_semaphore, #tpu.memory_space<semaphore_mem>>) src(%dma_wait3A_142 : memref<125xf32, #tpu.memory_space<vmem>>) dst(%dma_wait3A_147 : memref<10240xf32, #tpu.memory_space<vmem_shared>>)
    %dma_wait3A_148 = arith.constant 78 : i32
    %dma_wait3A_149 = arith.constant 0 : i32
    %dma_wait3A_150 = tpu.memref_slice %arg6[%dma_wait3A_149] : memref<128xf32, #tpu.memory_space<vmem>> -> memref<125xf32, #tpu.memory_space<vmem>>
    %dma_wait3A_151 = arith.constant 0 : i32
    %dma_wait3A_152 = tpu.memref_slice %arg4[%dma_wait3A_148, %dma_wait3A_151] : memref<80x125xi32, #tpu.memory_space<vmem>> -> memref<1x125xi32, #tpu.memory_space<vmem>>
    %dma_wait3A_153 = tpu.memref_squeeze %dma_wait3A_152 : memref<1x125xi32, #tpu.memory_space<vmem>> -> memref<125xi32, #tpu.memory_space<vmem>>
    %dma_wait3A_154 = arith.constant 0 : i32
    %dma_wait3A_155 = tpu.memref_slice %arg8[%dma_wait3A_154] : memref<10240xf32, #tpu.memory_space<vmem_shared>> -> memref<10240xf32, #tpu.memory_space<vmem_shared>>
    tpu.wait_indirect_dma semaphore(%arg10 : memref<!tpu.dma_semaphore, #tpu.memory_space<semaphore_mem>>) src(%dma_wait3A_150 : memref<125xf32, #tpu.memory_space<vmem>>) dst(%dma_wait3A_155 : memref<10240xf32, #tpu.memory_space<vmem_shared>>)
    %dma_wait3A_156 = arith.constant 78 : i32
    %dma_wait3A_157 = arith.constant 0 : i32
    %dma_wait3A_158 = tpu.memref_slice %arg6[%dma_wait3A_157] : memref<128xf32, #tpu.memory_space<vmem>> -> memref<125xf32, #tpu.memory_space<vmem>>
    %dma_wait3A_159 = arith.constant 0 : i32
    %dma_wait3A_160 = tpu.memref_slice %arg5[%dma_wait3A_156, %dma_wait3A_159] : memref<80x125xi32, #tpu.memory_space<vmem>> -> memref<1x125xi32, #tpu.memory_space<vmem>>
    %dma_wait3A_161 = tpu.memref_squeeze %dma_wait3A_160 : memref<1x125xi32, #tpu.memory_space<vmem>> -> memref<125xi32, #tpu.memory_space<vmem>>
    %dma_wait3A_162 = arith.constant 0 : i32
    %dma_wait3A_163 = tpu.memref_slice %arg9[%dma_wait3A_162] : memref<10240xf32, #tpu.memory_space<vmem_shared>> -> memref<10240xf32, #tpu.memory_space<vmem_shared>>
    tpu.wait_indirect_dma semaphore(%arg11 : memref<!tpu.dma_semaphore, #tpu.memory_space<semaphore_mem>>) src(%dma_wait3A_158 : memref<125xf32, #tpu.memory_space<vmem>>) dst(%dma_wait3A_163 : memref<10240xf32, #tpu.memory_space<vmem_shared>>)
    %dma_wait3A_164 = arith.constant 79 : i32
    %dma_wait3A_165 = arith.constant 0 : i32
    %dma_wait3A_166 = tpu.memref_slice %arg6[%dma_wait3A_165] : memref<128xf32, #tpu.memory_space<vmem>> -> memref<125xf32, #tpu.memory_space<vmem>>
    %dma_wait3A_167 = arith.constant 0 : i32
    %dma_wait3A_168 = tpu.memref_slice %arg4[%dma_wait3A_164, %dma_wait3A_167] : memref<80x125xi32, #tpu.memory_space<vmem>> -> memref<1x125xi32, #tpu.memory_space<vmem>>
    %dma_wait3A_169 = tpu.memref_squeeze %dma_wait3A_168 : memref<1x125xi32, #tpu.memory_space<vmem>> -> memref<125xi32, #tpu.memory_space<vmem>>
    %dma_wait3A_170 = arith.constant 0 : i32
    %dma_wait3A_171 = tpu.memref_slice %arg8[%dma_wait3A_170] : memref<10240xf32, #tpu.memory_space<vmem_shared>> -> memref<10240xf32, #tpu.memory_space<vmem_shared>>
    tpu.wait_indirect_dma semaphore(%arg10 : memref<!tpu.dma_semaphore, #tpu.memory_space<semaphore_mem>>) src(%dma_wait3A_166 : memref<125xf32, #tpu.memory_space<vmem>>) dst(%dma_wait3A_171 : memref<10240xf32, #tpu.memory_space<vmem_shared>>)
    %dma_wait3A_172 = arith.constant 79 : i32
    %dma_wait3A_173 = arith.constant 0 : i32
    %dma_wait3A_174 = tpu.memref_slice %arg6[%dma_wait3A_173] : memref<128xf32, #tpu.memory_space<vmem>> -> memref<125xf32, #tpu.memory_space<vmem>>
    %dma_wait3A_175 = arith.constant 0 : i32
    %dma_wait3A_176 = tpu.memref_slice %arg5[%dma_wait3A_172, %dma_wait3A_175] : memref<80x125xi32, #tpu.memory_space<vmem>> -> memref<1x125xi32, #tpu.memory_space<vmem>>
    %dma_wait3A_177 = tpu.memref_squeeze %dma_wait3A_176 : memref<1x125xi32, #tpu.memory_space<vmem>> -> memref<125xi32, #tpu.memory_space<vmem>>
    %dma_wait3A_178 = arith.constant 0 : i32
    %dma_wait3A_179 = tpu.memref_slice %arg9[%dma_wait3A_178] : memref<10240xf32, #tpu.memory_space<vmem_shared>> -> memref<10240xf32, #tpu.memory_space<vmem_shared>>
    tpu.wait_indirect_dma semaphore(%arg11 : memref<!tpu.dma_semaphore, #tpu.memory_space<semaphore_mem>>) src(%dma_wait3A_174 : memref<125xf32, #tpu.memory_space<vmem>>) dst(%dma_wait3A_179 : memref<10240xf32, #tpu.memory_space<vmem_shared>>)
    %barrier3A_180 = arith.constant 0 : index
    tpu.barrier barrier_id(%barrier3A_180)
    %mul3A_181 = arith.constant 640 : i32
    %mul3A_182 = arith.muli %arg1, %mul3A_181 : i32
    "tpu.region"() ({
      %run_scoped3A_191 = tpu.sem_alloc : memref<!tpu.dma_semaphore, #tpu.memory_space<semaphore_mem>>
      %dma_start3A = tpu.memref_slice %arg8[%mul3A_182] : memref<10240xf32, #tpu.memory_space<vmem_shared>> -> memref<640xf32, #tpu.memory_space<vmem_shared>>
      %dma_start3A_192 = tpu.memref_slice %arg8[%mul3A_182] : memref<10240xf32, #tpu.memory_space<vmem_shared>> -> memref<640xf32, #tpu.memory_space<vmem_shared>>
      tpu.enqueue_dma source(%dma_start3A_192 : memref<640xf32, #tpu.memory_space<vmem_shared>>) target(%arg7 : memref<640xf32, #tpu.memory_space<vmem>>) target_semaphore(%run_scoped3A_191 : memref<!tpu.dma_semaphore, #tpu.memory_space<semaphore_mem>>)
      %dma_wait3A_193 = tpu.memref_slice %arg8[%mul3A_182] : memref<10240xf32, #tpu.memory_space<vmem_shared>> -> memref<640xf32, #tpu.memory_space<vmem_shared>>
      %dma_wait3A_194 = tpu.memref_slice %arg8[%mul3A_182] : memref<10240xf32, #tpu.memory_space<vmem_shared>> -> memref<640xf32, #tpu.memory_space<vmem_shared>>
      tpu.wait_dma2 semaphore(%run_scoped3A_191 : memref<!tpu.dma_semaphore, #tpu.memory_space<semaphore_mem>>) src(%dma_wait3A_194 : memref<640xf32, #tpu.memory_space<vmem_shared>>) dst(%arg7 : memref<640xf32, #tpu.memory_space<vmem>>)
      tpu.yield
    }) : () -> ()
    %mul3A_183 = arith.constant 640 : i32
    %mul3A_184 = arith.muli %arg1, %mul3A_183 : i32
    %run_scoped3A_185 = arith.constant 0 : i32
    "tpu.region"() ({
      %run_scoped3A_191 = tpu.sem_alloc : memref<!tpu.dma_semaphore, #tpu.memory_space<semaphore_mem>>
      %dma_start3A = tpu.memref_slice %arg3[%arg0, %run_scoped3A_185, %mul3A_184] : memref<2x2x10240xf32, #tpu.memory_space<hbm>> -> memref<1x1x640xf32, #tpu.memory_space<hbm>>
      %dma_start3A_192 = tpu.memref_squeeze %dma_start3A : memref<1x1x640xf32, #tpu.memory_space<hbm>> -> memref<640xf32, #tpu.memory_space<hbm>>
      %dma_start3A_193 = tpu.memref_slice %arg3[%arg0, %run_scoped3A_185, %mul3A_184] : memref<2x2x10240xf32, #tpu.memory_space<hbm>> -> memref<1x1x640xf32, #tpu.memory_space<hbm>>
      %dma_start3A_194 = tpu.memref_squeeze %dma_start3A_193 : memref<1x1x640xf32, #tpu.memory_space<hbm>> -> memref<640xf32, #tpu.memory_space<hbm>>
      tpu.enqueue_dma source(%arg7 : memref<640xf32, #tpu.memory_space<vmem>>) target(%dma_start3A_194 : memref<640xf32, #tpu.memory_space<hbm>>) target_semaphore(%run_scoped3A_191 : memref<!tpu.dma_semaphore, #tpu.memory_space<semaphore_mem>>)
      %dma_wait3A_195 = tpu.memref_slice %arg3[%arg0, %run_scoped3A_185, %mul3A_184] : memref<2x2x10240xf32, #tpu.memory_space<hbm>> -> memref<1x1x640xf32, #tpu.memory_space<hbm>>
      %dma_wait3A_196 = tpu.memref_squeeze %dma_wait3A_195 : memref<1x1x640xf32, #tpu.memory_space<hbm>> -> memref<640xf32, #tpu.memory_space<hbm>>
      %dma_wait3A_197 = tpu.memref_slice %arg3[%arg0, %run_scoped3A_185, %mul3A_184] : memref<2x2x10240xf32, #tpu.memory_space<hbm>> -> memref<1x1x640xf32, #tpu.memory_space<hbm>>
      %dma_wait3A_198 = tpu.memref_squeeze %dma_wait3A_197 : memref<1x1x640xf32, #tpu.memory_space<hbm>> -> memref<640xf32, #tpu.memory_space<hbm>>
      tpu.wait_dma2 semaphore(%run_scoped3A_191 : memref<!tpu.dma_semaphore, #tpu.memory_space<semaphore_mem>>) src(%arg7 : memref<640xf32, #tpu.memory_space<vmem>>) dst(%dma_wait3A_198 : memref<640xf32, #tpu.memory_space<hbm>>)
      tpu.yield
    }) : () -> ()
    %mul3A_186 = arith.constant 640 : i32
    %mul3A_187 = arith.muli %arg1, %mul3A_186 : i32
    "tpu.region"() ({
      %run_scoped3A_191 = tpu.sem_alloc : memref<!tpu.dma_semaphore, #tpu.memory_space<semaphore_mem>>
      %dma_start3A = tpu.memref_slice %arg9[%mul3A_187] : memref<10240xf32, #tpu.memory_space<vmem_shared>> -> memref<640xf32, #tpu.memory_space<vmem_shared>>
      %dma_start3A_192 = tpu.memref_slice %arg9[%mul3A_187] : memref<10240xf32, #tpu.memory_space<vmem_shared>> -> memref<640xf32, #tpu.memory_space<vmem_shared>>
      tpu.enqueue_dma source(%dma_start3A_192 : memref<640xf32, #tpu.memory_space<vmem_shared>>) target(%arg7 : memref<640xf32, #tpu.memory_space<vmem>>) target_semaphore(%run_scoped3A_191 : memref<!tpu.dma_semaphore, #tpu.memory_space<semaphore_mem>>)
      %dma_wait3A_193 = tpu.memref_slice %arg9[%mul3A_187] : memref<10240xf32, #tpu.memory_space<vmem_shared>> -> memref<640xf32, #tpu.memory_space<vmem_shared>>
      %dma_wait3A_194 = tpu.memref_slice %arg9[%mul3A_187] : memref<10240xf32, #tpu.memory_space<vmem_shared>> -> memref<640xf32, #tpu.memory_space<vmem_shared>>
      tpu.wait_dma2 semaphore(%run_scoped3A_191 : memref<!tpu.dma_semaphore, #tpu.memory_space<semaphore_mem>>) src(%dma_wait3A_194 : memref<640xf32, #tpu.memory_space<vmem_shared>>) dst(%arg7 : memref<640xf32, #tpu.memory_space<vmem>>)
      tpu.yield
    }) : () -> ()
    %mul3A_188 = arith.constant 640 : i32
    %mul3A_189 = arith.muli %arg1, %mul3A_188 : i32
    %run_scoped3A_190 = arith.constant 1 : i32
    "tpu.region"() ({
      %run_scoped3A_191 = tpu.sem_alloc : memref<!tpu.dma_semaphore, #tpu.memory_space<semaphore_mem>>
      %dma_start3A = tpu.memref_slice %arg3[%arg0, %run_scoped3A_190, %mul3A_189] : memref<2x2x10240xf32, #tpu.memory_space<hbm>> -> memref<1x1x640xf32, #tpu.memory_space<hbm>>
      %dma_start3A_192 = tpu.memref_squeeze %dma_start3A : memref<1x1x640xf32, #tpu.memory_space<hbm>> -> memref<640xf32, #tpu.memory_space<hbm>>
      %dma_start3A_193 = tpu.memref_slice %arg3[%arg0, %run_scoped3A_190, %mul3A_189] : memref<2x2x10240xf32, #tpu.memory_space<hbm>> -> memref<1x1x640xf32, #tpu.memory_space<hbm>>
      %dma_start3A_194 = tpu.memref_squeeze %dma_start3A_193 : memref<1x1x640xf32, #tpu.memory_space<hbm>> -> memref<640xf32, #tpu.memory_space<hbm>>
      tpu.enqueue_dma source(%arg7 : memref<640xf32, #tpu.memory_space<vmem>>) target(%dma_start3A_194 : memref<640xf32, #tpu.memory_space<hbm>>) target_semaphore(%run_scoped3A_191 : memref<!tpu.dma_semaphore, #tpu.memory_space<semaphore_mem>>)
      %dma_wait3A_195 = tpu.memref_slice %arg3[%arg0, %run_scoped3A_190, %mul3A_189] : memref<2x2x10240xf32, #tpu.memory_space<hbm>> -> memref<1x1x640xf32, #tpu.memory_space<hbm>>
      %dma_wait3A_196 = tpu.memref_squeeze %dma_wait3A_195 : memref<1x1x640xf32, #tpu.memory_space<hbm>> -> memref<640xf32, #tpu.memory_space<hbm>>
      %dma_wait3A_197 = tpu.memref_slice %arg3[%arg0, %run_scoped3A_190, %mul3A_189] : memref<2x2x10240xf32, #tpu.memory_space<hbm>> -> memref<1x1x640xf32, #tpu.memory_space<hbm>>
      %dma_wait3A_198 = tpu.memref_squeeze %dma_wait3A_197 : memref<1x1x640xf32, #tpu.memory_space<hbm>> -> memref<640xf32, #tpu.memory_space<hbm>>
      tpu.wait_dma2 semaphore(%run_scoped3A_191 : memref<!tpu.dma_semaphore, #tpu.memory_space<semaphore_mem>>) src(%arg7 : memref<640xf32, #tpu.memory_space<vmem>>) dst(%dma_wait3A_198 : memref<640xf32, #tpu.memory_space<hbm>>)
      tpu.yield
    }) : () -> ()
    return
  }
}

#map = affine_map<(d0, d1) -> (0, 0)>
#map1 = affine_map<(d0, d1) -> (0, 0, 0, 0)>
#map2 = affine_map<(d0, d1) -> (0, 0, 0)>
module attributes {stable_mosaic.version = 14 : i64} {
  func.func @_sc_aggregate(%arg0: i32, %arg1: i32, %arg2: memref<10240x16xf32, #tpu.memory_space<hbm>>, %arg3: memref<2x32x80x125xi32, #tpu.memory_space<hbm>>, %arg4: memref<2x10240x16xf32, #tpu.memory_space<hbm>>, %arg5: memref<80x125xi32, #tpu.memory_space<vmem>>, %arg6: memref<80x125xi32, #tpu.memory_space<vmem>>, %arg7: memref<8x125x16xf32, #tpu.memory_space<vmem>>, %arg8: memref<640x16xf32, #tpu.memory_space<vmem>>, %arg9: memref<10240x16xf32, #tpu.memory_space<vmem_shared>>, %arg10: memref<!tpu.dma_semaphore, #tpu.memory_space<semaphore_mem>>, %arg11: memref<!tpu.dma_semaphore, #tpu.memory_space<semaphore_mem>>, %arg12: memref<!tpu.dma_semaphore, #tpu.memory_space<semaphore_mem>>, %arg13: memref<!tpu.dma_semaphore, #tpu.memory_space<semaphore_mem>>, %arg14: memref<!tpu.dma_semaphore, #tpu.memory_space<semaphore_mem>>, %arg15: memref<!tpu.dma_semaphore, #tpu.memory_space<semaphore_mem>>, %arg16: memref<!tpu.dma_semaphore, #tpu.memory_space<semaphore_mem>>, %arg17: memref<!tpu.dma_semaphore, #tpu.memory_space<semaphore_mem>>, %arg18: memref<!tpu.dma_semaphore, #tpu.memory_space<semaphore_mem>>, %arg19: memref<!tpu.dma_semaphore, #tpu.memory_space<semaphore_mem>>, %arg20: memref<!tpu.dma_semaphore, #tpu.memory_space<semaphore_mem>>, %arg21: memref<!tpu.dma_semaphore, #tpu.memory_space<semaphore_mem>>, %arg22: memref<!tpu.dma_semaphore, #tpu.memory_space<semaphore_mem>>, %arg23: memref<!tpu.dma_semaphore, #tpu.memory_space<semaphore_mem>>, %arg24: memref<!tpu.dma_semaphore, #tpu.memory_space<semaphore_mem>>, %arg25: memref<!tpu.dma_semaphore, #tpu.memory_space<semaphore_mem>>) attributes {dimension_semantics = [#tpu.dimension_semantics<core_parallel>, #tpu.dimension_semantics<subcore_parallel>], iteration_bounds = array<i64: 2, 16>, scalar_prefetch = 0 : i64, scratch_operands = 21 : i64, tpu.core_type = #tpu.core_type<sc_vector_subcore>, window_params = [{transform_indices = #map}, {transform_indices = #map1}, {transform_indices = #map2}]} {
    %mul3A = arith.constant 16 : i32
    %mul3A_0 = arith.muli %arg0, %mul3A : i32
    %add3A = arith.addi %mul3A_0, %arg1 : i32
    %broadcast_in_dim3A = arith.constant 0.000000e+00 : f32
    %broadcast_in_dim3A_1 = vector.broadcast %broadcast_in_dim3A : f32 to vector<16xf32>
    %scan3A = arith.constant 0 : i32
    %scan3A_2 = arith.constant 0 : i32
    %scan3A_3 = arith.constant 640 : i32
    %scan3A_4 = arith.addi %scan3A_2, %scan3A_3 : i32
    %scan3A_5 = arith.constant 1 : i32
    %scan3A_6 = scf.for %scan3A_125 = %scan3A_2 to %scan3A_4 step %scan3A_5 iter_args(%scan3A_126 = %scan3A) -> (i32)  : i32 {
      %swap3A = arith.index_cast %scan3A_125 : i32 to index
      %swap3A_127 = arith.constant 0 : index
      %swap3A_128 = tpu.vector_load %arg8[%swap3A, %swap3A_127] {strides = array<i32>} : memref<640x16xf32, #tpu.memory_space<vmem>>, vector<1x16xf32>,
      %swap3A_129 = vector.shape_cast %swap3A_128 : vector<1x16xf32> to vector<16xf32>
      %swap3A_130 = vector.shape_cast %broadcast_in_dim3A_1 : vector<16xf32> to vector<1x16xf32>
      tpu.vector_store %arg8[%swap3A, %swap3A_127], %swap3A_130 {strides = array<i32>} : memref<640x16xf32, #tpu.memory_space<vmem>>, vector<1x16xf32>,
      %scan3A_131 = arith.constant 0 : i32
      scf.yield %scan3A_131 : i32
    }
    %scan3A_7 = arith.constant 640 : i32
    %mul3A_8 = arith.constant 640 : i32
    %mul3A_9 = arith.muli %arg1, %mul3A_8 : i32
    "tpu.region"() ({
      %run_scoped3A_125 = tpu.sem_alloc : memref<!tpu.dma_semaphore, #tpu.memory_space<semaphore_mem>>
      %dma_start3A_126 = arith.constant 0 : i32
      %dma_start3A_127 = tpu.memref_slice %arg9[%mul3A_9, %dma_start3A_126] : memref<10240x16xf32, #tpu.memory_space<vmem_shared>> -> memref<640x16xf32, #tpu.memory_space<vmem_shared>>
      %dma_start3A_128 = arith.constant 0 : i32
      %dma_start3A_129 = tpu.memref_slice %arg9[%mul3A_9, %dma_start3A_128] : memref<10240x16xf32, #tpu.memory_space<vmem_shared>> -> memref<640x16xf32, #tpu.memory_space<vmem_shared>>
      tpu.enqueue_dma source(%arg8 : memref<640x16xf32, #tpu.memory_space<vmem>>) target(%dma_start3A_129 : memref<640x16xf32, #tpu.memory_space<vmem_shared>>) target_semaphore(%run_scoped3A_125 : memref<!tpu.dma_semaphore, #tpu.memory_space<semaphore_mem>>)
      %dma_wait3A_130 = arith.constant 0 : i32
      %dma_wait3A_131 = tpu.memref_slice %arg9[%mul3A_9, %dma_wait3A_130] : memref<10240x16xf32, #tpu.memory_space<vmem_shared>> -> memref<640x16xf32, #tpu.memory_space<vmem_shared>>
      %dma_wait3A_132 = arith.constant 0 : i32
      %dma_wait3A_133 = tpu.memref_slice %arg9[%mul3A_9, %dma_wait3A_132] : memref<10240x16xf32, #tpu.memory_space<vmem_shared>> -> memref<640x16xf32, #tpu.memory_space<vmem_shared>>
      tpu.wait_dma2 semaphore(%run_scoped3A_125 : memref<!tpu.dma_semaphore, #tpu.memory_space<semaphore_mem>>) src(%arg8 : memref<640x16xf32, #tpu.memory_space<vmem>>) dst(%dma_wait3A_133 : memref<640x16xf32, #tpu.memory_space<vmem_shared>>)
      tpu.yield
    }) : () -> ()
    %barrier3A = arith.constant 0 : index
    tpu.barrier barrier_id(%barrier3A)
    %run_scoped3A = arith.constant 0 : i32
    "tpu.region"() ({
      %run_scoped3A_125 = tpu.sem_alloc : memref<!tpu.dma_semaphore, #tpu.memory_space<semaphore_mem>>
      %dma_start3A_126 = arith.constant 0 : i32
      %dma_start3A_127 = arith.constant 0 : i32
      %dma_start3A_128 = tpu.memref_slice %arg3[%run_scoped3A, %add3A, %dma_start3A_126, %dma_start3A_127] : memref<2x32x80x125xi32, #tpu.memory_space<hbm>> -> memref<1x1x80x125xi32, #tpu.memory_space<hbm>>
      %dma_start3A_129 = tpu.memref_squeeze %dma_start3A_128 : memref<1x1x80x125xi32, #tpu.memory_space<hbm>> -> memref<80x125xi32, #tpu.memory_space<hbm>>
      %dma_start3A_130 = arith.constant 0 : i32
      %dma_start3A_131 = arith.constant 0 : i32
      %dma_start3A_132 = tpu.memref_slice %arg3[%run_scoped3A, %add3A, %dma_start3A_130, %dma_start3A_131] : memref<2x32x80x125xi32, #tpu.memory_space<hbm>> -> memref<1x1x80x125xi32, #tpu.memory_space<hbm>>
      %dma_start3A_133 = tpu.memref_squeeze %dma_start3A_132 : memref<1x1x80x125xi32, #tpu.memory_space<hbm>> -> memref<80x125xi32, #tpu.memory_space<hbm>>
      tpu.enqueue_dma source(%dma_start3A_133 : memref<80x125xi32, #tpu.memory_space<hbm>>) target(%arg5 : memref<80x125xi32, #tpu.memory_space<vmem>>) target_semaphore(%run_scoped3A_125 : memref<!tpu.dma_semaphore, #tpu.memory_space<semaphore_mem>>)
      %dma_wait3A_134 = arith.constant 0 : i32
      %dma_wait3A_135 = arith.constant 0 : i32
      %dma_wait3A_136 = tpu.memref_slice %arg3[%run_scoped3A, %add3A, %dma_wait3A_134, %dma_wait3A_135] : memref<2x32x80x125xi32, #tpu.memory_space<hbm>> -> memref<1x1x80x125xi32, #tpu.memory_space<hbm>>
      %dma_wait3A_137 = tpu.memref_squeeze %dma_wait3A_136 : memref<1x1x80x125xi32, #tpu.memory_space<hbm>> -> memref<80x125xi32, #tpu.memory_space<hbm>>
      %dma_wait3A_138 = arith.constant 0 : i32
      %dma_wait3A_139 = arith.constant 0 : i32
      %dma_wait3A_140 = tpu.memref_slice %arg3[%run_scoped3A, %add3A, %dma_wait3A_138, %dma_wait3A_139] : memref<2x32x80x125xi32, #tpu.memory_space<hbm>> -> memref<1x1x80x125xi32, #tpu.memory_space<hbm>>
      %dma_wait3A_141 = tpu.memref_squeeze %dma_wait3A_140 : memref<1x1x80x125xi32, #tpu.memory_space<hbm>> -> memref<80x125xi32, #tpu.memory_space<hbm>>
      tpu.wait_dma2 semaphore(%run_scoped3A_125 : memref<!tpu.dma_semaphore, #tpu.memory_space<semaphore_mem>>) src(%dma_wait3A_141 : memref<80x125xi32, #tpu.memory_space<hbm>>) dst(%arg5 : memref<80x125xi32, #tpu.memory_space<vmem>>)
      tpu.yield
    }) : () -> ()
    %run_scoped3A_10 = arith.constant 1 : i32
    "tpu.region"() ({
      %run_scoped3A_125 = tpu.sem_alloc : memref<!tpu.dma_semaphore, #tpu.memory_space<semaphore_mem>>
      %dma_start3A_126 = arith.constant 0 : i32
      %dma_start3A_127 = arith.constant 0 : i32
      %dma_start3A_128 = tpu.memref_slice %arg3[%run_scoped3A_10, %add3A, %dma_start3A_126, %dma_start3A_127] : memref<2x32x80x125xi32, #tpu.memory_space<hbm>> -> memref<1x1x80x125xi32, #tpu.memory_space<hbm>>
      %dma_start3A_129 = tpu.memref_squeeze %dma_start3A_128 : memref<1x1x80x125xi32, #tpu.memory_space<hbm>> -> memref<80x125xi32, #tpu.memory_space<hbm>>
      %dma_start3A_130 = arith.constant 0 : i32
      %dma_start3A_131 = arith.constant 0 : i32
      %dma_start3A_132 = tpu.memref_slice %arg3[%run_scoped3A_10, %add3A, %dma_start3A_130, %dma_start3A_131] : memref<2x32x80x125xi32, #tpu.memory_space<hbm>> -> memref<1x1x80x125xi32, #tpu.memory_space<hbm>>
      %dma_start3A_133 = tpu.memref_squeeze %dma_start3A_132 : memref<1x1x80x125xi32, #tpu.memory_space<hbm>> -> memref<80x125xi32, #tpu.memory_space<hbm>>
      tpu.enqueue_dma source(%dma_start3A_133 : memref<80x125xi32, #tpu.memory_space<hbm>>) target(%arg6 : memref<80x125xi32, #tpu.memory_space<vmem>>) target_semaphore(%run_scoped3A_125 : memref<!tpu.dma_semaphore, #tpu.memory_space<semaphore_mem>>)
      %dma_wait3A_134 = arith.constant 0 : i32
      %dma_wait3A_135 = arith.constant 0 : i32
      %dma_wait3A_136 = tpu.memref_slice %arg3[%run_scoped3A_10, %add3A, %dma_wait3A_134, %dma_wait3A_135] : memref<2x32x80x125xi32, #tpu.memory_space<hbm>> -> memref<1x1x80x125xi32, #tpu.memory_space<hbm>>
      %dma_wait3A_137 = tpu.memref_squeeze %dma_wait3A_136 : memref<1x1x80x125xi32, #tpu.memory_space<hbm>> -> memref<80x125xi32, #tpu.memory_space<hbm>>
      %dma_wait3A_138 = arith.constant 0 : i32
      %dma_wait3A_139 = arith.constant 0 : i32
      %dma_wait3A_140 = tpu.memref_slice %arg3[%run_scoped3A_10, %add3A, %dma_wait3A_138, %dma_wait3A_139] : memref<2x32x80x125xi32, #tpu.memory_space<hbm>> -> memref<1x1x80x125xi32, #tpu.memory_space<hbm>>
      %dma_wait3A_141 = tpu.memref_squeeze %dma_wait3A_140 : memref<1x1x80x125xi32, #tpu.memory_space<hbm>> -> memref<80x125xi32, #tpu.memory_space<hbm>>
      tpu.wait_dma2 semaphore(%run_scoped3A_125 : memref<!tpu.dma_semaphore, #tpu.memory_space<semaphore_mem>>) src(%dma_wait3A_141 : memref<80x125xi32, #tpu.memory_space<hbm>>) dst(%arg6 : memref<80x125xi32, #tpu.memory_space<vmem>>)
      tpu.yield
    }) : () -> ()
    %dma_start3A = arith.constant 0 : i32
    %dma_start3A_11 = arith.constant 0 : i32
    %dma_start3A_12 = arith.constant 0 : i32
    %dma_start3A_13 = arith.constant 0 : i32
    %dma_start3A_14 = tpu.memref_slice %arg7[%dma_start3A_11, %dma_start3A_12, %dma_start3A_13] : memref<8x125x16xf32, #tpu.memory_space<vmem>> -> memref<1x125x16xf32, #tpu.memory_space<vmem>>
    %dma_start3A_15 = tpu.memref_squeeze %dma_start3A_14 : memref<1x125x16xf32, #tpu.memory_space<vmem>> -> memref<125x16xf32, #tpu.memory_space<vmem>>
    %dma_start3A_16 = arith.constant 0 : i32
    %dma_start3A_17 = tpu.memref_slice %arg5[%dma_start3A, %dma_start3A_16] : memref<80x125xi32, #tpu.memory_space<vmem>> -> memref<1x125xi32, #tpu.memory_space<vmem>>
    %dma_start3A_18 = tpu.memref_squeeze %dma_start3A_17 : memref<1x125xi32, #tpu.memory_space<vmem>> -> memref<125xi32, #tpu.memory_space<vmem>>
    %dma_start3A_19 = arith.constant 0 : i32
    %dma_start3A_20 = arith.constant 0 : i32
    %dma_start3A_21 = tpu.memref_slice %arg2[%dma_start3A_19, %dma_start3A_20] : memref<10240x16xf32, #tpu.memory_space<hbm>> -> memref<10240x16xf32, #tpu.memory_space<hbm>>
    tpu.enqueue_indirect_dma source(%dma_start3A_21 : memref<10240x16xf32, #tpu.memory_space<hbm>>) target(%dma_start3A_15 : memref<125x16xf32, #tpu.memory_space<vmem>>) offsets(%dma_start3A_18 : memref<125xi32, #tpu.memory_space<vmem>>) semaphore(%arg10 : memref<!tpu.dma_semaphore, #tpu.memory_space<semaphore_mem>>)
    %dma_start3A_22 = arith.constant 1 : i32
    %dma_start3A_23 = arith.constant 1 : i32
    %dma_start3A_24 = arith.constant 0 : i32
    %dma_start3A_25 = arith.constant 0 : i32
    %dma_start3A_26 = tpu.memref_slice %arg7[%dma_start3A_23, %dma_start3A_24, %dma_start3A_25] : memref<8x125x16xf32, #tpu.memory_space<vmem>> -> memref<1x125x16xf32, #tpu.memory_space<vmem>>
    %dma_start3A_27 = tpu.memref_squeeze %dma_start3A_26 : memref<1x125x16xf32, #tpu.memory_space<vmem>> -> memref<125x16xf32, #tpu.memory_space<vmem>>
    %dma_start3A_28 = arith.constant 0 : i32
    %dma_start3A_29 = tpu.memref_slice %arg5[%dma_start3A_22, %dma_start3A_28] : memref<80x125xi32, #tpu.memory_space<vmem>> -> memref<1x125xi32, #tpu.memory_space<vmem>>
    %dma_start3A_30 = tpu.memref_squeeze %dma_start3A_29 : memref<1x125xi32, #tpu.memory_space<vmem>> -> memref<125xi32, #tpu.memory_space<vmem>>
    %dma_start3A_31 = arith.constant 0 : i32
    %dma_start3A_32 = arith.constant 0 : i32
    %dma_start3A_33 = tpu.memref_slice %arg2[%dma_start3A_31, %dma_start3A_32] : memref<10240x16xf32, #tpu.memory_space<hbm>> -> memref<10240x16xf32, #tpu.memory_space<hbm>>
    tpu.enqueue_indirect_dma source(%dma_start3A_33 : memref<10240x16xf32, #tpu.memory_space<hbm>>) target(%dma_start3A_27 : memref<125x16xf32, #tpu.memory_space<vmem>>) offsets(%dma_start3A_30 : memref<125xi32, #tpu.memory_space<vmem>>) semaphore(%arg11 : memref<!tpu.dma_semaphore, #tpu.memory_space<semaphore_mem>>)
    %dma_start3A_34 = arith.constant 2 : i32
    %dma_start3A_35 = arith.constant 2 : i32
    %dma_start3A_36 = arith.constant 0 : i32
    %dma_start3A_37 = arith.constant 0 : i32
    %dma_start3A_38 = tpu.memref_slice %arg7[%dma_start3A_35, %dma_start3A_36, %dma_start3A_37] : memref<8x125x16xf32, #tpu.memory_space<vmem>> -> memref<1x125x16xf32, #tpu.memory_space<vmem>>
    %dma_start3A_39 = tpu.memref_squeeze %dma_start3A_38 : memref<1x125x16xf32, #tpu.memory_space<vmem>> -> memref<125x16xf32, #tpu.memory_space<vmem>>
    %dma_start3A_40 = arith.constant 0 : i32
    %dma_start3A_41 = tpu.memref_slice %arg5[%dma_start3A_34, %dma_start3A_40] : memref<80x125xi32, #tpu.memory_space<vmem>> -> memref<1x125xi32, #tpu.memory_space<vmem>>
    %dma_start3A_42 = tpu.memref_squeeze %dma_start3A_41 : memref<1x125xi32, #tpu.memory_space<vmem>> -> memref<125xi32, #tpu.memory_space<vmem>>
    %dma_start3A_43 = arith.constant 0 : i32
    %dma_start3A_44 = arith.constant 0 : i32
    %dma_start3A_45 = tpu.memref_slice %arg2[%dma_start3A_43, %dma_start3A_44] : memref<10240x16xf32, #tpu.memory_space<hbm>> -> memref<10240x16xf32, #tpu.memory_space<hbm>>
    tpu.enqueue_indirect_dma source(%dma_start3A_45 : memref<10240x16xf32, #tpu.memory_space<hbm>>) target(%dma_start3A_39 : memref<125x16xf32, #tpu.memory_space<vmem>>) offsets(%dma_start3A_42 : memref<125xi32, #tpu.memory_space<vmem>>) semaphore(%arg12 : memref<!tpu.dma_semaphore, #tpu.memory_space<semaphore_mem>>)
    %dma_start3A_46 = arith.constant 3 : i32
    %dma_start3A_47 = arith.constant 3 : i32
    %dma_start3A_48 = arith.constant 0 : i32
    %dma_start3A_49 = arith.constant 0 : i32
    %dma_start3A_50 = tpu.memref_slice %arg7[%dma_start3A_47, %dma_start3A_48, %dma_start3A_49] : memref<8x125x16xf32, #tpu.memory_space<vmem>> -> memref<1x125x16xf32, #tpu.memory_space<vmem>>
    %dma_start3A_51 = tpu.memref_squeeze %dma_start3A_50 : memref<1x125x16xf32, #tpu.memory_space<vmem>> -> memref<125x16xf32, #tpu.memory_space<vmem>>
    %dma_start3A_52 = arith.constant 0 : i32
    %dma_start3A_53 = tpu.memref_slice %arg5[%dma_start3A_46, %dma_start3A_52] : memref<80x125xi32, #tpu.memory_space<vmem>> -> memref<1x125xi32, #tpu.memory_space<vmem>>
    %dma_start3A_54 = tpu.memref_squeeze %dma_start3A_53 : memref<1x125xi32, #tpu.memory_space<vmem>> -> memref<125xi32, #tpu.memory_space<vmem>>
    %dma_start3A_55 = arith.constant 0 : i32
    %dma_start3A_56 = arith.constant 0 : i32
    %dma_start3A_57 = tpu.memref_slice %arg2[%dma_start3A_55, %dma_start3A_56] : memref<10240x16xf32, #tpu.memory_space<hbm>> -> memref<10240x16xf32, #tpu.memory_space<hbm>>
    tpu.enqueue_indirect_dma source(%dma_start3A_57 : memref<10240x16xf32, #tpu.memory_space<hbm>>) target(%dma_start3A_51 : memref<125x16xf32, #tpu.memory_space<vmem>>) offsets(%dma_start3A_54 : memref<125xi32, #tpu.memory_space<vmem>>) semaphore(%arg13 : memref<!tpu.dma_semaphore, #tpu.memory_space<semaphore_mem>>)
    %scan3A_58 = arith.constant 0 : i32
    %scan3A_59 = arith.constant 4 : i32
    %scan3A_60 = arith.constant 1 : i32
    %scan3A_61 = arith.constant 5 : i32
    %scan3A_62 = arith.constant 2 : i32
    %scan3A_63 = arith.constant 6 : i32
    %scan3A_64 = arith.constant 3 : i32
    %scan3A_65 = arith.constant 7 : i32
    %scan3A_66 = arith.constant 0 : i32
    %scan3A_67 = arith.constant 0 : i32
    %scan3A_68 = arith.constant 10 : i32
    %scan3A_69 = arith.addi %scan3A_67, %scan3A_68 : i32
    %scan3A_70 = arith.constant 1 : i32
    %scan3A_71 = scf.for %scan3A_125 = %scan3A_67 to %scan3A_69 step %scan3A_70 iter_args(%scan3A_126 = %scan3A_66) -> (i32)  : i32 {
      %mul3A_127 = arith.constant 8 : i32
      %mul3A_128 = arith.muli %mul3A_127, %scan3A_125 : i32
      %add3A_129 = arith.constant 0 : i32
      %add3A_130 = arith.addi %mul3A_128, %add3A_129 : i32
      %dma_wait3A_131 = arith.constant 0 : i32
      %dma_wait3A_132 = arith.constant 0 : i32
      %dma_wait3A_133 = tpu.memref_slice %arg7[%scan3A_58, %dma_wait3A_131, %dma_wait3A_132] : memref<8x125x16xf32, #tpu.memory_space<vmem>> -> memref<1x125x16xf32, #tpu.memory_space<vmem>>
      %dma_wait3A_134 = tpu.memref_squeeze %dma_wait3A_133 : memref<1x125x16xf32, #tpu.memory_space<vmem>> -> memref<125x16xf32, #tpu.memory_space<vmem>>
      %dma_wait3A_135 = arith.constant 0 : i32
      %dma_wait3A_136 = tpu.memref_slice %arg5[%add3A_130, %dma_wait3A_135] : memref<80x125xi32, #tpu.memory_space<vmem>> -> memref<1x125xi32, #tpu.memory_space<vmem>>
      %dma_wait3A_137 = tpu.memref_squeeze %dma_wait3A_136 : memref<1x125xi32, #tpu.memory_space<vmem>> -> memref<125xi32, #tpu.memory_space<vmem>>
      %dma_wait3A_138 = arith.constant 0 : i32
      %dma_wait3A_139 = arith.constant 0 : i32
      %dma_wait3A_140 = tpu.memref_slice %arg2[%dma_wait3A_138, %dma_wait3A_139] : memref<10240x16xf32, #tpu.memory_space<hbm>> -> memref<10240x16xf32, #tpu.memory_space<hbm>>
      tpu.wait_indirect_dma semaphore(%arg10 : memref<!tpu.dma_semaphore, #tpu.memory_space<semaphore_mem>>) src(%dma_wait3A_140 : memref<10240x16xf32, #tpu.memory_space<hbm>>) dst(%dma_wait3A_134 : memref<125x16xf32, #tpu.memory_space<vmem>>)
      %dma_start3A_141 = arith.constant 0 : i32
      %dma_start3A_142 = arith.constant 0 : i32
      %dma_start3A_143 = tpu.memref_slice %arg7[%scan3A_58, %dma_start3A_141, %dma_start3A_142] : memref<8x125x16xf32, #tpu.memory_space<vmem>> -> memref<1x125x16xf32, #tpu.memory_space<vmem>>
      %dma_start3A_144 = tpu.memref_squeeze %dma_start3A_143 : memref<1x125x16xf32, #tpu.memory_space<vmem>> -> memref<125x16xf32, #tpu.memory_space<vmem>>
      %dma_start3A_145 = arith.constant 0 : i32
      %dma_start3A_146 = tpu.memref_slice %arg6[%add3A_130, %dma_start3A_145] : memref<80x125xi32, #tpu.memory_space<vmem>> -> memref<1x125xi32, #tpu.memory_space<vmem>>
      %dma_start3A_147 = tpu.memref_squeeze %dma_start3A_146 : memref<1x125xi32, #tpu.memory_space<vmem>> -> memref<125xi32, #tpu.memory_space<vmem>>
      %dma_start3A_148 = arith.constant 0 : i32
      %dma_start3A_149 = arith.constant 0 : i32
      %dma_start3A_150 = tpu.memref_slice %arg9[%dma_start3A_148, %dma_start3A_149] : memref<10240x16xf32, #tpu.memory_space<vmem_shared>> -> memref<10240x16xf32, #tpu.memory_space<vmem_shared>>
      tpu.enqueue_indirect_dma source(%dma_start3A_144 : memref<125x16xf32, #tpu.memory_space<vmem>>) target(%dma_start3A_150 : memref<10240x16xf32, #tpu.memory_space<vmem_shared>>) offsets(%dma_start3A_147 : memref<125xi32, #tpu.memory_space<vmem>>) semaphore(%arg18 : memref<!tpu.dma_semaphore, #tpu.memory_space<semaphore_mem>>) {add = true}
      %ge3A = arith.constant 4 : i32
      %ge3A_151 = arith.cmpi sge, %add3A_130, %ge3A : i32
      %convert_element_type3A = arith.extui %ge3A_151 : i1 to i32
      %cond3A = arith.constant 0 : i32
      %cond3A_152 = arith.cmpi ne, %convert_element_type3A, %cond3A : i32
      scf.if %cond3A_152 {
        %sub3A = arith.constant 4 : i32
        %sub3A_412 = arith.subi %add3A_130, %sub3A : i32
        %dma_wait3A_413 = arith.constant 0 : i32
        %dma_wait3A_414 = arith.constant 0 : i32
        %dma_wait3A_415 = tpu.memref_slice %arg7[%scan3A_59, %dma_wait3A_413, %dma_wait3A_414] : memref<8x125x16xf32, #tpu.memory_space<vmem>> -> memref<1x125x16xf32, #tpu.memory_space<vmem>>
        %dma_wait3A_416 = tpu.memref_squeeze %dma_wait3A_415 : memref<1x125x16xf32, #tpu.memory_space<vmem>> -> memref<125x16xf32, #tpu.memory_space<vmem>>
        %dma_wait3A_417 = arith.constant 0 : i32
        %dma_wait3A_418 = tpu.memref_slice %arg6[%sub3A_412, %dma_wait3A_417] : memref<80x125xi32, #tpu.memory_space<vmem>> -> memref<1x125xi32, #tpu.memory_space<vmem>>
        %dma_wait3A_419 = tpu.memref_squeeze %dma_wait3A_418 : memref<1x125xi32, #tpu.memory_space<vmem>> -> memref<125xi32, #tpu.memory_space<vmem>>
        %dma_wait3A_420 = arith.constant 0 : i32
        %dma_wait3A_421 = arith.constant 0 : i32
        %dma_wait3A_422 = tpu.memref_slice %arg9[%dma_wait3A_420, %dma_wait3A_421] : memref<10240x16xf32, #tpu.memory_space<vmem_shared>> -> memref<10240x16xf32, #tpu.memory_space<vmem_shared>>
        tpu.wait_indirect_dma semaphore(%arg22 : memref<!tpu.dma_semaphore, #tpu.memory_space<semaphore_mem>>) src(%dma_wait3A_416 : memref<125x16xf32, #tpu.memory_space<vmem>>) dst(%dma_wait3A_422 : memref<10240x16xf32, #tpu.memory_space<vmem_shared>>)
      } else {
      }
      %add3A_153 = arith.constant 4 : i32
      %add3A_154 = arith.addi %add3A_130, %add3A_153 : i32
      %lt3A = arith.constant 80 : i32
      %lt3A_155 = arith.cmpi slt, %add3A_154, %lt3A : i32
      %convert_element_type3A_156 = arith.extui %lt3A_155 : i1 to i32
      %cond3A_157 = arith.constant 0 : i32
      %cond3A_158 = arith.cmpi ne, %convert_element_type3A_156, %cond3A_157 : i32
      scf.if %cond3A_158 {
        %add3A_412 = arith.constant 4 : i32
        %add3A_413 = arith.addi %add3A_130, %add3A_412 : i32
        %dma_start3A_414 = arith.constant 0 : i32
        %dma_start3A_415 = arith.constant 0 : i32
        %dma_start3A_416 = tpu.memref_slice %arg7[%scan3A_59, %dma_start3A_414, %dma_start3A_415] : memref<8x125x16xf32, #tpu.memory_space<vmem>> -> memref<1x125x16xf32, #tpu.memory_space<vmem>>
        %dma_start3A_417 = tpu.memref_squeeze %dma_start3A_416 : memref<1x125x16xf32, #tpu.memory_space<vmem>> -> memref<125x16xf32, #tpu.memory_space<vmem>>
        %dma_start3A_418 = arith.constant 0 : i32
        %dma_start3A_419 = tpu.memref_slice %arg5[%add3A_413, %dma_start3A_418] : memref<80x125xi32, #tpu.memory_space<vmem>> -> memref<1x125xi32, #tpu.memory_space<vmem>>
        %dma_start3A_420 = tpu.memref_squeeze %dma_start3A_419 : memref<1x125xi32, #tpu.memory_space<vmem>> -> memref<125xi32, #tpu.memory_space<vmem>>
        %dma_start3A_421 = arith.constant 0 : i32
        %dma_start3A_422 = arith.constant 0 : i32
        %dma_start3A_423 = tpu.memref_slice %arg2[%dma_start3A_421, %dma_start3A_422] : memref<10240x16xf32, #tpu.memory_space<hbm>> -> memref<10240x16xf32, #tpu.memory_space<hbm>>
        tpu.enqueue_indirect_dma source(%dma_start3A_423 : memref<10240x16xf32, #tpu.memory_space<hbm>>) target(%dma_start3A_417 : memref<125x16xf32, #tpu.memory_space<vmem>>) offsets(%dma_start3A_420 : memref<125xi32, #tpu.memory_space<vmem>>) semaphore(%arg14 : memref<!tpu.dma_semaphore, #tpu.memory_space<semaphore_mem>>)
      } else {
      }
      %mul3A_159 = arith.constant 8 : i32
      %mul3A_160 = arith.muli %mul3A_159, %scan3A_125 : i32
      %add3A_161 = arith.constant 1 : i32
      %add3A_162 = arith.addi %mul3A_160, %add3A_161 : i32
      %dma_wait3A_163 = arith.constant 0 : i32
      %dma_wait3A_164 = arith.constant 0 : i32
      %dma_wait3A_165 = tpu.memref_slice %arg7[%scan3A_60, %dma_wait3A_163, %dma_wait3A_164] : memref<8x125x16xf32, #tpu.memory_space<vmem>> -> memref<1x125x16xf32, #tpu.memory_space<vmem>>
      %dma_wait3A_166 = tpu.memref_squeeze %dma_wait3A_165 : memref<1x125x16xf32, #tpu.memory_space<vmem>> -> memref<125x16xf32, #tpu.memory_space<vmem>>
      %dma_wait3A_167 = arith.constant 0 : i32
      %dma_wait3A_168 = tpu.memref_slice %arg5[%add3A_162, %dma_wait3A_167] : memref<80x125xi32, #tpu.memory_space<vmem>> -> memref<1x125xi32, #tpu.memory_space<vmem>>
      %dma_wait3A_169 = tpu.memref_squeeze %dma_wait3A_168 : memref<1x125xi32, #tpu.memory_space<vmem>> -> memref<125xi32, #tpu.memory_space<vmem>>
      %dma_wait3A_170 = arith.constant 0 : i32
      %dma_wait3A_171 = arith.constant 0 : i32
      %dma_wait3A_172 = tpu.memref_slice %arg2[%dma_wait3A_170, %dma_wait3A_171] : memref<10240x16xf32, #tpu.memory_space<hbm>> -> memref<10240x16xf32, #tpu.memory_space<hbm>>
      tpu.wait_indirect_dma semaphore(%arg11 : memref<!tpu.dma_semaphore, #tpu.memory_space<semaphore_mem>>) src(%dma_wait3A_172 : memref<10240x16xf32, #tpu.memory_space<hbm>>) dst(%dma_wait3A_166 : memref<125x16xf32, #tpu.memory_space<vmem>>)
      %dma_start3A_173 = arith.constant 0 : i32
      %dma_start3A_174 = arith.constant 0 : i32
      %dma_start3A_175 = tpu.memref_slice %arg7[%scan3A_60, %dma_start3A_173, %dma_start3A_174] : memref<8x125x16xf32, #tpu.memory_space<vmem>> -> memref<1x125x16xf32, #tpu.memory_space<vmem>>
      %dma_start3A_176 = tpu.memref_squeeze %dma_start3A_175 : memref<1x125x16xf32, #tpu.memory_space<vmem>> -> memref<125x16xf32, #tpu.memory_space<vmem>>
      %dma_start3A_177 = arith.constant 0 : i32
      %dma_start3A_178 = tpu.memref_slice %arg6[%add3A_162, %dma_start3A_177] : memref<80x125xi32, #tpu.memory_space<vmem>> -> memref<1x125xi32, #tpu.memory_space<vmem>>
      %dma_start3A_179 = tpu.memref_squeeze %dma_start3A_178 : memref<1x125xi32, #tpu.memory_space<vmem>> -> memref<125xi32, #tpu.memory_space<vmem>>
      %dma_start3A_180 = arith.constant 0 : i32
      %dma_start3A_181 = arith.constant 0 : i32
      %dma_start3A_182 = tpu.memref_slice %arg9[%dma_start3A_180, %dma_start3A_181] : memref<10240x16xf32, #tpu.memory_space<vmem_shared>> -> memref<10240x16xf32, #tpu.memory_space<vmem_shared>>
      tpu.enqueue_indirect_dma source(%dma_start3A_176 : memref<125x16xf32, #tpu.memory_space<vmem>>) target(%dma_start3A_182 : memref<10240x16xf32, #tpu.memory_space<vmem_shared>>) offsets(%dma_start3A_179 : memref<125xi32, #tpu.memory_space<vmem>>) semaphore(%arg19 : memref<!tpu.dma_semaphore, #tpu.memory_space<semaphore_mem>>) {add = true}
      %ge3A_183 = arith.constant 4 : i32
      %ge3A_184 = arith.cmpi sge, %add3A_162, %ge3A_183 : i32
      %convert_element_type3A_185 = arith.extui %ge3A_184 : i1 to i32
      %cond3A_186 = arith.constant 0 : i32
      %cond3A_187 = arith.cmpi ne, %convert_element_type3A_185, %cond3A_186 : i32
      scf.if %cond3A_187 {
        %sub3A = arith.constant 4 : i32
        %sub3A_412 = arith.subi %add3A_162, %sub3A : i32
        %dma_wait3A_413 = arith.constant 0 : i32
        %dma_wait3A_414 = arith.constant 0 : i32
        %dma_wait3A_415 = tpu.memref_slice %arg7[%scan3A_61, %dma_wait3A_413, %dma_wait3A_414] : memref<8x125x16xf32, #tpu.memory_space<vmem>> -> memref<1x125x16xf32, #tpu.memory_space<vmem>>
        %dma_wait3A_416 = tpu.memref_squeeze %dma_wait3A_415 : memref<1x125x16xf32, #tpu.memory_space<vmem>> -> memref<125x16xf32, #tpu.memory_space<vmem>>
        %dma_wait3A_417 = arith.constant 0 : i32
        %dma_wait3A_418 = tpu.memref_slice %arg6[%sub3A_412, %dma_wait3A_417] : memref<80x125xi32, #tpu.memory_space<vmem>> -> memref<1x125xi32, #tpu.memory_space<vmem>>
        %dma_wait3A_419 = tpu.memref_squeeze %dma_wait3A_418 : memref<1x125xi32, #tpu.memory_space<vmem>> -> memref<125xi32, #tpu.memory_space<vmem>>
        %dma_wait3A_420 = arith.constant 0 : i32
        %dma_wait3A_421 = arith.constant 0 : i32
        %dma_wait3A_422 = tpu.memref_slice %arg9[%dma_wait3A_420, %dma_wait3A_421] : memref<10240x16xf32, #tpu.memory_space<vmem_shared>> -> memref<10240x16xf32, #tpu.memory_space<vmem_shared>>
        tpu.wait_indirect_dma semaphore(%arg23 : memref<!tpu.dma_semaphore, #tpu.memory_space<semaphore_mem>>) src(%dma_wait3A_416 : memref<125x16xf32, #tpu.memory_space<vmem>>) dst(%dma_wait3A_422 : memref<10240x16xf32, #tpu.memory_space<vmem_shared>>)
      } else {
      }
      %add3A_188 = arith.constant 4 : i32
      %add3A_189 = arith.addi %add3A_162, %add3A_188 : i32
      %lt3A_190 = arith.constant 80 : i32
      %lt3A_191 = arith.cmpi slt, %add3A_189, %lt3A_190 : i32
      %convert_element_type3A_192 = arith.extui %lt3A_191 : i1 to i32
      %cond3A_193 = arith.constant 0 : i32
      %cond3A_194 = arith.cmpi ne, %convert_element_type3A_192, %cond3A_193 : i32
      scf.if %cond3A_194 {
        %add3A_412 = arith.constant 4 : i32
        %add3A_413 = arith.addi %add3A_162, %add3A_412 : i32
        %dma_start3A_414 = arith.constant 0 : i32
        %dma_start3A_415 = arith.constant 0 : i32
        %dma_start3A_416 = tpu.memref_slice %arg7[%scan3A_61, %dma_start3A_414, %dma_start3A_415] : memref<8x125x16xf32, #tpu.memory_space<vmem>> -> memref<1x125x16xf32, #tpu.memory_space<vmem>>
        %dma_start3A_417 = tpu.memref_squeeze %dma_start3A_416 : memref<1x125x16xf32, #tpu.memory_space<vmem>> -> memref<125x16xf32, #tpu.memory_space<vmem>>
        %dma_start3A_418 = arith.constant 0 : i32
        %dma_start3A_419 = tpu.memref_slice %arg5[%add3A_413, %dma_start3A_418] : memref<80x125xi32, #tpu.memory_space<vmem>> -> memref<1x125xi32, #tpu.memory_space<vmem>>
        %dma_start3A_420 = tpu.memref_squeeze %dma_start3A_419 : memref<1x125xi32, #tpu.memory_space<vmem>> -> memref<125xi32, #tpu.memory_space<vmem>>
        %dma_start3A_421 = arith.constant 0 : i32
        %dma_start3A_422 = arith.constant 0 : i32
        %dma_start3A_423 = tpu.memref_slice %arg2[%dma_start3A_421, %dma_start3A_422] : memref<10240x16xf32, #tpu.memory_space<hbm>> -> memref<10240x16xf32, #tpu.memory_space<hbm>>
        tpu.enqueue_indirect_dma source(%dma_start3A_423 : memref<10240x16xf32, #tpu.memory_space<hbm>>) target(%dma_start3A_417 : memref<125x16xf32, #tpu.memory_space<vmem>>) offsets(%dma_start3A_420 : memref<125xi32, #tpu.memory_space<vmem>>) semaphore(%arg15 : memref<!tpu.dma_semaphore, #tpu.memory_space<semaphore_mem>>)
      } else {
      }
      %mul3A_195 = arith.constant 8 : i32
      %mul3A_196 = arith.muli %mul3A_195, %scan3A_125 : i32
      %add3A_197 = arith.constant 2 : i32
      %add3A_198 = arith.addi %mul3A_196, %add3A_197 : i32
      %dma_wait3A_199 = arith.constant 0 : i32
      %dma_wait3A_200 = arith.constant 0 : i32
      %dma_wait3A_201 = tpu.memref_slice %arg7[%scan3A_62, %dma_wait3A_199, %dma_wait3A_200] : memref<8x125x16xf32, #tpu.memory_space<vmem>> -> memref<1x125x16xf32, #tpu.memory_space<vmem>>
      %dma_wait3A_202 = tpu.memref_squeeze %dma_wait3A_201 : memref<1x125x16xf32, #tpu.memory_space<vmem>> -> memref<125x16xf32, #tpu.memory_space<vmem>>
      %dma_wait3A_203 = arith.constant 0 : i32
      %dma_wait3A_204 = tpu.memref_slice %arg5[%add3A_198, %dma_wait3A_203] : memref<80x125xi32, #tpu.memory_space<vmem>> -> memref<1x125xi32, #tpu.memory_space<vmem>>
      %dma_wait3A_205 = tpu.memref_squeeze %dma_wait3A_204 : memref<1x125xi32, #tpu.memory_space<vmem>> -> memref<125xi32, #tpu.memory_space<vmem>>
      %dma_wait3A_206 = arith.constant 0 : i32
      %dma_wait3A_207 = arith.constant 0 : i32
      %dma_wait3A_208 = tpu.memref_slice %arg2[%dma_wait3A_206, %dma_wait3A_207] : memref<10240x16xf32, #tpu.memory_space<hbm>> -> memref<10240x16xf32, #tpu.memory_space<hbm>>
      tpu.wait_indirect_dma semaphore(%arg12 : memref<!tpu.dma_semaphore, #tpu.memory_space<semaphore_mem>>) src(%dma_wait3A_208 : memref<10240x16xf32, #tpu.memory_space<hbm>>) dst(%dma_wait3A_202 : memref<125x16xf32, #tpu.memory_space<vmem>>)
      %dma_start3A_209 = arith.constant 0 : i32
      %dma_start3A_210 = arith.constant 0 : i32
      %dma_start3A_211 = tpu.memref_slice %arg7[%scan3A_62, %dma_start3A_209, %dma_start3A_210] : memref<8x125x16xf32, #tpu.memory_space<vmem>> -> memref<1x125x16xf32, #tpu.memory_space<vmem>>
      %dma_start3A_212 = tpu.memref_squeeze %dma_start3A_211 : memref<1x125x16xf32, #tpu.memory_space<vmem>> -> memref<125x16xf32, #tpu.memory_space<vmem>>
      %dma_start3A_213 = arith.constant 0 : i32
      %dma_start3A_214 = tpu.memref_slice %arg6[%add3A_198, %dma_start3A_213] : memref<80x125xi32, #tpu.memory_space<vmem>> -> memref<1x125xi32, #tpu.memory_space<vmem>>
      %dma_start3A_215 = tpu.memref_squeeze %dma_start3A_214 : memref<1x125xi32, #tpu.memory_space<vmem>> -> memref<125xi32, #tpu.memory_space<vmem>>
      %dma_start3A_216 = arith.constant 0 : i32
      %dma_start3A_217 = arith.constant 0 : i32
      %dma_start3A_218 = tpu.memref_slice %arg9[%dma_start3A_216, %dma_start3A_217] : memref<10240x16xf32, #tpu.memory_space<vmem_shared>> -> memref<10240x16xf32, #tpu.memory_space<vmem_shared>>
      tpu.enqueue_indirect_dma source(%dma_start3A_212 : memref<125x16xf32, #tpu.memory_space<vmem>>) target(%dma_start3A_218 : memref<10240x16xf32, #tpu.memory_space<vmem_shared>>) offsets(%dma_start3A_215 : memref<125xi32, #tpu.memory_space<vmem>>) semaphore(%arg20 : memref<!tpu.dma_semaphore, #tpu.memory_space<semaphore_mem>>) {add = true}
      %ge3A_219 = arith.constant 4 : i32
      %ge3A_220 = arith.cmpi sge, %add3A_198, %ge3A_219 : i32
      %convert_element_type3A_221 = arith.extui %ge3A_220 : i1 to i32
      %cond3A_222 = arith.constant 0 : i32
      %cond3A_223 = arith.cmpi ne, %convert_element_type3A_221, %cond3A_222 : i32
      scf.if %cond3A_223 {
        %sub3A = arith.constant 4 : i32
        %sub3A_412 = arith.subi %add3A_198, %sub3A : i32
        %dma_wait3A_413 = arith.constant 0 : i32
        %dma_wait3A_414 = arith.constant 0 : i32
        %dma_wait3A_415 = tpu.memref_slice %arg7[%scan3A_63, %dma_wait3A_413, %dma_wait3A_414] : memref<8x125x16xf32, #tpu.memory_space<vmem>> -> memref<1x125x16xf32, #tpu.memory_space<vmem>>
        %dma_wait3A_416 = tpu.memref_squeeze %dma_wait3A_415 : memref<1x125x16xf32, #tpu.memory_space<vmem>> -> memref<125x16xf32, #tpu.memory_space<vmem>>
        %dma_wait3A_417 = arith.constant 0 : i32
        %dma_wait3A_418 = tpu.memref_slice %arg6[%sub3A_412, %dma_wait3A_417] : memref<80x125xi32, #tpu.memory_space<vmem>> -> memref<1x125xi32, #tpu.memory_space<vmem>>
        %dma_wait3A_419 = tpu.memref_squeeze %dma_wait3A_418 : memref<1x125xi32, #tpu.memory_space<vmem>> -> memref<125xi32, #tpu.memory_space<vmem>>
        %dma_wait3A_420 = arith.constant 0 : i32
        %dma_wait3A_421 = arith.constant 0 : i32
        %dma_wait3A_422 = tpu.memref_slice %arg9[%dma_wait3A_420, %dma_wait3A_421] : memref<10240x16xf32, #tpu.memory_space<vmem_shared>> -> memref<10240x16xf32, #tpu.memory_space<vmem_shared>>
        tpu.wait_indirect_dma semaphore(%arg24 : memref<!tpu.dma_semaphore, #tpu.memory_space<semaphore_mem>>) src(%dma_wait3A_416 : memref<125x16xf32, #tpu.memory_space<vmem>>) dst(%dma_wait3A_422 : memref<10240x16xf32, #tpu.memory_space<vmem_shared>>)
      } else {
      }
      %add3A_224 = arith.constant 4 : i32
      %add3A_225 = arith.addi %add3A_198, %add3A_224 : i32
      %lt3A_226 = arith.constant 80 : i32
      %lt3A_227 = arith.cmpi slt, %add3A_225, %lt3A_226 : i32
      %convert_element_type3A_228 = arith.extui %lt3A_227 : i1 to i32
      %cond3A_229 = arith.constant 0 : i32
      %cond3A_230 = arith.cmpi ne, %convert_element_type3A_228, %cond3A_229 : i32
      scf.if %cond3A_230 {
        %add3A_412 = arith.constant 4 : i32
        %add3A_413 = arith.addi %add3A_198, %add3A_412 : i32
        %dma_start3A_414 = arith.constant 0 : i32
        %dma_start3A_415 = arith.constant 0 : i32
        %dma_start3A_416 = tpu.memref_slice %arg7[%scan3A_63, %dma_start3A_414, %dma_start3A_415] : memref<8x125x16xf32, #tpu.memory_space<vmem>> -> memref<1x125x16xf32, #tpu.memory_space<vmem>>
        %dma_start3A_417 = tpu.memref_squeeze %dma_start3A_416 : memref<1x125x16xf32, #tpu.memory_space<vmem>> -> memref<125x16xf32, #tpu.memory_space<vmem>>
        %dma_start3A_418 = arith.constant 0 : i32
        %dma_start3A_419 = tpu.memref_slice %arg5[%add3A_413, %dma_start3A_418] : memref<80x125xi32, #tpu.memory_space<vmem>> -> memref<1x125xi32, #tpu.memory_space<vmem>>
        %dma_start3A_420 = tpu.memref_squeeze %dma_start3A_419 : memref<1x125xi32, #tpu.memory_space<vmem>> -> memref<125xi32, #tpu.memory_space<vmem>>
        %dma_start3A_421 = arith.constant 0 : i32
        %dma_start3A_422 = arith.constant 0 : i32
        %dma_start3A_423 = tpu.memref_slice %arg2[%dma_start3A_421, %dma_start3A_422] : memref<10240x16xf32, #tpu.memory_space<hbm>> -> memref<10240x16xf32, #tpu.memory_space<hbm>>
        tpu.enqueue_indirect_dma source(%dma_start3A_423 : memref<10240x16xf32, #tpu.memory_space<hbm>>) target(%dma_start3A_417 : memref<125x16xf32, #tpu.memory_space<vmem>>) offsets(%dma_start3A_420 : memref<125xi32, #tpu.memory_space<vmem>>) semaphore(%arg16 : memref<!tpu.dma_semaphore, #tpu.memory_space<semaphore_mem>>)
      } else {
      }
      %mul3A_231 = arith.constant 8 : i32
      %mul3A_232 = arith.muli %mul3A_231, %scan3A_125 : i32
      %add3A_233 = arith.constant 3 : i32
      %add3A_234 = arith.addi %mul3A_232, %add3A_233 : i32
      %dma_wait3A_235 = arith.constant 0 : i32
      %dma_wait3A_236 = arith.constant 0 : i32
      %dma_wait3A_237 = tpu.memref_slice %arg7[%scan3A_64, %dma_wait3A_235, %dma_wait3A_236] : memref<8x125x16xf32, #tpu.memory_space<vmem>> -> memref<1x125x16xf32, #tpu.memory_space<vmem>>
      %dma_wait3A_238 = tpu.memref_squeeze %dma_wait3A_237 : memref<1x125x16xf32, #tpu.memory_space<vmem>> -> memref<125x16xf32, #tpu.memory_space<vmem>>
      %dma_wait3A_239 = arith.constant 0 : i32
      %dma_wait3A_240 = tpu.memref_slice %arg5[%add3A_234, %dma_wait3A_239] : memref<80x125xi32, #tpu.memory_space<vmem>> -> memref<1x125xi32, #tpu.memory_space<vmem>>
      %dma_wait3A_241 = tpu.memref_squeeze %dma_wait3A_240 : memref<1x125xi32, #tpu.memory_space<vmem>> -> memref<125xi32, #tpu.memory_space<vmem>>
      %dma_wait3A_242 = arith.constant 0 : i32
      %dma_wait3A_243 = arith.constant 0 : i32
      %dma_wait3A_244 = tpu.memref_slice %arg2[%dma_wait3A_242, %dma_wait3A_243] : memref<10240x16xf32, #tpu.memory_space<hbm>> -> memref<10240x16xf32, #tpu.memory_space<hbm>>
      tpu.wait_indirect_dma semaphore(%arg13 : memref<!tpu.dma_semaphore, #tpu.memory_space<semaphore_mem>>) src(%dma_wait3A_244 : memref<10240x16xf32, #tpu.memory_space<hbm>>) dst(%dma_wait3A_238 : memref<125x16xf32, #tpu.memory_space<vmem>>)
      %dma_start3A_245 = arith.constant 0 : i32
      %dma_start3A_246 = arith.constant 0 : i32
      %dma_start3A_247 = tpu.memref_slice %arg7[%scan3A_64, %dma_start3A_245, %dma_start3A_246] : memref<8x125x16xf32, #tpu.memory_space<vmem>> -> memref<1x125x16xf32, #tpu.memory_space<vmem>>
      %dma_start3A_248 = tpu.memref_squeeze %dma_start3A_247 : memref<1x125x16xf32, #tpu.memory_space<vmem>> -> memref<125x16xf32, #tpu.memory_space<vmem>>
      %dma_start3A_249 = arith.constant 0 : i32
      %dma_start3A_250 = tpu.memref_slice %arg6[%add3A_234, %dma_start3A_249] : memref<80x125xi32, #tpu.memory_space<vmem>> -> memref<1x125xi32, #tpu.memory_space<vmem>>
      %dma_start3A_251 = tpu.memref_squeeze %dma_start3A_250 : memref<1x125xi32, #tpu.memory_space<vmem>> -> memref<125xi32, #tpu.memory_space<vmem>>
      %dma_start3A_252 = arith.constant 0 : i32
      %dma_start3A_253 = arith.constant 0 : i32
      %dma_start3A_254 = tpu.memref_slice %arg9[%dma_start3A_252, %dma_start3A_253] : memref<10240x16xf32, #tpu.memory_space<vmem_shared>> -> memref<10240x16xf32, #tpu.memory_space<vmem_shared>>
      tpu.enqueue_indirect_dma source(%dma_start3A_248 : memref<125x16xf32, #tpu.memory_space<vmem>>) target(%dma_start3A_254 : memref<10240x16xf32, #tpu.memory_space<vmem_shared>>) offsets(%dma_start3A_251 : memref<125xi32, #tpu.memory_space<vmem>>) semaphore(%arg21 : memref<!tpu.dma_semaphore, #tpu.memory_space<semaphore_mem>>) {add = true}
      %ge3A_255 = arith.constant 4 : i32
      %ge3A_256 = arith.cmpi sge, %add3A_234, %ge3A_255 : i32
      %convert_element_type3A_257 = arith.extui %ge3A_256 : i1 to i32
      %cond3A_258 = arith.constant 0 : i32
      %cond3A_259 = arith.cmpi ne, %convert_element_type3A_257, %cond3A_258 : i32
      scf.if %cond3A_259 {
        %sub3A = arith.constant 4 : i32
        %sub3A_412 = arith.subi %add3A_234, %sub3A : i32
        %dma_wait3A_413 = arith.constant 0 : i32
        %dma_wait3A_414 = arith.constant 0 : i32
        %dma_wait3A_415 = tpu.memref_slice %arg7[%scan3A_65, %dma_wait3A_413, %dma_wait3A_414] : memref<8x125x16xf32, #tpu.memory_space<vmem>> -> memref<1x125x16xf32, #tpu.memory_space<vmem>>
        %dma_wait3A_416 = tpu.memref_squeeze %dma_wait3A_415 : memref<1x125x16xf32, #tpu.memory_space<vmem>> -> memref<125x16xf32, #tpu.memory_space<vmem>>
        %dma_wait3A_417 = arith.constant 0 : i32
        %dma_wait3A_418 = tpu.memref_slice %arg6[%sub3A_412, %dma_wait3A_417] : memref<80x125xi32, #tpu.memory_space<vmem>> -> memref<1x125xi32, #tpu.memory_space<vmem>>
        %dma_wait3A_419 = tpu.memref_squeeze %dma_wait3A_418 : memref<1x125xi32, #tpu.memory_space<vmem>> -> memref<125xi32, #tpu.memory_space<vmem>>
        %dma_wait3A_420 = arith.constant 0 : i32
        %dma_wait3A_421 = arith.constant 0 : i32
        %dma_wait3A_422 = tpu.memref_slice %arg9[%dma_wait3A_420, %dma_wait3A_421] : memref<10240x16xf32, #tpu.memory_space<vmem_shared>> -> memref<10240x16xf32, #tpu.memory_space<vmem_shared>>
        tpu.wait_indirect_dma semaphore(%arg25 : memref<!tpu.dma_semaphore, #tpu.memory_space<semaphore_mem>>) src(%dma_wait3A_416 : memref<125x16xf32, #tpu.memory_space<vmem>>) dst(%dma_wait3A_422 : memref<10240x16xf32, #tpu.memory_space<vmem_shared>>)
      } else {
      }
      %add3A_260 = arith.constant 4 : i32
      %add3A_261 = arith.addi %add3A_234, %add3A_260 : i32
      %lt3A_262 = arith.constant 80 : i32
      %lt3A_263 = arith.cmpi slt, %add3A_261, %lt3A_262 : i32
      %convert_element_type3A_264 = arith.extui %lt3A_263 : i1 to i32
      %cond3A_265 = arith.constant 0 : i32
      %cond3A_266 = arith.cmpi ne, %convert_element_type3A_264, %cond3A_265 : i32
      scf.if %cond3A_266 {
        %add3A_412 = arith.constant 4 : i32
        %add3A_413 = arith.addi %add3A_234, %add3A_412 : i32
        %dma_start3A_414 = arith.constant 0 : i32
        %dma_start3A_415 = arith.constant 0 : i32
        %dma_start3A_416 = tpu.memref_slice %arg7[%scan3A_65, %dma_start3A_414, %dma_start3A_415] : memref<8x125x16xf32, #tpu.memory_space<vmem>> -> memref<1x125x16xf32, #tpu.memory_space<vmem>>
        %dma_start3A_417 = tpu.memref_squeeze %dma_start3A_416 : memref<1x125x16xf32, #tpu.memory_space<vmem>> -> memref<125x16xf32, #tpu.memory_space<vmem>>
        %dma_start3A_418 = arith.constant 0 : i32
        %dma_start3A_419 = tpu.memref_slice %arg5[%add3A_413, %dma_start3A_418] : memref<80x125xi32, #tpu.memory_space<vmem>> -> memref<1x125xi32, #tpu.memory_space<vmem>>
        %dma_start3A_420 = tpu.memref_squeeze %dma_start3A_419 : memref<1x125xi32, #tpu.memory_space<vmem>> -> memref<125xi32, #tpu.memory_space<vmem>>
        %dma_start3A_421 = arith.constant 0 : i32
        %dma_start3A_422 = arith.constant 0 : i32
        %dma_start3A_423 = tpu.memref_slice %arg2[%dma_start3A_421, %dma_start3A_422] : memref<10240x16xf32, #tpu.memory_space<hbm>> -> memref<10240x16xf32, #tpu.memory_space<hbm>>
        tpu.enqueue_indirect_dma source(%dma_start3A_423 : memref<10240x16xf32, #tpu.memory_space<hbm>>) target(%dma_start3A_417 : memref<125x16xf32, #tpu.memory_space<vmem>>) offsets(%dma_start3A_420 : memref<125xi32, #tpu.memory_space<vmem>>) semaphore(%arg17 : memref<!tpu.dma_semaphore, #tpu.memory_space<semaphore_mem>>)
      } else {
      }
      %mul3A_267 = arith.constant 8 : i32
      %mul3A_268 = arith.muli %mul3A_267, %scan3A_125 : i32
      %add3A_269 = arith.constant 4 : i32
      %add3A_270 = arith.addi %mul3A_268, %add3A_269 : i32
      %dma_wait3A_271 = arith.constant 0 : i32
      %dma_wait3A_272 = arith.constant 0 : i32
      %dma_wait3A_273 = tpu.memref_slice %arg7[%scan3A_59, %dma_wait3A_271, %dma_wait3A_272] : memref<8x125x16xf32, #tpu.memory_space<vmem>> -> memref<1x125x16xf32, #tpu.memory_space<vmem>>
      %dma_wait3A_274 = tpu.memref_squeeze %dma_wait3A_273 : memref<1x125x16xf32, #tpu.memory_space<vmem>> -> memref<125x16xf32, #tpu.memory_space<vmem>>
      %dma_wait3A_275 = arith.constant 0 : i32
      %dma_wait3A_276 = tpu.memref_slice %arg5[%add3A_270, %dma_wait3A_275] : memref<80x125xi32, #tpu.memory_space<vmem>> -> memref<1x125xi32, #tpu.memory_space<vmem>>
      %dma_wait3A_277 = tpu.memref_squeeze %dma_wait3A_276 : memref<1x125xi32, #tpu.memory_space<vmem>> -> memref<125xi32, #tpu.memory_space<vmem>>
      %dma_wait3A_278 = arith.constant 0 : i32
      %dma_wait3A_279 = arith.constant 0 : i32
      %dma_wait3A_280 = tpu.memref_slice %arg2[%dma_wait3A_278, %dma_wait3A_279] : memref<10240x16xf32, #tpu.memory_space<hbm>> -> memref<10240x16xf32, #tpu.memory_space<hbm>>
      tpu.wait_indirect_dma semaphore(%arg14 : memref<!tpu.dma_semaphore, #tpu.memory_space<semaphore_mem>>) src(%dma_wait3A_280 : memref<10240x16xf32, #tpu.memory_space<hbm>>) dst(%dma_wait3A_274 : memref<125x16xf32, #tpu.memory_space<vmem>>)
      %dma_start3A_281 = arith.constant 0 : i32
      %dma_start3A_282 = arith.constant 0 : i32
      %dma_start3A_283 = tpu.memref_slice %arg7[%scan3A_59, %dma_start3A_281, %dma_start3A_282] : memref<8x125x16xf32, #tpu.memory_space<vmem>> -> memref<1x125x16xf32, #tpu.memory_space<vmem>>
      %dma_start3A_284 = tpu.memref_squeeze %dma_start3A_283 : memref<1x125x16xf32, #tpu.memory_space<vmem>> -> memref<125x16xf32, #tpu.memory_space<vmem>>
      %dma_start3A_285 = arith.constant 0 : i32
      %dma_start3A_286 = tpu.memref_slice %arg6[%add3A_270, %dma_start3A_285] : memref<80x125xi32, #tpu.memory_space<vmem>> -> memref<1x125xi32, #tpu.memory_space<vmem>>
      %dma_start3A_287 = tpu.memref_squeeze %dma_start3A_286 : memref<1x125xi32, #tpu.memory_space<vmem>> -> memref<125xi32, #tpu.memory_space<vmem>>
      %dma_start3A_288 = arith.constant 0 : i32
      %dma_start3A_289 = arith.constant 0 : i32
      %dma_start3A_290 = tpu.memref_slice %arg9[%dma_start3A_288, %dma_start3A_289] : memref<10240x16xf32, #tpu.memory_space<vmem_shared>> -> memref<10240x16xf32, #tpu.memory_space<vmem_shared>>
      tpu.enqueue_indirect_dma source(%dma_start3A_284 : memref<125x16xf32, #tpu.memory_space<vmem>>) target(%dma_start3A_290 : memref<10240x16xf32, #tpu.memory_space<vmem_shared>>) offsets(%dma_start3A_287 : memref<125xi32, #tpu.memory_space<vmem>>) semaphore(%arg22 : memref<!tpu.dma_semaphore, #tpu.memory_space<semaphore_mem>>) {add = true}
      %ge3A_291 = arith.constant 4 : i32
      %ge3A_292 = arith.cmpi sge, %add3A_270, %ge3A_291 : i32
      %convert_element_type3A_293 = arith.extui %ge3A_292 : i1 to i32
      %cond3A_294 = arith.constant 0 : i32
      %cond3A_295 = arith.cmpi ne, %convert_element_type3A_293, %cond3A_294 : i32
      scf.if %cond3A_295 {
        %sub3A = arith.constant 4 : i32
        %sub3A_412 = arith.subi %add3A_270, %sub3A : i32
        %dma_wait3A_413 = arith.constant 0 : i32
        %dma_wait3A_414 = arith.constant 0 : i32
        %dma_wait3A_415 = tpu.memref_slice %arg7[%scan3A_58, %dma_wait3A_413, %dma_wait3A_414] : memref<8x125x16xf32, #tpu.memory_space<vmem>> -> memref<1x125x16xf32, #tpu.memory_space<vmem>>
        %dma_wait3A_416 = tpu.memref_squeeze %dma_wait3A_415 : memref<1x125x16xf32, #tpu.memory_space<vmem>> -> memref<125x16xf32, #tpu.memory_space<vmem>>
        %dma_wait3A_417 = arith.constant 0 : i32
        %dma_wait3A_418 = tpu.memref_slice %arg6[%sub3A_412, %dma_wait3A_417] : memref<80x125xi32, #tpu.memory_space<vmem>> -> memref<1x125xi32, #tpu.memory_space<vmem>>
        %dma_wait3A_419 = tpu.memref_squeeze %dma_wait3A_418 : memref<1x125xi32, #tpu.memory_space<vmem>> -> memref<125xi32, #tpu.memory_space<vmem>>
        %dma_wait3A_420 = arith.constant 0 : i32
        %dma_wait3A_421 = arith.constant 0 : i32
        %dma_wait3A_422 = tpu.memref_slice %arg9[%dma_wait3A_420, %dma_wait3A_421] : memref<10240x16xf32, #tpu.memory_space<vmem_shared>> -> memref<10240x16xf32, #tpu.memory_space<vmem_shared>>
        tpu.wait_indirect_dma semaphore(%arg18 : memref<!tpu.dma_semaphore, #tpu.memory_space<semaphore_mem>>) src(%dma_wait3A_416 : memref<125x16xf32, #tpu.memory_space<vmem>>) dst(%dma_wait3A_422 : memref<10240x16xf32, #tpu.memory_space<vmem_shared>>)
      } else {
      }
      %add3A_296 = arith.constant 4 : i32
      %add3A_297 = arith.addi %add3A_270, %add3A_296 : i32
      %lt3A_298 = arith.constant 80 : i32
      %lt3A_299 = arith.cmpi slt, %add3A_297, %lt3A_298 : i32
      %convert_element_type3A_300 = arith.extui %lt3A_299 : i1 to i32
      %cond3A_301 = arith.constant 0 : i32
      %cond3A_302 = arith.cmpi ne, %convert_element_type3A_300, %cond3A_301 : i32
      scf.if %cond3A_302 {
        %add3A_412 = arith.constant 4 : i32
        %add3A_413 = arith.addi %add3A_270, %add3A_412 : i32
        %dma_start3A_414 = arith.constant 0 : i32
        %dma_start3A_415 = arith.constant 0 : i32
        %dma_start3A_416 = tpu.memref_slice %arg7[%scan3A_58, %dma_start3A_414, %dma_start3A_415] : memref<8x125x16xf32, #tpu.memory_space<vmem>> -> memref<1x125x16xf32, #tpu.memory_space<vmem>>
        %dma_start3A_417 = tpu.memref_squeeze %dma_start3A_416 : memref<1x125x16xf32, #tpu.memory_space<vmem>> -> memref<125x16xf32, #tpu.memory_space<vmem>>
        %dma_start3A_418 = arith.constant 0 : i32
        %dma_start3A_419 = tpu.memref_slice %arg5[%add3A_413, %dma_start3A_418] : memref<80x125xi32, #tpu.memory_space<vmem>> -> memref<1x125xi32, #tpu.memory_space<vmem>>
        %dma_start3A_420 = tpu.memref_squeeze %dma_start3A_419 : memref<1x125xi32, #tpu.memory_space<vmem>> -> memref<125xi32, #tpu.memory_space<vmem>>
        %dma_start3A_421 = arith.constant 0 : i32
        %dma_start3A_422 = arith.constant 0 : i32
        %dma_start3A_423 = tpu.memref_slice %arg2[%dma_start3A_421, %dma_start3A_422] : memref<10240x16xf32, #tpu.memory_space<hbm>> -> memref<10240x16xf32, #tpu.memory_space<hbm>>
        tpu.enqueue_indirect_dma source(%dma_start3A_423 : memref<10240x16xf32, #tpu.memory_space<hbm>>) target(%dma_start3A_417 : memref<125x16xf32, #tpu.memory_space<vmem>>) offsets(%dma_start3A_420 : memref<125xi32, #tpu.memory_space<vmem>>) semaphore(%arg10 : memref<!tpu.dma_semaphore, #tpu.memory_space<semaphore_mem>>)
      } else {
      }
      %mul3A_303 = arith.constant 8 : i32
      %mul3A_304 = arith.muli %mul3A_303, %scan3A_125 : i32
      %add3A_305 = arith.constant 5 : i32
      %add3A_306 = arith.addi %mul3A_304, %add3A_305 : i32
      %dma_wait3A_307 = arith.constant 0 : i32
      %dma_wait3A_308 = arith.constant 0 : i32
      %dma_wait3A_309 = tpu.memref_slice %arg7[%scan3A_61, %dma_wait3A_307, %dma_wait3A_308] : memref<8x125x16xf32, #tpu.memory_space<vmem>> -> memref<1x125x16xf32, #tpu.memory_space<vmem>>
      %dma_wait3A_310 = tpu.memref_squeeze %dma_wait3A_309 : memref<1x125x16xf32, #tpu.memory_space<vmem>> -> memref<125x16xf32, #tpu.memory_space<vmem>>
      %dma_wait3A_311 = arith.constant 0 : i32
      %dma_wait3A_312 = tpu.memref_slice %arg5[%add3A_306, %dma_wait3A_311] : memref<80x125xi32, #tpu.memory_space<vmem>> -> memref<1x125xi32, #tpu.memory_space<vmem>>
      %dma_wait3A_313 = tpu.memref_squeeze %dma_wait3A_312 : memref<1x125xi32, #tpu.memory_space<vmem>> -> memref<125xi32, #tpu.memory_space<vmem>>
      %dma_wait3A_314 = arith.constant 0 : i32
      %dma_wait3A_315 = arith.constant 0 : i32
      %dma_wait3A_316 = tpu.memref_slice %arg2[%dma_wait3A_314, %dma_wait3A_315] : memref<10240x16xf32, #tpu.memory_space<hbm>> -> memref<10240x16xf32, #tpu.memory_space<hbm>>
      tpu.wait_indirect_dma semaphore(%arg15 : memref<!tpu.dma_semaphore, #tpu.memory_space<semaphore_mem>>) src(%dma_wait3A_316 : memref<10240x16xf32, #tpu.memory_space<hbm>>) dst(%dma_wait3A_310 : memref<125x16xf32, #tpu.memory_space<vmem>>)
      %dma_start3A_317 = arith.constant 0 : i32
      %dma_start3A_318 = arith.constant 0 : i32
      %dma_start3A_319 = tpu.memref_slice %arg7[%scan3A_61, %dma_start3A_317, %dma_start3A_318] : memref<8x125x16xf32, #tpu.memory_space<vmem>> -> memref<1x125x16xf32, #tpu.memory_space<vmem>>
      %dma_start3A_320 = tpu.memref_squeeze %dma_start3A_319 : memref<1x125x16xf32, #tpu.memory_space<vmem>> -> memref<125x16xf32, #tpu.memory_space<vmem>>
      %dma_start3A_321 = arith.constant 0 : i32
      %dma_start3A_322 = tpu.memref_slice %arg6[%add3A_306, %dma_start3A_321] : memref<80x125xi32, #tpu.memory_space<vmem>> -> memref<1x125xi32, #tpu.memory_space<vmem>>
      %dma_start3A_323 = tpu.memref_squeeze %dma_start3A_322 : memref<1x125xi32, #tpu.memory_space<vmem>> -> memref<125xi32, #tpu.memory_space<vmem>>
      %dma_start3A_324 = arith.constant 0 : i32
      %dma_start3A_325 = arith.constant 0 : i32
      %dma_start3A_326 = tpu.memref_slice %arg9[%dma_start3A_324, %dma_start3A_325] : memref<10240x16xf32, #tpu.memory_space<vmem_shared>> -> memref<10240x16xf32, #tpu.memory_space<vmem_shared>>
      tpu.enqueue_indirect_dma source(%dma_start3A_320 : memref<125x16xf32, #tpu.memory_space<vmem>>) target(%dma_start3A_326 : memref<10240x16xf32, #tpu.memory_space<vmem_shared>>) offsets(%dma_start3A_323 : memref<125xi32, #tpu.memory_space<vmem>>) semaphore(%arg23 : memref<!tpu.dma_semaphore, #tpu.memory_space<semaphore_mem>>) {add = true}
      %ge3A_327 = arith.constant 4 : i32
      %ge3A_328 = arith.cmpi sge, %add3A_306, %ge3A_327 : i32
      %convert_element_type3A_329 = arith.extui %ge3A_328 : i1 to i32
      %cond3A_330 = arith.constant 0 : i32
      %cond3A_331 = arith.cmpi ne, %convert_element_type3A_329, %cond3A_330 : i32
      scf.if %cond3A_331 {
        %sub3A = arith.constant 4 : i32
        %sub3A_412 = arith.subi %add3A_306, %sub3A : i32
        %dma_wait3A_413 = arith.constant 0 : i32
        %dma_wait3A_414 = arith.constant 0 : i32
        %dma_wait3A_415 = tpu.memref_slice %arg7[%scan3A_60, %dma_wait3A_413, %dma_wait3A_414] : memref<8x125x16xf32, #tpu.memory_space<vmem>> -> memref<1x125x16xf32, #tpu.memory_space<vmem>>
        %dma_wait3A_416 = tpu.memref_squeeze %dma_wait3A_415 : memref<1x125x16xf32, #tpu.memory_space<vmem>> -> memref<125x16xf32, #tpu.memory_space<vmem>>
        %dma_wait3A_417 = arith.constant 0 : i32
        %dma_wait3A_418 = tpu.memref_slice %arg6[%sub3A_412, %dma_wait3A_417] : memref<80x125xi32, #tpu.memory_space<vmem>> -> memref<1x125xi32, #tpu.memory_space<vmem>>
        %dma_wait3A_419 = tpu.memref_squeeze %dma_wait3A_418 : memref<1x125xi32, #tpu.memory_space<vmem>> -> memref<125xi32, #tpu.memory_space<vmem>>
        %dma_wait3A_420 = arith.constant 0 : i32
        %dma_wait3A_421 = arith.constant 0 : i32
        %dma_wait3A_422 = tpu.memref_slice %arg9[%dma_wait3A_420, %dma_wait3A_421] : memref<10240x16xf32, #tpu.memory_space<vmem_shared>> -> memref<10240x16xf32, #tpu.memory_space<vmem_shared>>
        tpu.wait_indirect_dma semaphore(%arg19 : memref<!tpu.dma_semaphore, #tpu.memory_space<semaphore_mem>>) src(%dma_wait3A_416 : memref<125x16xf32, #tpu.memory_space<vmem>>) dst(%dma_wait3A_422 : memref<10240x16xf32, #tpu.memory_space<vmem_shared>>)
      } else {
      }
      %add3A_332 = arith.constant 4 : i32
      %add3A_333 = arith.addi %add3A_306, %add3A_332 : i32
      %lt3A_334 = arith.constant 80 : i32
      %lt3A_335 = arith.cmpi slt, %add3A_333, %lt3A_334 : i32
      %convert_element_type3A_336 = arith.extui %lt3A_335 : i1 to i32
      %cond3A_337 = arith.constant 0 : i32
      %cond3A_338 = arith.cmpi ne, %convert_element_type3A_336, %cond3A_337 : i32
      scf.if %cond3A_338 {
        %add3A_412 = arith.constant 4 : i32
        %add3A_413 = arith.addi %add3A_306, %add3A_412 : i32
        %dma_start3A_414 = arith.constant 0 : i32
        %dma_start3A_415 = arith.constant 0 : i32
        %dma_start3A_416 = tpu.memref_slice %arg7[%scan3A_60, %dma_start3A_414, %dma_start3A_415] : memref<8x125x16xf32, #tpu.memory_space<vmem>> -> memref<1x125x16xf32, #tpu.memory_space<vmem>>
        %dma_start3A_417 = tpu.memref_squeeze %dma_start3A_416 : memref<1x125x16xf32, #tpu.memory_space<vmem>> -> memref<125x16xf32, #tpu.memory_space<vmem>>
        %dma_start3A_418 = arith.constant 0 : i32
        %dma_start3A_419 = tpu.memref_slice %arg5[%add3A_413, %dma_start3A_418] : memref<80x125xi32, #tpu.memory_space<vmem>> -> memref<1x125xi32, #tpu.memory_space<vmem>>
        %dma_start3A_420 = tpu.memref_squeeze %dma_start3A_419 : memref<1x125xi32, #tpu.memory_space<vmem>> -> memref<125xi32, #tpu.memory_space<vmem>>
        %dma_start3A_421 = arith.constant 0 : i32
        %dma_start3A_422 = arith.constant 0 : i32
        %dma_start3A_423 = tpu.memref_slice %arg2[%dma_start3A_421, %dma_start3A_422] : memref<10240x16xf32, #tpu.memory_space<hbm>> -> memref<10240x16xf32, #tpu.memory_space<hbm>>
        tpu.enqueue_indirect_dma source(%dma_start3A_423 : memref<10240x16xf32, #tpu.memory_space<hbm>>) target(%dma_start3A_417 : memref<125x16xf32, #tpu.memory_space<vmem>>) offsets(%dma_start3A_420 : memref<125xi32, #tpu.memory_space<vmem>>) semaphore(%arg11 : memref<!tpu.dma_semaphore, #tpu.memory_space<semaphore_mem>>)
      } else {
      }
      %mul3A_339 = arith.constant 8 : i32
      %mul3A_340 = arith.muli %mul3A_339, %scan3A_125 : i32
      %add3A_341 = arith.constant 6 : i32
      %add3A_342 = arith.addi %mul3A_340, %add3A_341 : i32
      %dma_wait3A_343 = arith.constant 0 : i32
      %dma_wait3A_344 = arith.constant 0 : i32
      %dma_wait3A_345 = tpu.memref_slice %arg7[%scan3A_63, %dma_wait3A_343, %dma_wait3A_344] : memref<8x125x16xf32, #tpu.memory_space<vmem>> -> memref<1x125x16xf32, #tpu.memory_space<vmem>>
      %dma_wait3A_346 = tpu.memref_squeeze %dma_wait3A_345 : memref<1x125x16xf32, #tpu.memory_space<vmem>> -> memref<125x16xf32, #tpu.memory_space<vmem>>
      %dma_wait3A_347 = arith.constant 0 : i32
      %dma_wait3A_348 = tpu.memref_slice %arg5[%add3A_342, %dma_wait3A_347] : memref<80x125xi32, #tpu.memory_space<vmem>> -> memref<1x125xi32, #tpu.memory_space<vmem>>
      %dma_wait3A_349 = tpu.memref_squeeze %dma_wait3A_348 : memref<1x125xi32, #tpu.memory_space<vmem>> -> memref<125xi32, #tpu.memory_space<vmem>>
      %dma_wait3A_350 = arith.constant 0 : i32
      %dma_wait3A_351 = arith.constant 0 : i32
      %dma_wait3A_352 = tpu.memref_slice %arg2[%dma_wait3A_350, %dma_wait3A_351] : memref<10240x16xf32, #tpu.memory_space<hbm>> -> memref<10240x16xf32, #tpu.memory_space<hbm>>
      tpu.wait_indirect_dma semaphore(%arg16 : memref<!tpu.dma_semaphore, #tpu.memory_space<semaphore_mem>>) src(%dma_wait3A_352 : memref<10240x16xf32, #tpu.memory_space<hbm>>) dst(%dma_wait3A_346 : memref<125x16xf32, #tpu.memory_space<vmem>>)
      %dma_start3A_353 = arith.constant 0 : i32
      %dma_start3A_354 = arith.constant 0 : i32
      %dma_start3A_355 = tpu.memref_slice %arg7[%scan3A_63, %dma_start3A_353, %dma_start3A_354] : memref<8x125x16xf32, #tpu.memory_space<vmem>> -> memref<1x125x16xf32, #tpu.memory_space<vmem>>
      %dma_start3A_356 = tpu.memref_squeeze %dma_start3A_355 : memref<1x125x16xf32, #tpu.memory_space<vmem>> -> memref<125x16xf32, #tpu.memory_space<vmem>>
      %dma_start3A_357 = arith.constant 0 : i32
      %dma_start3A_358 = tpu.memref_slice %arg6[%add3A_342, %dma_start3A_357] : memref<80x125xi32, #tpu.memory_space<vmem>> -> memref<1x125xi32, #tpu.memory_space<vmem>>
      %dma_start3A_359 = tpu.memref_squeeze %dma_start3A_358 : memref<1x125xi32, #tpu.memory_space<vmem>> -> memref<125xi32, #tpu.memory_space<vmem>>
      %dma_start3A_360 = arith.constant 0 : i32
      %dma_start3A_361 = arith.constant 0 : i32
      %dma_start3A_362 = tpu.memref_slice %arg9[%dma_start3A_360, %dma_start3A_361] : memref<10240x16xf32, #tpu.memory_space<vmem_shared>> -> memref<10240x16xf32, #tpu.memory_space<vmem_shared>>
      tpu.enqueue_indirect_dma source(%dma_start3A_356 : memref<125x16xf32, #tpu.memory_space<vmem>>) target(%dma_start3A_362 : memref<10240x16xf32, #tpu.memory_space<vmem_shared>>) offsets(%dma_start3A_359 : memref<125xi32, #tpu.memory_space<vmem>>) semaphore(%arg24 : memref<!tpu.dma_semaphore, #tpu.memory_space<semaphore_mem>>) {add = true}
      %ge3A_363 = arith.constant 4 : i32
      %ge3A_364 = arith.cmpi sge, %add3A_342, %ge3A_363 : i32
      %convert_element_type3A_365 = arith.extui %ge3A_364 : i1 to i32
      %cond3A_366 = arith.constant 0 : i32
      %cond3A_367 = arith.cmpi ne, %convert_element_type3A_365, %cond3A_366 : i32
      scf.if %cond3A_367 {
        %sub3A = arith.constant 4 : i32
        %sub3A_412 = arith.subi %add3A_342, %sub3A : i32
        %dma_wait3A_413 = arith.constant 0 : i32
        %dma_wait3A_414 = arith.constant 0 : i32
        %dma_wait3A_415 = tpu.memref_slice %arg7[%scan3A_62, %dma_wait3A_413, %dma_wait3A_414] : memref<8x125x16xf32, #tpu.memory_space<vmem>> -> memref<1x125x16xf32, #tpu.memory_space<vmem>>
        %dma_wait3A_416 = tpu.memref_squeeze %dma_wait3A_415 : memref<1x125x16xf32, #tpu.memory_space<vmem>> -> memref<125x16xf32, #tpu.memory_space<vmem>>
        %dma_wait3A_417 = arith.constant 0 : i32
        %dma_wait3A_418 = tpu.memref_slice %arg6[%sub3A_412, %dma_wait3A_417] : memref<80x125xi32, #tpu.memory_space<vmem>> -> memref<1x125xi32, #tpu.memory_space<vmem>>
        %dma_wait3A_419 = tpu.memref_squeeze %dma_wait3A_418 : memref<1x125xi32, #tpu.memory_space<vmem>> -> memref<125xi32, #tpu.memory_space<vmem>>
        %dma_wait3A_420 = arith.constant 0 : i32
        %dma_wait3A_421 = arith.constant 0 : i32
        %dma_wait3A_422 = tpu.memref_slice %arg9[%dma_wait3A_420, %dma_wait3A_421] : memref<10240x16xf32, #tpu.memory_space<vmem_shared>> -> memref<10240x16xf32, #tpu.memory_space<vmem_shared>>
        tpu.wait_indirect_dma semaphore(%arg20 : memref<!tpu.dma_semaphore, #tpu.memory_space<semaphore_mem>>) src(%dma_wait3A_416 : memref<125x16xf32, #tpu.memory_space<vmem>>) dst(%dma_wait3A_422 : memref<10240x16xf32, #tpu.memory_space<vmem_shared>>)
      } else {
      }
      %add3A_368 = arith.constant 4 : i32
      %add3A_369 = arith.addi %add3A_342, %add3A_368 : i32
      %lt3A_370 = arith.constant 80 : i32
      %lt3A_371 = arith.cmpi slt, %add3A_369, %lt3A_370 : i32
      %convert_element_type3A_372 = arith.extui %lt3A_371 : i1 to i32
      %cond3A_373 = arith.constant 0 : i32
      %cond3A_374 = arith.cmpi ne, %convert_element_type3A_372, %cond3A_373 : i32
      scf.if %cond3A_374 {
        %add3A_412 = arith.constant 4 : i32
        %add3A_413 = arith.addi %add3A_342, %add3A_412 : i32
        %dma_start3A_414 = arith.constant 0 : i32
        %dma_start3A_415 = arith.constant 0 : i32
        %dma_start3A_416 = tpu.memref_slice %arg7[%scan3A_62, %dma_start3A_414, %dma_start3A_415] : memref<8x125x16xf32, #tpu.memory_space<vmem>> -> memref<1x125x16xf32, #tpu.memory_space<vmem>>
        %dma_start3A_417 = tpu.memref_squeeze %dma_start3A_416 : memref<1x125x16xf32, #tpu.memory_space<vmem>> -> memref<125x16xf32, #tpu.memory_space<vmem>>
        %dma_start3A_418 = arith.constant 0 : i32
        %dma_start3A_419 = tpu.memref_slice %arg5[%add3A_413, %dma_start3A_418] : memref<80x125xi32, #tpu.memory_space<vmem>> -> memref<1x125xi32, #tpu.memory_space<vmem>>
        %dma_start3A_420 = tpu.memref_squeeze %dma_start3A_419 : memref<1x125xi32, #tpu.memory_space<vmem>> -> memref<125xi32, #tpu.memory_space<vmem>>
        %dma_start3A_421 = arith.constant 0 : i32
        %dma_start3A_422 = arith.constant 0 : i32
        %dma_start3A_423 = tpu.memref_slice %arg2[%dma_start3A_421, %dma_start3A_422] : memref<10240x16xf32, #tpu.memory_space<hbm>> -> memref<10240x16xf32, #tpu.memory_space<hbm>>
        tpu.enqueue_indirect_dma source(%dma_start3A_423 : memref<10240x16xf32, #tpu.memory_space<hbm>>) target(%dma_start3A_417 : memref<125x16xf32, #tpu.memory_space<vmem>>) offsets(%dma_start3A_420 : memref<125xi32, #tpu.memory_space<vmem>>) semaphore(%arg12 : memref<!tpu.dma_semaphore, #tpu.memory_space<semaphore_mem>>)
      } else {
      }
      %mul3A_375 = arith.constant 8 : i32
      %mul3A_376 = arith.muli %mul3A_375, %scan3A_125 : i32
      %add3A_377 = arith.constant 7 : i32
      %add3A_378 = arith.addi %mul3A_376, %add3A_377 : i32
      %dma_wait3A_379 = arith.constant 0 : i32
      %dma_wait3A_380 = arith.constant 0 : i32
      %dma_wait3A_381 = tpu.memref_slice %arg7[%scan3A_65, %dma_wait3A_379, %dma_wait3A_380] : memref<8x125x16xf32, #tpu.memory_space<vmem>> -> memref<1x125x16xf32, #tpu.memory_space<vmem>>
      %dma_wait3A_382 = tpu.memref_squeeze %dma_wait3A_381 : memref<1x125x16xf32, #tpu.memory_space<vmem>> -> memref<125x16xf32, #tpu.memory_space<vmem>>
      %dma_wait3A_383 = arith.constant 0 : i32
      %dma_wait3A_384 = tpu.memref_slice %arg5[%add3A_378, %dma_wait3A_383] : memref<80x125xi32, #tpu.memory_space<vmem>> -> memref<1x125xi32, #tpu.memory_space<vmem>>
      %dma_wait3A_385 = tpu.memref_squeeze %dma_wait3A_384 : memref<1x125xi32, #tpu.memory_space<vmem>> -> memref<125xi32, #tpu.memory_space<vmem>>
      %dma_wait3A_386 = arith.constant 0 : i32
      %dma_wait3A_387 = arith.constant 0 : i32
      %dma_wait3A_388 = tpu.memref_slice %arg2[%dma_wait3A_386, %dma_wait3A_387] : memref<10240x16xf32, #tpu.memory_space<hbm>> -> memref<10240x16xf32, #tpu.memory_space<hbm>>
      tpu.wait_indirect_dma semaphore(%arg17 : memref<!tpu.dma_semaphore, #tpu.memory_space<semaphore_mem>>) src(%dma_wait3A_388 : memref<10240x16xf32, #tpu.memory_space<hbm>>) dst(%dma_wait3A_382 : memref<125x16xf32, #tpu.memory_space<vmem>>)
      %dma_start3A_389 = arith.constant 0 : i32
      %dma_start3A_390 = arith.constant 0 : i32
      %dma_start3A_391 = tpu.memref_slice %arg7[%scan3A_65, %dma_start3A_389, %dma_start3A_390] : memref<8x125x16xf32, #tpu.memory_space<vmem>> -> memref<1x125x16xf32, #tpu.memory_space<vmem>>
      %dma_start3A_392 = tpu.memref_squeeze %dma_start3A_391 : memref<1x125x16xf32, #tpu.memory_space<vmem>> -> memref<125x16xf32, #tpu.memory_space<vmem>>
      %dma_start3A_393 = arith.constant 0 : i32
      %dma_start3A_394 = tpu.memref_slice %arg6[%add3A_378, %dma_start3A_393] : memref<80x125xi32, #tpu.memory_space<vmem>> -> memref<1x125xi32, #tpu.memory_space<vmem>>
      %dma_start3A_395 = tpu.memref_squeeze %dma_start3A_394 : memref<1x125xi32, #tpu.memory_space<vmem>> -> memref<125xi32, #tpu.memory_space<vmem>>
      %dma_start3A_396 = arith.constant 0 : i32
      %dma_start3A_397 = arith.constant 0 : i32
      %dma_start3A_398 = tpu.memref_slice %arg9[%dma_start3A_396, %dma_start3A_397] : memref<10240x16xf32, #tpu.memory_space<vmem_shared>> -> memref<10240x16xf32, #tpu.memory_space<vmem_shared>>
      tpu.enqueue_indirect_dma source(%dma_start3A_392 : memref<125x16xf32, #tpu.memory_space<vmem>>) target(%dma_start3A_398 : memref<10240x16xf32, #tpu.memory_space<vmem_shared>>) offsets(%dma_start3A_395 : memref<125xi32, #tpu.memory_space<vmem>>) semaphore(%arg25 : memref<!tpu.dma_semaphore, #tpu.memory_space<semaphore_mem>>) {add = true}
      %ge3A_399 = arith.constant 4 : i32
      %ge3A_400 = arith.cmpi sge, %add3A_378, %ge3A_399 : i32
      %convert_element_type3A_401 = arith.extui %ge3A_400 : i1 to i32
      %cond3A_402 = arith.constant 0 : i32
      %cond3A_403 = arith.cmpi ne, %convert_element_type3A_401, %cond3A_402 : i32
      scf.if %cond3A_403 {
        %sub3A = arith.constant 4 : i32
        %sub3A_412 = arith.subi %add3A_378, %sub3A : i32
        %dma_wait3A_413 = arith.constant 0 : i32
        %dma_wait3A_414 = arith.constant 0 : i32
        %dma_wait3A_415 = tpu.memref_slice %arg7[%scan3A_64, %dma_wait3A_413, %dma_wait3A_414] : memref<8x125x16xf32, #tpu.memory_space<vmem>> -> memref<1x125x16xf32, #tpu.memory_space<vmem>>
        %dma_wait3A_416 = tpu.memref_squeeze %dma_wait3A_415 : memref<1x125x16xf32, #tpu.memory_space<vmem>> -> memref<125x16xf32, #tpu.memory_space<vmem>>
        %dma_wait3A_417 = arith.constant 0 : i32
        %dma_wait3A_418 = tpu.memref_slice %arg6[%sub3A_412, %dma_wait3A_417] : memref<80x125xi32, #tpu.memory_space<vmem>> -> memref<1x125xi32, #tpu.memory_space<vmem>>
        %dma_wait3A_419 = tpu.memref_squeeze %dma_wait3A_418 : memref<1x125xi32, #tpu.memory_space<vmem>> -> memref<125xi32, #tpu.memory_space<vmem>>
        %dma_wait3A_420 = arith.constant 0 : i32
        %dma_wait3A_421 = arith.constant 0 : i32
        %dma_wait3A_422 = tpu.memref_slice %arg9[%dma_wait3A_420, %dma_wait3A_421] : memref<10240x16xf32, #tpu.memory_space<vmem_shared>> -> memref<10240x16xf32, #tpu.memory_space<vmem_shared>>
        tpu.wait_indirect_dma semaphore(%arg21 : memref<!tpu.dma_semaphore, #tpu.memory_space<semaphore_mem>>) src(%dma_wait3A_416 : memref<125x16xf32, #tpu.memory_space<vmem>>) dst(%dma_wait3A_422 : memref<10240x16xf32, #tpu.memory_space<vmem_shared>>)
      } else {
      }
      %add3A_404 = arith.constant 4 : i32
      %add3A_405 = arith.addi %add3A_378, %add3A_404 : i32
      %lt3A_406 = arith.constant 80 : i32
      %lt3A_407 = arith.cmpi slt, %add3A_405, %lt3A_406 : i32
      %convert_element_type3A_408 = arith.extui %lt3A_407 : i1 to i32
      %cond3A_409 = arith.constant 0 : i32
      %cond3A_410 = arith.cmpi ne, %convert_element_type3A_408, %cond3A_409 : i32
      scf.if %cond3A_410 {
        %add3A_412 = arith.constant 4 : i32
        %add3A_413 = arith.addi %add3A_378, %add3A_412 : i32
        %dma_start3A_414 = arith.constant 0 : i32
        %dma_start3A_415 = arith.constant 0 : i32
        %dma_start3A_416 = tpu.memref_slice %arg7[%scan3A_64, %dma_start3A_414, %dma_start3A_415] : memref<8x125x16xf32, #tpu.memory_space<vmem>> -> memref<1x125x16xf32, #tpu.memory_space<vmem>>
        %dma_start3A_417 = tpu.memref_squeeze %dma_start3A_416 : memref<1x125x16xf32, #tpu.memory_space<vmem>> -> memref<125x16xf32, #tpu.memory_space<vmem>>
        %dma_start3A_418 = arith.constant 0 : i32
        %dma_start3A_419 = tpu.memref_slice %arg5[%add3A_413, %dma_start3A_418] : memref<80x125xi32, #tpu.memory_space<vmem>> -> memref<1x125xi32, #tpu.memory_space<vmem>>
        %dma_start3A_420 = tpu.memref_squeeze %dma_start3A_419 : memref<1x125xi32, #tpu.memory_space<vmem>> -> memref<125xi32, #tpu.memory_space<vmem>>
        %dma_start3A_421 = arith.constant 0 : i32
        %dma_start3A_422 = arith.constant 0 : i32
        %dma_start3A_423 = tpu.memref_slice %arg2[%dma_start3A_421, %dma_start3A_422] : memref<10240x16xf32, #tpu.memory_space<hbm>> -> memref<10240x16xf32, #tpu.memory_space<hbm>>
        tpu.enqueue_indirect_dma source(%dma_start3A_423 : memref<10240x16xf32, #tpu.memory_space<hbm>>) target(%dma_start3A_417 : memref<125x16xf32, #tpu.memory_space<vmem>>) offsets(%dma_start3A_420 : memref<125xi32, #tpu.memory_space<vmem>>) semaphore(%arg13 : memref<!tpu.dma_semaphore, #tpu.memory_space<semaphore_mem>>)
      } else {
      }
      %scan3A_411 = arith.constant 0 : i32
      scf.yield %scan3A_411 : i32
    }
    %scan3A_72 = arith.constant 10 : i32
    %dma_wait3A = arith.constant 4 : i32
    %dma_wait3A_73 = arith.constant 76 : i32
    %dma_wait3A_74 = arith.constant 0 : i32
    %dma_wait3A_75 = arith.constant 0 : i32
    %dma_wait3A_76 = tpu.memref_slice %arg7[%dma_wait3A, %dma_wait3A_74, %dma_wait3A_75] : memref<8x125x16xf32, #tpu.memory_space<vmem>> -> memref<1x125x16xf32, #tpu.memory_space<vmem>>
    %dma_wait3A_77 = tpu.memref_squeeze %dma_wait3A_76 : memref<1x125x16xf32, #tpu.memory_space<vmem>> -> memref<125x16xf32, #tpu.memory_space<vmem>>
    %dma_wait3A_78 = arith.constant 0 : i32
    %dma_wait3A_79 = tpu.memref_slice %arg6[%dma_wait3A_73, %dma_wait3A_78] : memref<80x125xi32, #tpu.memory_space<vmem>> -> memref<1x125xi32, #tpu.memory_space<vmem>>
    %dma_wait3A_80 = tpu.memref_squeeze %dma_wait3A_79 : memref<1x125xi32, #tpu.memory_space<vmem>> -> memref<125xi32, #tpu.memory_space<vmem>>
    %dma_wait3A_81 = arith.constant 0 : i32
    %dma_wait3A_82 = arith.constant 0 : i32
    %dma_wait3A_83 = tpu.memref_slice %arg9[%dma_wait3A_81, %dma_wait3A_82] : memref<10240x16xf32, #tpu.memory_space<vmem_shared>> -> memref<10240x16xf32, #tpu.memory_space<vmem_shared>>
    tpu.wait_indirect_dma semaphore(%arg22 : memref<!tpu.dma_semaphore, #tpu.memory_space<semaphore_mem>>) src(%dma_wait3A_77 : memref<125x16xf32, #tpu.memory_space<vmem>>) dst(%dma_wait3A_83 : memref<10240x16xf32, #tpu.memory_space<vmem_shared>>)
    %dma_wait3A_84 = arith.constant 5 : i32
    %dma_wait3A_85 = arith.constant 77 : i32
    %dma_wait3A_86 = arith.constant 0 : i32
    %dma_wait3A_87 = arith.constant 0 : i32
    %dma_wait3A_88 = tpu.memref_slice %arg7[%dma_wait3A_84, %dma_wait3A_86, %dma_wait3A_87] : memref<8x125x16xf32, #tpu.memory_space<vmem>> -> memref<1x125x16xf32, #tpu.memory_space<vmem>>
    %dma_wait3A_89 = tpu.memref_squeeze %dma_wait3A_88 : memref<1x125x16xf32, #tpu.memory_space<vmem>> -> memref<125x16xf32, #tpu.memory_space<vmem>>
    %dma_wait3A_90 = arith.constant 0 : i32
    %dma_wait3A_91 = tpu.memref_slice %arg6[%dma_wait3A_85, %dma_wait3A_90] : memref<80x125xi32, #tpu.memory_space<vmem>> -> memref<1x125xi32, #tpu.memory_space<vmem>>
    %dma_wait3A_92 = tpu.memref_squeeze %dma_wait3A_91 : memref<1x125xi32, #tpu.memory_space<vmem>> -> memref<125xi32, #tpu.memory_space<vmem>>
    %dma_wait3A_93 = arith.constant 0 : i32
    %dma_wait3A_94 = arith.constant 0 : i32
    %dma_wait3A_95 = tpu.memref_slice %arg9[%dma_wait3A_93, %dma_wait3A_94] : memref<10240x16xf32, #tpu.memory_space<vmem_shared>> -> memref<10240x16xf32, #tpu.memory_space<vmem_shared>>
    tpu.wait_indirect_dma semaphore(%arg23 : memref<!tpu.dma_semaphore, #tpu.memory_space<semaphore_mem>>) src(%dma_wait3A_89 : memref<125x16xf32, #tpu.memory_space<vmem>>) dst(%dma_wait3A_95 : memref<10240x16xf32, #tpu.memory_space<vmem_shared>>)
    %dma_wait3A_96 = arith.constant 6 : i32
    %dma_wait3A_97 = arith.constant 78 : i32
    %dma_wait3A_98 = arith.constant 0 : i32
    %dma_wait3A_99 = arith.constant 0 : i32
    %dma_wait3A_100 = tpu.memref_slice %arg7[%dma_wait3A_96, %dma_wait3A_98, %dma_wait3A_99] : memref<8x125x16xf32, #tpu.memory_space<vmem>> -> memref<1x125x16xf32, #tpu.memory_space<vmem>>
    %dma_wait3A_101 = tpu.memref_squeeze %dma_wait3A_100 : memref<1x125x16xf32, #tpu.memory_space<vmem>> -> memref<125x16xf32, #tpu.memory_space<vmem>>
    %dma_wait3A_102 = arith.constant 0 : i32
    %dma_wait3A_103 = tpu.memref_slice %arg6[%dma_wait3A_97, %dma_wait3A_102] : memref<80x125xi32, #tpu.memory_space<vmem>> -> memref<1x125xi32, #tpu.memory_space<vmem>>
    %dma_wait3A_104 = tpu.memref_squeeze %dma_wait3A_103 : memref<1x125xi32, #tpu.memory_space<vmem>> -> memref<125xi32, #tpu.memory_space<vmem>>
    %dma_wait3A_105 = arith.constant 0 : i32
    %dma_wait3A_106 = arith.constant 0 : i32
    %dma_wait3A_107 = tpu.memref_slice %arg9[%dma_wait3A_105, %dma_wait3A_106] : memref<10240x16xf32, #tpu.memory_space<vmem_shared>> -> memref<10240x16xf32, #tpu.memory_space<vmem_shared>>
    tpu.wait_indirect_dma semaphore(%arg24 : memref<!tpu.dma_semaphore, #tpu.memory_space<semaphore_mem>>) src(%dma_wait3A_101 : memref<125x16xf32, #tpu.memory_space<vmem>>) dst(%dma_wait3A_107 : memref<10240x16xf32, #tpu.memory_space<vmem_shared>>)
    %dma_wait3A_108 = arith.constant 7 : i32
    %dma_wait3A_109 = arith.constant 79 : i32
    %dma_wait3A_110 = arith.constant 0 : i32
    %dma_wait3A_111 = arith.constant 0 : i32
    %dma_wait3A_112 = tpu.memref_slice %arg7[%dma_wait3A_108, %dma_wait3A_110, %dma_wait3A_111] : memref<8x125x16xf32, #tpu.memory_space<vmem>> -> memref<1x125x16xf32, #tpu.memory_space<vmem>>
    %dma_wait3A_113 = tpu.memref_squeeze %dma_wait3A_112 : memref<1x125x16xf32, #tpu.memory_space<vmem>> -> memref<125x16xf32, #tpu.memory_space<vmem>>
    %dma_wait3A_114 = arith.constant 0 : i32
    %dma_wait3A_115 = tpu.memref_slice %arg6[%dma_wait3A_109, %dma_wait3A_114] : memref<80x125xi32, #tpu.memory_space<vmem>> -> memref<1x125xi32, #tpu.memory_space<vmem>>
    %dma_wait3A_116 = tpu.memref_squeeze %dma_wait3A_115 : memref<1x125xi32, #tpu.memory_space<vmem>> -> memref<125xi32, #tpu.memory_space<vmem>>
    %dma_wait3A_117 = arith.constant 0 : i32
    %dma_wait3A_118 = arith.constant 0 : i32
    %dma_wait3A_119 = tpu.memref_slice %arg9[%dma_wait3A_117, %dma_wait3A_118] : memref<10240x16xf32, #tpu.memory_space<vmem_shared>> -> memref<10240x16xf32, #tpu.memory_space<vmem_shared>>
    tpu.wait_indirect_dma semaphore(%arg25 : memref<!tpu.dma_semaphore, #tpu.memory_space<semaphore_mem>>) src(%dma_wait3A_113 : memref<125x16xf32, #tpu.memory_space<vmem>>) dst(%dma_wait3A_119 : memref<10240x16xf32, #tpu.memory_space<vmem_shared>>)
    %barrier3A_120 = arith.constant 0 : index
    tpu.barrier barrier_id(%barrier3A_120)
    %mul3A_121 = arith.constant 640 : i32
    %mul3A_122 = arith.muli %arg1, %mul3A_121 : i32
    "tpu.region"() ({
      %run_scoped3A_125 = tpu.sem_alloc : memref<!tpu.dma_semaphore, #tpu.memory_space<semaphore_mem>>
      %dma_start3A_126 = arith.constant 0 : i32
      %dma_start3A_127 = tpu.memref_slice %arg9[%mul3A_122, %dma_start3A_126] : memref<10240x16xf32, #tpu.memory_space<vmem_shared>> -> memref<640x16xf32, #tpu.memory_space<vmem_shared>>
      %dma_start3A_128 = arith.constant 0 : i32
      %dma_start3A_129 = tpu.memref_slice %arg9[%mul3A_122, %dma_start3A_128] : memref<10240x16xf32, #tpu.memory_space<vmem_shared>> -> memref<640x16xf32, #tpu.memory_space<vmem_shared>>
      tpu.enqueue_dma source(%dma_start3A_129 : memref<640x16xf32, #tpu.memory_space<vmem_shared>>) target(%arg8 : memref<640x16xf32, #tpu.memory_space<vmem>>) target_semaphore(%run_scoped3A_125 : memref<!tpu.dma_semaphore, #tpu.memory_space<semaphore_mem>>)
      %dma_wait3A_130 = arith.constant 0 : i32
      %dma_wait3A_131 = tpu.memref_slice %arg9[%mul3A_122, %dma_wait3A_130] : memref<10240x16xf32, #tpu.memory_space<vmem_shared>> -> memref<640x16xf32, #tpu.memory_space<vmem_shared>>
      %dma_wait3A_132 = arith.constant 0 : i32
      %dma_wait3A_133 = tpu.memref_slice %arg9[%mul3A_122, %dma_wait3A_132] : memref<10240x16xf32, #tpu.memory_space<vmem_shared>> -> memref<640x16xf32, #tpu.memory_space<vmem_shared>>
      tpu.wait_dma2 semaphore(%run_scoped3A_125 : memref<!tpu.dma_semaphore, #tpu.memory_space<semaphore_mem>>) src(%dma_wait3A_133 : memref<640x16xf32, #tpu.memory_space<vmem_shared>>) dst(%arg8 : memref<640x16xf32, #tpu.memory_space<vmem>>)
      tpu.yield
    }) : () -> ()
    %mul3A_123 = arith.constant 640 : i32
    %mul3A_124 = arith.muli %arg1, %mul3A_123 : i32
    "tpu.region"() ({
      %run_scoped3A_125 = tpu.sem_alloc : memref<!tpu.dma_semaphore, #tpu.memory_space<semaphore_mem>>
      %dma_start3A_126 = arith.constant 0 : i32
      %dma_start3A_127 = tpu.memref_slice %arg4[%arg0, %mul3A_124, %dma_start3A_126] : memref<2x10240x16xf32, #tpu.memory_space<hbm>> -> memref<1x640x16xf32, #tpu.memory_space<hbm>>
      %dma_start3A_128 = tpu.memref_squeeze %dma_start3A_127 : memref<1x640x16xf32, #tpu.memory_space<hbm>> -> memref<640x16xf32, #tpu.memory_space<hbm>>
      %dma_start3A_129 = arith.constant 0 : i32
      %dma_start3A_130 = tpu.memref_slice %arg4[%arg0, %mul3A_124, %dma_start3A_129] : memref<2x10240x16xf32, #tpu.memory_space<hbm>> -> memref<1x640x16xf32, #tpu.memory_space<hbm>>
      %dma_start3A_131 = tpu.memref_squeeze %dma_start3A_130 : memref<1x640x16xf32, #tpu.memory_space<hbm>> -> memref<640x16xf32, #tpu.memory_space<hbm>>
      tpu.enqueue_dma source(%arg8 : memref<640x16xf32, #tpu.memory_space<vmem>>) target(%dma_start3A_131 : memref<640x16xf32, #tpu.memory_space<hbm>>) target_semaphore(%run_scoped3A_125 : memref<!tpu.dma_semaphore, #tpu.memory_space<semaphore_mem>>)
      %dma_wait3A_132 = arith.constant 0 : i32
      %dma_wait3A_133 = tpu.memref_slice %arg4[%arg0, %mul3A_124, %dma_wait3A_132] : memref<2x10240x16xf32, #tpu.memory_space<hbm>> -> memref<1x640x16xf32, #tpu.memory_space<hbm>>
      %dma_wait3A_134 = tpu.memref_squeeze %dma_wait3A_133 : memref<1x640x16xf32, #tpu.memory_space<hbm>> -> memref<640x16xf32, #tpu.memory_space<hbm>>
      %dma_wait3A_135 = arith.constant 0 : i32
      %dma_wait3A_136 = tpu.memref_slice %arg4[%arg0, %mul3A_124, %dma_wait3A_135] : memref<2x10240x16xf32, #tpu.memory_space<hbm>> -> memref<1x640x16xf32, #tpu.memory_space<hbm>>
      %dma_wait3A_137 = tpu.memref_squeeze %dma_wait3A_136 : memref<1x640x16xf32, #tpu.memory_space<hbm>> -> memref<640x16xf32, #tpu.memory_space<hbm>>
      tpu.wait_dma2 semaphore(%run_scoped3A_125 : memref<!tpu.dma_semaphore, #tpu.memory_space<semaphore_mem>>) src(%arg8 : memref<640x16xf32, #tpu.memory_space<vmem>>) dst(%dma_wait3A_137 : memref<640x16xf32, #tpu.memory_space<hbm>>)
      tpu.yield
    }) : () -> ()
    return
  }
}

#map = affine_map<(d0, d1) -> (0, 0)>
#map1 = affine_map<(d0, d1) -> (0, 0, 0, 0)>
#map2 = affine_map<(d0, d1) -> (0, 0, 0)>
module attributes {stable_mosaic.version = 14 : i64} {
  func.func @_sc_aggregate(%arg0: i32, %arg1: i32, %arg2: memref<10000x16xf32, #tpu.memory_space<hbm>>, %arg3: memref<2x32x80x125xi32, #tpu.memory_space<hbm>>, %arg4: memref<2x10240x16xf32, #tpu.memory_space<hbm>>, %arg5: memref<80x125xi32, #tpu.memory_space<vmem>>, %arg6: memref<80x125xi32, #tpu.memory_space<vmem>>, %arg7: memref<8x125x16xf32, #tpu.memory_space<vmem>>, %arg8: memref<640x16xf32, #tpu.memory_space<vmem>>, %arg9: memref<10240x16xf32, #tpu.memory_space<vmem_shared>>, %arg10: memref<!tpu.dma_semaphore, #tpu.memory_space<semaphore_mem>>, %arg11: memref<!tpu.dma_semaphore, #tpu.memory_space<semaphore_mem>>, %arg12: memref<!tpu.dma_semaphore, #tpu.memory_space<semaphore_mem>>, %arg13: memref<!tpu.dma_semaphore, #tpu.memory_space<semaphore_mem>>, %arg14: memref<!tpu.dma_semaphore, #tpu.memory_space<semaphore_mem>>, %arg15: memref<!tpu.dma_semaphore, #tpu.memory_space<semaphore_mem>>, %arg16: memref<!tpu.dma_semaphore, #tpu.memory_space<semaphore_mem>>, %arg17: memref<!tpu.dma_semaphore, #tpu.memory_space<semaphore_mem>>, %arg18: memref<!tpu.dma_semaphore, #tpu.memory_space<semaphore_mem>>, %arg19: memref<!tpu.dma_semaphore, #tpu.memory_space<semaphore_mem>>, %arg20: memref<!tpu.dma_semaphore, #tpu.memory_space<semaphore_mem>>, %arg21: memref<!tpu.dma_semaphore, #tpu.memory_space<semaphore_mem>>, %arg22: memref<!tpu.dma_semaphore, #tpu.memory_space<semaphore_mem>>, %arg23: memref<!tpu.dma_semaphore, #tpu.memory_space<semaphore_mem>>, %arg24: memref<!tpu.dma_semaphore, #tpu.memory_space<semaphore_mem>>, %arg25: memref<!tpu.dma_semaphore, #tpu.memory_space<semaphore_mem>>) attributes {dimension_semantics = [#tpu.dimension_semantics<core_parallel>, #tpu.dimension_semantics<subcore_parallel>], iteration_bounds = array<i64: 2, 16>, scalar_prefetch = 0 : i64, scratch_operands = 21 : i64, tpu.core_type = #tpu.core_type<sc_vector_subcore>, window_params = [{transform_indices = #map}, {transform_indices = #map1}, {transform_indices = #map2}]} {
    %mul3A = arith.constant 16 : i32
    %mul3A_0 = arith.muli %arg0, %mul3A : i32
    %add3A = arith.addi %mul3A_0, %arg1 : i32
    %broadcast_in_dim3A = arith.constant 0.000000e+00 : f32
    %broadcast_in_dim3A_1 = vector.broadcast %broadcast_in_dim3A : f32 to vector<16xf32>
    %scan3A = arith.constant 0 : i32
    %scan3A_2 = arith.constant 0 : i32
    %scan3A_3 = arith.constant 640 : i32
    %scan3A_4 = arith.addi %scan3A_2, %scan3A_3 : i32
    %scan3A_5 = arith.constant 1 : i32
    %scan3A_6 = scf.for %scan3A_125 = %scan3A_2 to %scan3A_4 step %scan3A_5 iter_args(%scan3A_126 = %scan3A) -> (i32)  : i32 {
      %swap3A = arith.index_cast %scan3A_125 : i32 to index
      %swap3A_127 = arith.constant 0 : index
      %swap3A_128 = tpu.vector_load %arg8[%swap3A, %swap3A_127] {strides = array<i32>} : memref<640x16xf32, #tpu.memory_space<vmem>>, vector<1x16xf32>,
      %swap3A_129 = vector.shape_cast %swap3A_128 : vector<1x16xf32> to vector<16xf32>
      %swap3A_130 = vector.shape_cast %broadcast_in_dim3A_1 : vector<16xf32> to vector<1x16xf32>
      tpu.vector_store %arg8[%swap3A, %swap3A_127], %swap3A_130 {strides = array<i32>} : memref<640x16xf32, #tpu.memory_space<vmem>>, vector<1x16xf32>,
      %scan3A_131 = arith.constant 0 : i32
      scf.yield %scan3A_131 : i32
    }
    %scan3A_7 = arith.constant 640 : i32
    %mul3A_8 = arith.constant 640 : i32
    %mul3A_9 = arith.muli %arg1, %mul3A_8 : i32
    "tpu.region"() ({
      %run_scoped3A_125 = tpu.sem_alloc : memref<!tpu.dma_semaphore, #tpu.memory_space<semaphore_mem>>
      %dma_start3A_126 = arith.constant 0 : i32
      %dma_start3A_127 = tpu.memref_slice %arg9[%mul3A_9, %dma_start3A_126] : memref<10240x16xf32, #tpu.memory_space<vmem_shared>> -> memref<640x16xf32, #tpu.memory_space<vmem_shared>>
      %dma_start3A_128 = arith.constant 0 : i32
      %dma_start3A_129 = tpu.memref_slice %arg9[%mul3A_9, %dma_start3A_128] : memref<10240x16xf32, #tpu.memory_space<vmem_shared>> -> memref<640x16xf32, #tpu.memory_space<vmem_shared>>
      tpu.enqueue_dma source(%arg8 : memref<640x16xf32, #tpu.memory_space<vmem>>) target(%dma_start3A_129 : memref<640x16xf32, #tpu.memory_space<vmem_shared>>) target_semaphore(%run_scoped3A_125 : memref<!tpu.dma_semaphore, #tpu.memory_space<semaphore_mem>>)
      %dma_wait3A_130 = arith.constant 0 : i32
      %dma_wait3A_131 = tpu.memref_slice %arg9[%mul3A_9, %dma_wait3A_130] : memref<10240x16xf32, #tpu.memory_space<vmem_shared>> -> memref<640x16xf32, #tpu.memory_space<vmem_shared>>
      %dma_wait3A_132 = arith.constant 0 : i32
      %dma_wait3A_133 = tpu.memref_slice %arg9[%mul3A_9, %dma_wait3A_132] : memref<10240x16xf32, #tpu.memory_space<vmem_shared>> -> memref<640x16xf32, #tpu.memory_space<vmem_shared>>
      tpu.wait_dma2 semaphore(%run_scoped3A_125 : memref<!tpu.dma_semaphore, #tpu.memory_space<semaphore_mem>>) src(%arg8 : memref<640x16xf32, #tpu.memory_space<vmem>>) dst(%dma_wait3A_133 : memref<640x16xf32, #tpu.memory_space<vmem_shared>>)
      tpu.yield
    }) : () -> ()
    %barrier3A = arith.constant 0 : index
    tpu.barrier barrier_id(%barrier3A)
    %run_scoped3A = arith.constant 0 : i32
    "tpu.region"() ({
      %run_scoped3A_125 = tpu.sem_alloc : memref<!tpu.dma_semaphore, #tpu.memory_space<semaphore_mem>>
      %dma_start3A_126 = arith.constant 0 : i32
      %dma_start3A_127 = arith.constant 0 : i32
      %dma_start3A_128 = tpu.memref_slice %arg3[%run_scoped3A, %add3A, %dma_start3A_126, %dma_start3A_127] : memref<2x32x80x125xi32, #tpu.memory_space<hbm>> -> memref<1x1x80x125xi32, #tpu.memory_space<hbm>>
      %dma_start3A_129 = tpu.memref_squeeze %dma_start3A_128 : memref<1x1x80x125xi32, #tpu.memory_space<hbm>> -> memref<80x125xi32, #tpu.memory_space<hbm>>
      %dma_start3A_130 = arith.constant 0 : i32
      %dma_start3A_131 = arith.constant 0 : i32
      %dma_start3A_132 = tpu.memref_slice %arg3[%run_scoped3A, %add3A, %dma_start3A_130, %dma_start3A_131] : memref<2x32x80x125xi32, #tpu.memory_space<hbm>> -> memref<1x1x80x125xi32, #tpu.memory_space<hbm>>
      %dma_start3A_133 = tpu.memref_squeeze %dma_start3A_132 : memref<1x1x80x125xi32, #tpu.memory_space<hbm>> -> memref<80x125xi32, #tpu.memory_space<hbm>>
      tpu.enqueue_dma source(%dma_start3A_133 : memref<80x125xi32, #tpu.memory_space<hbm>>) target(%arg5 : memref<80x125xi32, #tpu.memory_space<vmem>>) target_semaphore(%run_scoped3A_125 : memref<!tpu.dma_semaphore, #tpu.memory_space<semaphore_mem>>)
      %dma_wait3A_134 = arith.constant 0 : i32
      %dma_wait3A_135 = arith.constant 0 : i32
      %dma_wait3A_136 = tpu.memref_slice %arg3[%run_scoped3A, %add3A, %dma_wait3A_134, %dma_wait3A_135] : memref<2x32x80x125xi32, #tpu.memory_space<hbm>> -> memref<1x1x80x125xi32, #tpu.memory_space<hbm>>
      %dma_wait3A_137 = tpu.memref_squeeze %dma_wait3A_136 : memref<1x1x80x125xi32, #tpu.memory_space<hbm>> -> memref<80x125xi32, #tpu.memory_space<hbm>>
      %dma_wait3A_138 = arith.constant 0 : i32
      %dma_wait3A_139 = arith.constant 0 : i32
      %dma_wait3A_140 = tpu.memref_slice %arg3[%run_scoped3A, %add3A, %dma_wait3A_138, %dma_wait3A_139] : memref<2x32x80x125xi32, #tpu.memory_space<hbm>> -> memref<1x1x80x125xi32, #tpu.memory_space<hbm>>
      %dma_wait3A_141 = tpu.memref_squeeze %dma_wait3A_140 : memref<1x1x80x125xi32, #tpu.memory_space<hbm>> -> memref<80x125xi32, #tpu.memory_space<hbm>>
      tpu.wait_dma2 semaphore(%run_scoped3A_125 : memref<!tpu.dma_semaphore, #tpu.memory_space<semaphore_mem>>) src(%dma_wait3A_141 : memref<80x125xi32, #tpu.memory_space<hbm>>) dst(%arg5 : memref<80x125xi32, #tpu.memory_space<vmem>>)
      tpu.yield
    }) : () -> ()
    %run_scoped3A_10 = arith.constant 1 : i32
    "tpu.region"() ({
      %run_scoped3A_125 = tpu.sem_alloc : memref<!tpu.dma_semaphore, #tpu.memory_space<semaphore_mem>>
      %dma_start3A_126 = arith.constant 0 : i32
      %dma_start3A_127 = arith.constant 0 : i32
      %dma_start3A_128 = tpu.memref_slice %arg3[%run_scoped3A_10, %add3A, %dma_start3A_126, %dma_start3A_127] : memref<2x32x80x125xi32, #tpu.memory_space<hbm>> -> memref<1x1x80x125xi32, #tpu.memory_space<hbm>>
      %dma_start3A_129 = tpu.memref_squeeze %dma_start3A_128 : memref<1x1x80x125xi32, #tpu.memory_space<hbm>> -> memref<80x125xi32, #tpu.memory_space<hbm>>
      %dma_start3A_130 = arith.constant 0 : i32
      %dma_start3A_131 = arith.constant 0 : i32
      %dma_start3A_132 = tpu.memref_slice %arg3[%run_scoped3A_10, %add3A, %dma_start3A_130, %dma_start3A_131] : memref<2x32x80x125xi32, #tpu.memory_space<hbm>> -> memref<1x1x80x125xi32, #tpu.memory_space<hbm>>
      %dma_start3A_133 = tpu.memref_squeeze %dma_start3A_132 : memref<1x1x80x125xi32, #tpu.memory_space<hbm>> -> memref<80x125xi32, #tpu.memory_space<hbm>>
      tpu.enqueue_dma source(%dma_start3A_133 : memref<80x125xi32, #tpu.memory_space<hbm>>) target(%arg6 : memref<80x125xi32, #tpu.memory_space<vmem>>) target_semaphore(%run_scoped3A_125 : memref<!tpu.dma_semaphore, #tpu.memory_space<semaphore_mem>>)
      %dma_wait3A_134 = arith.constant 0 : i32
      %dma_wait3A_135 = arith.constant 0 : i32
      %dma_wait3A_136 = tpu.memref_slice %arg3[%run_scoped3A_10, %add3A, %dma_wait3A_134, %dma_wait3A_135] : memref<2x32x80x125xi32, #tpu.memory_space<hbm>> -> memref<1x1x80x125xi32, #tpu.memory_space<hbm>>
      %dma_wait3A_137 = tpu.memref_squeeze %dma_wait3A_136 : memref<1x1x80x125xi32, #tpu.memory_space<hbm>> -> memref<80x125xi32, #tpu.memory_space<hbm>>
      %dma_wait3A_138 = arith.constant 0 : i32
      %dma_wait3A_139 = arith.constant 0 : i32
      %dma_wait3A_140 = tpu.memref_slice %arg3[%run_scoped3A_10, %add3A, %dma_wait3A_138, %dma_wait3A_139] : memref<2x32x80x125xi32, #tpu.memory_space<hbm>> -> memref<1x1x80x125xi32, #tpu.memory_space<hbm>>
      %dma_wait3A_141 = tpu.memref_squeeze %dma_wait3A_140 : memref<1x1x80x125xi32, #tpu.memory_space<hbm>> -> memref<80x125xi32, #tpu.memory_space<hbm>>
      tpu.wait_dma2 semaphore(%run_scoped3A_125 : memref<!tpu.dma_semaphore, #tpu.memory_space<semaphore_mem>>) src(%dma_wait3A_141 : memref<80x125xi32, #tpu.memory_space<hbm>>) dst(%arg6 : memref<80x125xi32, #tpu.memory_space<vmem>>)
      tpu.yield
    }) : () -> ()
    %dma_start3A = arith.constant 0 : i32
    %dma_start3A_11 = arith.constant 0 : i32
    %dma_start3A_12 = arith.constant 0 : i32
    %dma_start3A_13 = arith.constant 0 : i32
    %dma_start3A_14 = tpu.memref_slice %arg7[%dma_start3A_11, %dma_start3A_12, %dma_start3A_13] : memref<8x125x16xf32, #tpu.memory_space<vmem>> -> memref<1x125x16xf32, #tpu.memory_space<vmem>>
    %dma_start3A_15 = tpu.memref_squeeze %dma_start3A_14 : memref<1x125x16xf32, #tpu.memory_space<vmem>> -> memref<125x16xf32, #tpu.memory_space<vmem>>
    %dma_start3A_16 = arith.constant 0 : i32
    %dma_start3A_17 = tpu.memref_slice %arg5[%dma_start3A, %dma_start3A_16] : memref<80x125xi32, #tpu.memory_space<vmem>> -> memref<1x125xi32, #tpu.memory_space<vmem>>
    %dma_start3A_18 = tpu.memref_squeeze %dma_start3A_17 : memref<1x125xi32, #tpu.memory_space<vmem>> -> memref<125xi32, #tpu.memory_space<vmem>>
    %dma_start3A_19 = arith.constant 0 : i32
    %dma_start3A_20 = arith.constant 0 : i32
    %dma_start3A_21 = tpu.memref_slice %arg2[%dma_start3A_19, %dma_start3A_20] : memref<10000x16xf32, #tpu.memory_space<hbm>> -> memref<10000x16xf32, #tpu.memory_space<hbm>>
    tpu.enqueue_indirect_dma source(%dma_start3A_21 : memref<10000x16xf32, #tpu.memory_space<hbm>>) target(%dma_start3A_15 : memref<125x16xf32, #tpu.memory_space<vmem>>) offsets(%dma_start3A_18 : memref<125xi32, #tpu.memory_space<vmem>>) semaphore(%arg10 : memref<!tpu.dma_semaphore, #tpu.memory_space<semaphore_mem>>)
    %dma_start3A_22 = arith.constant 1 : i32
    %dma_start3A_23 = arith.constant 1 : i32
    %dma_start3A_24 = arith.constant 0 : i32
    %dma_start3A_25 = arith.constant 0 : i32
    %dma_start3A_26 = tpu.memref_slice %arg7[%dma_start3A_23, %dma_start3A_24, %dma_start3A_25] : memref<8x125x16xf32, #tpu.memory_space<vmem>> -> memref<1x125x16xf32, #tpu.memory_space<vmem>>
    %dma_start3A_27 = tpu.memref_squeeze %dma_start3A_26 : memref<1x125x16xf32, #tpu.memory_space<vmem>> -> memref<125x16xf32, #tpu.memory_space<vmem>>
    %dma_start3A_28 = arith.constant 0 : i32
    %dma_start3A_29 = tpu.memref_slice %arg5[%dma_start3A_22, %dma_start3A_28] : memref<80x125xi32, #tpu.memory_space<vmem>> -> memref<1x125xi32, #tpu.memory_space<vmem>>
    %dma_start3A_30 = tpu.memref_squeeze %dma_start3A_29 : memref<1x125xi32, #tpu.memory_space<vmem>> -> memref<125xi32, #tpu.memory_space<vmem>>
    %dma_start3A_31 = arith.constant 0 : i32
    %dma_start3A_32 = arith.constant 0 : i32
    %dma_start3A_33 = tpu.memref_slice %arg2[%dma_start3A_31, %dma_start3A_32] : memref<10000x16xf32, #tpu.memory_space<hbm>> -> memref<10000x16xf32, #tpu.memory_space<hbm>>
    tpu.enqueue_indirect_dma source(%dma_start3A_33 : memref<10000x16xf32, #tpu.memory_space<hbm>>) target(%dma_start3A_27 : memref<125x16xf32, #tpu.memory_space<vmem>>) offsets(%dma_start3A_30 : memref<125xi32, #tpu.memory_space<vmem>>) semaphore(%arg11 : memref<!tpu.dma_semaphore, #tpu.memory_space<semaphore_mem>>)
    %dma_start3A_34 = arith.constant 2 : i32
    %dma_start3A_35 = arith.constant 2 : i32
    %dma_start3A_36 = arith.constant 0 : i32
    %dma_start3A_37 = arith.constant 0 : i32
    %dma_start3A_38 = tpu.memref_slice %arg7[%dma_start3A_35, %dma_start3A_36, %dma_start3A_37] : memref<8x125x16xf32, #tpu.memory_space<vmem>> -> memref<1x125x16xf32, #tpu.memory_space<vmem>>
    %dma_start3A_39 = tpu.memref_squeeze %dma_start3A_38 : memref<1x125x16xf32, #tpu.memory_space<vmem>> -> memref<125x16xf32, #tpu.memory_space<vmem>>
    %dma_start3A_40 = arith.constant 0 : i32
    %dma_start3A_41 = tpu.memref_slice %arg5[%dma_start3A_34, %dma_start3A_40] : memref<80x125xi32, #tpu.memory_space<vmem>> -> memref<1x125xi32, #tpu.memory_space<vmem>>
    %dma_start3A_42 = tpu.memref_squeeze %dma_start3A_41 : memref<1x125xi32, #tpu.memory_space<vmem>> -> memref<125xi32, #tpu.memory_space<vmem>>
    %dma_start3A_43 = arith.constant 0 : i32
    %dma_start3A_44 = arith.constant 0 : i32
    %dma_start3A_45 = tpu.memref_slice %arg2[%dma_start3A_43, %dma_start3A_44] : memref<10000x16xf32, #tpu.memory_space<hbm>> -> memref<10000x16xf32, #tpu.memory_space<hbm>>
    tpu.enqueue_indirect_dma source(%dma_start3A_45 : memref<10000x16xf32, #tpu.memory_space<hbm>>) target(%dma_start3A_39 : memref<125x16xf32, #tpu.memory_space<vmem>>) offsets(%dma_start3A_42 : memref<125xi32, #tpu.memory_space<vmem>>) semaphore(%arg12 : memref<!tpu.dma_semaphore, #tpu.memory_space<semaphore_mem>>)
    %dma_start3A_46 = arith.constant 3 : i32
    %dma_start3A_47 = arith.constant 3 : i32
    %dma_start3A_48 = arith.constant 0 : i32
    %dma_start3A_49 = arith.constant 0 : i32
    %dma_start3A_50 = tpu.memref_slice %arg7[%dma_start3A_47, %dma_start3A_48, %dma_start3A_49] : memref<8x125x16xf32, #tpu.memory_space<vmem>> -> memref<1x125x16xf32, #tpu.memory_space<vmem>>
    %dma_start3A_51 = tpu.memref_squeeze %dma_start3A_50 : memref<1x125x16xf32, #tpu.memory_space<vmem>> -> memref<125x16xf32, #tpu.memory_space<vmem>>
    %dma_start3A_52 = arith.constant 0 : i32
    %dma_start3A_53 = tpu.memref_slice %arg5[%dma_start3A_46, %dma_start3A_52] : memref<80x125xi32, #tpu.memory_space<vmem>> -> memref<1x125xi32, #tpu.memory_space<vmem>>
    %dma_start3A_54 = tpu.memref_squeeze %dma_start3A_53 : memref<1x125xi32, #tpu.memory_space<vmem>> -> memref<125xi32, #tpu.memory_space<vmem>>
    %dma_start3A_55 = arith.constant 0 : i32
    %dma_start3A_56 = arith.constant 0 : i32
    %dma_start3A_57 = tpu.memref_slice %arg2[%dma_start3A_55, %dma_start3A_56] : memref<10000x16xf32, #tpu.memory_space<hbm>> -> memref<10000x16xf32, #tpu.memory_space<hbm>>
    tpu.enqueue_indirect_dma source(%dma_start3A_57 : memref<10000x16xf32, #tpu.memory_space<hbm>>) target(%dma_start3A_51 : memref<125x16xf32, #tpu.memory_space<vmem>>) offsets(%dma_start3A_54 : memref<125xi32, #tpu.memory_space<vmem>>) semaphore(%arg13 : memref<!tpu.dma_semaphore, #tpu.memory_space<semaphore_mem>>)
    %scan3A_58 = arith.constant 0 : i32
    %scan3A_59 = arith.constant 4 : i32
    %scan3A_60 = arith.constant 1 : i32
    %scan3A_61 = arith.constant 5 : i32
    %scan3A_62 = arith.constant 2 : i32
    %scan3A_63 = arith.constant 6 : i32
    %scan3A_64 = arith.constant 3 : i32
    %scan3A_65 = arith.constant 7 : i32
    %scan3A_66 = arith.constant 0 : i32
    %scan3A_67 = arith.constant 0 : i32
    %scan3A_68 = arith.constant 10 : i32
    %scan3A_69 = arith.addi %scan3A_67, %scan3A_68 : i32
    %scan3A_70 = arith.constant 1 : i32
    %scan3A_71 = scf.for %scan3A_125 = %scan3A_67 to %scan3A_69 step %scan3A_70 iter_args(%scan3A_126 = %scan3A_66) -> (i32)  : i32 {
      %mul3A_127 = arith.constant 8 : i32
      %mul3A_128 = arith.muli %mul3A_127, %scan3A_125 : i32
      %add3A_129 = arith.constant 0 : i32
      %add3A_130 = arith.addi %mul3A_128, %add3A_129 : i32
      %dma_wait3A_131 = arith.constant 0 : i32
      %dma_wait3A_132 = arith.constant 0 : i32
      %dma_wait3A_133 = tpu.memref_slice %arg7[%scan3A_58, %dma_wait3A_131, %dma_wait3A_132] : memref<8x125x16xf32, #tpu.memory_space<vmem>> -> memref<1x125x16xf32, #tpu.memory_space<vmem>>
      %dma_wait3A_134 = tpu.memref_squeeze %dma_wait3A_133 : memref<1x125x16xf32, #tpu.memory_space<vmem>> -> memref<125x16xf32, #tpu.memory_space<vmem>>
      %dma_wait3A_135 = arith.constant 0 : i32
      %dma_wait3A_136 = tpu.memref_slice %arg5[%add3A_130, %dma_wait3A_135] : memref<80x125xi32, #tpu.memory_space<vmem>> -> memref<1x125xi32, #tpu.memory_space<vmem>>
      %dma_wait3A_137 = tpu.memref_squeeze %dma_wait3A_136 : memref<1x125xi32, #tpu.memory_space<vmem>> -> memref<125xi32, #tpu.memory_space<vmem>>
      %dma_wait3A_138 = arith.constant 0 : i32
      %dma_wait3A_139 = arith.constant 0 : i32
      %dma_wait3A_140 = tpu.memref_slice %arg2[%dma_wait3A_138, %dma_wait3A_139] : memref<10000x16xf32, #tpu.memory_space<hbm>> -> memref<10000x16xf32, #tpu.memory_space<hbm>>
      tpu.wait_indirect_dma semaphore(%arg10 : memref<!tpu.dma_semaphore, #tpu.memory_space<semaphore_mem>>) src(%dma_wait3A_140 : memref<10000x16xf32, #tpu.memory_space<hbm>>) dst(%dma_wait3A_134 : memref<125x16xf32, #tpu.memory_space<vmem>>)
      %dma_start3A_141 = arith.constant 0 : i32
      %dma_start3A_142 = arith.constant 0 : i32
      %dma_start3A_143 = tpu.memref_slice %arg7[%scan3A_58, %dma_start3A_141, %dma_start3A_142] : memref<8x125x16xf32, #tpu.memory_space<vmem>> -> memref<1x125x16xf32, #tpu.memory_space<vmem>>
      %dma_start3A_144 = tpu.memref_squeeze %dma_start3A_143 : memref<1x125x16xf32, #tpu.memory_space<vmem>> -> memref<125x16xf32, #tpu.memory_space<vmem>>
      %dma_start3A_145 = arith.constant 0 : i32
      %dma_start3A_146 = tpu.memref_slice %arg6[%add3A_130, %dma_start3A_145] : memref<80x125xi32, #tpu.memory_space<vmem>> -> memref<1x125xi32, #tpu.memory_space<vmem>>
      %dma_start3A_147 = tpu.memref_squeeze %dma_start3A_146 : memref<1x125xi32, #tpu.memory_space<vmem>> -> memref<125xi32, #tpu.memory_space<vmem>>
      %dma_start3A_148 = arith.constant 0 : i32
      %dma_start3A_149 = arith.constant 0 : i32
      %dma_start3A_150 = tpu.memref_slice %arg9[%dma_start3A_148, %dma_start3A_149] : memref<10240x16xf32, #tpu.memory_space<vmem_shared>> -> memref<10240x16xf32, #tpu.memory_space<vmem_shared>>
      tpu.enqueue_indirect_dma source(%dma_start3A_144 : memref<125x16xf32, #tpu.memory_space<vmem>>) target(%dma_start3A_150 : memref<10240x16xf32, #tpu.memory_space<vmem_shared>>) offsets(%dma_start3A_147 : memref<125xi32, #tpu.memory_space<vmem>>) semaphore(%arg18 : memref<!tpu.dma_semaphore, #tpu.memory_space<semaphore_mem>>) {add = true}
      %ge3A = arith.constant 4 : i32
      %ge3A_151 = arith.cmpi sge, %add3A_130, %ge3A : i32
      %convert_element_type3A = arith.extui %ge3A_151 : i1 to i32
      %cond3A = arith.constant 0 : i32
      %cond3A_152 = arith.cmpi ne, %convert_element_type3A, %cond3A : i32
      scf.if %cond3A_152 {
        %sub3A = arith.constant 4 : i32
        %sub3A_412 = arith.subi %add3A_130, %sub3A : i32
        %dma_wait3A_413 = arith.constant 0 : i32
        %dma_wait3A_414 = arith.constant 0 : i32
        %dma_wait3A_415 = tpu.memref_slice %arg7[%scan3A_59, %dma_wait3A_413, %dma_wait3A_414] : memref<8x125x16xf32, #tpu.memory_space<vmem>> -> memref<1x125x16xf32, #tpu.memory_space<vmem>>
        %dma_wait3A_416 = tpu.memref_squeeze %dma_wait3A_415 : memref<1x125x16xf32, #tpu.memory_space<vmem>> -> memref<125x16xf32, #tpu.memory_space<vmem>>
        %dma_wait3A_417 = arith.constant 0 : i32
        %dma_wait3A_418 = tpu.memref_slice %arg6[%sub3A_412, %dma_wait3A_417] : memref<80x125xi32, #tpu.memory_space<vmem>> -> memref<1x125xi32, #tpu.memory_space<vmem>>
        %dma_wait3A_419 = tpu.memref_squeeze %dma_wait3A_418 : memref<1x125xi32, #tpu.memory_space<vmem>> -> memref<125xi32, #tpu.memory_space<vmem>>
        %dma_wait3A_420 = arith.constant 0 : i32
        %dma_wait3A_421 = arith.constant 0 : i32
        %dma_wait3A_422 = tpu.memref_slice %arg9[%dma_wait3A_420, %dma_wait3A_421] : memref<10240x16xf32, #tpu.memory_space<vmem_shared>> -> memref<10240x16xf32, #tpu.memory_space<vmem_shared>>
        tpu.wait_indirect_dma semaphore(%arg22 : memref<!tpu.dma_semaphore, #tpu.memory_space<semaphore_mem>>) src(%dma_wait3A_416 : memref<125x16xf32, #tpu.memory_space<vmem>>) dst(%dma_wait3A_422 : memref<10240x16xf32, #tpu.memory_space<vmem_shared>>)
      } else {
      }
      %add3A_153 = arith.constant 4 : i32
      %add3A_154 = arith.addi %add3A_130, %add3A_153 : i32
      %lt3A = arith.constant 80 : i32
      %lt3A_155 = arith.cmpi slt, %add3A_154, %lt3A : i32
      %convert_element_type3A_156 = arith.extui %lt3A_155 : i1 to i32
      %cond3A_157 = arith.constant 0 : i32
      %cond3A_158 = arith.cmpi ne, %convert_element_type3A_156, %cond3A_157 : i32
      scf.if %cond3A_158 {
        %add3A_412 = arith.constant 4 : i32
        %add3A_413 = arith.addi %add3A_130, %add3A_412 : i32
        %dma_start3A_414 = arith.constant 0 : i32
        %dma_start3A_415 = arith.constant 0 : i32
        %dma_start3A_416 = tpu.memref_slice %arg7[%scan3A_59, %dma_start3A_414, %dma_start3A_415] : memref<8x125x16xf32, #tpu.memory_space<vmem>> -> memref<1x125x16xf32, #tpu.memory_space<vmem>>
        %dma_start3A_417 = tpu.memref_squeeze %dma_start3A_416 : memref<1x125x16xf32, #tpu.memory_space<vmem>> -> memref<125x16xf32, #tpu.memory_space<vmem>>
        %dma_start3A_418 = arith.constant 0 : i32
        %dma_start3A_419 = tpu.memref_slice %arg5[%add3A_413, %dma_start3A_418] : memref<80x125xi32, #tpu.memory_space<vmem>> -> memref<1x125xi32, #tpu.memory_space<vmem>>
        %dma_start3A_420 = tpu.memref_squeeze %dma_start3A_419 : memref<1x125xi32, #tpu.memory_space<vmem>> -> memref<125xi32, #tpu.memory_space<vmem>>
        %dma_start3A_421 = arith.constant 0 : i32
        %dma_start3A_422 = arith.constant 0 : i32
        %dma_start3A_423 = tpu.memref_slice %arg2[%dma_start3A_421, %dma_start3A_422] : memref<10000x16xf32, #tpu.memory_space<hbm>> -> memref<10000x16xf32, #tpu.memory_space<hbm>>
        tpu.enqueue_indirect_dma source(%dma_start3A_423 : memref<10000x16xf32, #tpu.memory_space<hbm>>) target(%dma_start3A_417 : memref<125x16xf32, #tpu.memory_space<vmem>>) offsets(%dma_start3A_420 : memref<125xi32, #tpu.memory_space<vmem>>) semaphore(%arg14 : memref<!tpu.dma_semaphore, #tpu.memory_space<semaphore_mem>>)
      } else {
      }
      %mul3A_159 = arith.constant 8 : i32
      %mul3A_160 = arith.muli %mul3A_159, %scan3A_125 : i32
      %add3A_161 = arith.constant 1 : i32
      %add3A_162 = arith.addi %mul3A_160, %add3A_161 : i32
      %dma_wait3A_163 = arith.constant 0 : i32
      %dma_wait3A_164 = arith.constant 0 : i32
      %dma_wait3A_165 = tpu.memref_slice %arg7[%scan3A_60, %dma_wait3A_163, %dma_wait3A_164] : memref<8x125x16xf32, #tpu.memory_space<vmem>> -> memref<1x125x16xf32, #tpu.memory_space<vmem>>
      %dma_wait3A_166 = tpu.memref_squeeze %dma_wait3A_165 : memref<1x125x16xf32, #tpu.memory_space<vmem>> -> memref<125x16xf32, #tpu.memory_space<vmem>>
      %dma_wait3A_167 = arith.constant 0 : i32
      %dma_wait3A_168 = tpu.memref_slice %arg5[%add3A_162, %dma_wait3A_167] : memref<80x125xi32, #tpu.memory_space<vmem>> -> memref<1x125xi32, #tpu.memory_space<vmem>>
      %dma_wait3A_169 = tpu.memref_squeeze %dma_wait3A_168 : memref<1x125xi32, #tpu.memory_space<vmem>> -> memref<125xi32, #tpu.memory_space<vmem>>
      %dma_wait3A_170 = arith.constant 0 : i32
      %dma_wait3A_171 = arith.constant 0 : i32
      %dma_wait3A_172 = tpu.memref_slice %arg2[%dma_wait3A_170, %dma_wait3A_171] : memref<10000x16xf32, #tpu.memory_space<hbm>> -> memref<10000x16xf32, #tpu.memory_space<hbm>>
      tpu.wait_indirect_dma semaphore(%arg11 : memref<!tpu.dma_semaphore, #tpu.memory_space<semaphore_mem>>) src(%dma_wait3A_172 : memref<10000x16xf32, #tpu.memory_space<hbm>>) dst(%dma_wait3A_166 : memref<125x16xf32, #tpu.memory_space<vmem>>)
      %dma_start3A_173 = arith.constant 0 : i32
      %dma_start3A_174 = arith.constant 0 : i32
      %dma_start3A_175 = tpu.memref_slice %arg7[%scan3A_60, %dma_start3A_173, %dma_start3A_174] : memref<8x125x16xf32, #tpu.memory_space<vmem>> -> memref<1x125x16xf32, #tpu.memory_space<vmem>>
      %dma_start3A_176 = tpu.memref_squeeze %dma_start3A_175 : memref<1x125x16xf32, #tpu.memory_space<vmem>> -> memref<125x16xf32, #tpu.memory_space<vmem>>
      %dma_start3A_177 = arith.constant 0 : i32
      %dma_start3A_178 = tpu.memref_slice %arg6[%add3A_162, %dma_start3A_177] : memref<80x125xi32, #tpu.memory_space<vmem>> -> memref<1x125xi32, #tpu.memory_space<vmem>>
      %dma_start3A_179 = tpu.memref_squeeze %dma_start3A_178 : memref<1x125xi32, #tpu.memory_space<vmem>> -> memref<125xi32, #tpu.memory_space<vmem>>
      %dma_start3A_180 = arith.constant 0 : i32
      %dma_start3A_181 = arith.constant 0 : i32
      %dma_start3A_182 = tpu.memref_slice %arg9[%dma_start3A_180, %dma_start3A_181] : memref<10240x16xf32, #tpu.memory_space<vmem_shared>> -> memref<10240x16xf32, #tpu.memory_space<vmem_shared>>
      tpu.enqueue_indirect_dma source(%dma_start3A_176 : memref<125x16xf32, #tpu.memory_space<vmem>>) target(%dma_start3A_182 : memref<10240x16xf32, #tpu.memory_space<vmem_shared>>) offsets(%dma_start3A_179 : memref<125xi32, #tpu.memory_space<vmem>>) semaphore(%arg19 : memref<!tpu.dma_semaphore, #tpu.memory_space<semaphore_mem>>) {add = true}
      %ge3A_183 = arith.constant 4 : i32
      %ge3A_184 = arith.cmpi sge, %add3A_162, %ge3A_183 : i32
      %convert_element_type3A_185 = arith.extui %ge3A_184 : i1 to i32
      %cond3A_186 = arith.constant 0 : i32
      %cond3A_187 = arith.cmpi ne, %convert_element_type3A_185, %cond3A_186 : i32
      scf.if %cond3A_187 {
        %sub3A = arith.constant 4 : i32
        %sub3A_412 = arith.subi %add3A_162, %sub3A : i32
        %dma_wait3A_413 = arith.constant 0 : i32
        %dma_wait3A_414 = arith.constant 0 : i32
        %dma_wait3A_415 = tpu.memref_slice %arg7[%scan3A_61, %dma_wait3A_413, %dma_wait3A_414] : memref<8x125x16xf32, #tpu.memory_space<vmem>> -> memref<1x125x16xf32, #tpu.memory_space<vmem>>
        %dma_wait3A_416 = tpu.memref_squeeze %dma_wait3A_415 : memref<1x125x16xf32, #tpu.memory_space<vmem>> -> memref<125x16xf32, #tpu.memory_space<vmem>>
        %dma_wait3A_417 = arith.constant 0 : i32
        %dma_wait3A_418 = tpu.memref_slice %arg6[%sub3A_412, %dma_wait3A_417] : memref<80x125xi32, #tpu.memory_space<vmem>> -> memref<1x125xi32, #tpu.memory_space<vmem>>
        %dma_wait3A_419 = tpu.memref_squeeze %dma_wait3A_418 : memref<1x125xi32, #tpu.memory_space<vmem>> -> memref<125xi32, #tpu.memory_space<vmem>>
        %dma_wait3A_420 = arith.constant 0 : i32
        %dma_wait3A_421 = arith.constant 0 : i32
        %dma_wait3A_422 = tpu.memref_slice %arg9[%dma_wait3A_420, %dma_wait3A_421] : memref<10240x16xf32, #tpu.memory_space<vmem_shared>> -> memref<10240x16xf32, #tpu.memory_space<vmem_shared>>
        tpu.wait_indirect_dma semaphore(%arg23 : memref<!tpu.dma_semaphore, #tpu.memory_space<semaphore_mem>>) src(%dma_wait3A_416 : memref<125x16xf32, #tpu.memory_space<vmem>>) dst(%dma_wait3A_422 : memref<10240x16xf32, #tpu.memory_space<vmem_shared>>)
      } else {
      }
      %add3A_188 = arith.constant 4 : i32
      %add3A_189 = arith.addi %add3A_162, %add3A_188 : i32
      %lt3A_190 = arith.constant 80 : i32
      %lt3A_191 = arith.cmpi slt, %add3A_189, %lt3A_190 : i32
      %convert_element_type3A_192 = arith.extui %lt3A_191 : i1 to i32
      %cond3A_193 = arith.constant 0 : i32
      %cond3A_194 = arith.cmpi ne, %convert_element_type3A_192, %cond3A_193 : i32
      scf.if %cond3A_194 {
        %add3A_412 = arith.constant 4 : i32
        %add3A_413 = arith.addi %add3A_162, %add3A_412 : i32
        %dma_start3A_414 = arith.constant 0 : i32
        %dma_start3A_415 = arith.constant 0 : i32
        %dma_start3A_416 = tpu.memref_slice %arg7[%scan3A_61, %dma_start3A_414, %dma_start3A_415] : memref<8x125x16xf32, #tpu.memory_space<vmem>> -> memref<1x125x16xf32, #tpu.memory_space<vmem>>
        %dma_start3A_417 = tpu.memref_squeeze %dma_start3A_416 : memref<1x125x16xf32, #tpu.memory_space<vmem>> -> memref<125x16xf32, #tpu.memory_space<vmem>>
        %dma_start3A_418 = arith.constant 0 : i32
        %dma_start3A_419 = tpu.memref_slice %arg5[%add3A_413, %dma_start3A_418] : memref<80x125xi32, #tpu.memory_space<vmem>> -> memref<1x125xi32, #tpu.memory_space<vmem>>
        %dma_start3A_420 = tpu.memref_squeeze %dma_start3A_419 : memref<1x125xi32, #tpu.memory_space<vmem>> -> memref<125xi32, #tpu.memory_space<vmem>>
        %dma_start3A_421 = arith.constant 0 : i32
        %dma_start3A_422 = arith.constant 0 : i32
        %dma_start3A_423 = tpu.memref_slice %arg2[%dma_start3A_421, %dma_start3A_422] : memref<10000x16xf32, #tpu.memory_space<hbm>> -> memref<10000x16xf32, #tpu.memory_space<hbm>>
        tpu.enqueue_indirect_dma source(%dma_start3A_423 : memref<10000x16xf32, #tpu.memory_space<hbm>>) target(%dma_start3A_417 : memref<125x16xf32, #tpu.memory_space<vmem>>) offsets(%dma_start3A_420 : memref<125xi32, #tpu.memory_space<vmem>>) semaphore(%arg15 : memref<!tpu.dma_semaphore, #tpu.memory_space<semaphore_mem>>)
      } else {
      }
      %mul3A_195 = arith.constant 8 : i32
      %mul3A_196 = arith.muli %mul3A_195, %scan3A_125 : i32
      %add3A_197 = arith.constant 2 : i32
      %add3A_198 = arith.addi %mul3A_196, %add3A_197 : i32
      %dma_wait3A_199 = arith.constant 0 : i32
      %dma_wait3A_200 = arith.constant 0 : i32
      %dma_wait3A_201 = tpu.memref_slice %arg7[%scan3A_62, %dma_wait3A_199, %dma_wait3A_200] : memref<8x125x16xf32, #tpu.memory_space<vmem>> -> memref<1x125x16xf32, #tpu.memory_space<vmem>>
      %dma_wait3A_202 = tpu.memref_squeeze %dma_wait3A_201 : memref<1x125x16xf32, #tpu.memory_space<vmem>> -> memref<125x16xf32, #tpu.memory_space<vmem>>
      %dma_wait3A_203 = arith.constant 0 : i32
      %dma_wait3A_204 = tpu.memref_slice %arg5[%add3A_198, %dma_wait3A_203] : memref<80x125xi32, #tpu.memory_space<vmem>> -> memref<1x125xi32, #tpu.memory_space<vmem>>
      %dma_wait3A_205 = tpu.memref_squeeze %dma_wait3A_204 : memref<1x125xi32, #tpu.memory_space<vmem>> -> memref<125xi32, #tpu.memory_space<vmem>>
      %dma_wait3A_206 = arith.constant 0 : i32
      %dma_wait3A_207 = arith.constant 0 : i32
      %dma_wait3A_208 = tpu.memref_slice %arg2[%dma_wait3A_206, %dma_wait3A_207] : memref<10000x16xf32, #tpu.memory_space<hbm>> -> memref<10000x16xf32, #tpu.memory_space<hbm>>
      tpu.wait_indirect_dma semaphore(%arg12 : memref<!tpu.dma_semaphore, #tpu.memory_space<semaphore_mem>>) src(%dma_wait3A_208 : memref<10000x16xf32, #tpu.memory_space<hbm>>) dst(%dma_wait3A_202 : memref<125x16xf32, #tpu.memory_space<vmem>>)
      %dma_start3A_209 = arith.constant 0 : i32
      %dma_start3A_210 = arith.constant 0 : i32
      %dma_start3A_211 = tpu.memref_slice %arg7[%scan3A_62, %dma_start3A_209, %dma_start3A_210] : memref<8x125x16xf32, #tpu.memory_space<vmem>> -> memref<1x125x16xf32, #tpu.memory_space<vmem>>
      %dma_start3A_212 = tpu.memref_squeeze %dma_start3A_211 : memref<1x125x16xf32, #tpu.memory_space<vmem>> -> memref<125x16xf32, #tpu.memory_space<vmem>>
      %dma_start3A_213 = arith.constant 0 : i32
      %dma_start3A_214 = tpu.memref_slice %arg6[%add3A_198, %dma_start3A_213] : memref<80x125xi32, #tpu.memory_space<vmem>> -> memref<1x125xi32, #tpu.memory_space<vmem>>
      %dma_start3A_215 = tpu.memref_squeeze %dma_start3A_214 : memref<1x125xi32, #tpu.memory_space<vmem>> -> memref<125xi32, #tpu.memory_space<vmem>>
      %dma_start3A_216 = arith.constant 0 : i32
      %dma_start3A_217 = arith.constant 0 : i32
      %dma_start3A_218 = tpu.memref_slice %arg9[%dma_start3A_216, %dma_start3A_217] : memref<10240x16xf32, #tpu.memory_space<vmem_shared>> -> memref<10240x16xf32, #tpu.memory_space<vmem_shared>>
      tpu.enqueue_indirect_dma source(%dma_start3A_212 : memref<125x16xf32, #tpu.memory_space<vmem>>) target(%dma_start3A_218 : memref<10240x16xf32, #tpu.memory_space<vmem_shared>>) offsets(%dma_start3A_215 : memref<125xi32, #tpu.memory_space<vmem>>) semaphore(%arg20 : memref<!tpu.dma_semaphore, #tpu.memory_space<semaphore_mem>>) {add = true}
      %ge3A_219 = arith.constant 4 : i32
      %ge3A_220 = arith.cmpi sge, %add3A_198, %ge3A_219 : i32
      %convert_element_type3A_221 = arith.extui %ge3A_220 : i1 to i32
      %cond3A_222 = arith.constant 0 : i32
      %cond3A_223 = arith.cmpi ne, %convert_element_type3A_221, %cond3A_222 : i32
      scf.if %cond3A_223 {
        %sub3A = arith.constant 4 : i32
        %sub3A_412 = arith.subi %add3A_198, %sub3A : i32
        %dma_wait3A_413 = arith.constant 0 : i32
        %dma_wait3A_414 = arith.constant 0 : i32
        %dma_wait3A_415 = tpu.memref_slice %arg7[%scan3A_63, %dma_wait3A_413, %dma_wait3A_414] : memref<8x125x16xf32, #tpu.memory_space<vmem>> -> memref<1x125x16xf32, #tpu.memory_space<vmem>>
        %dma_wait3A_416 = tpu.memref_squeeze %dma_wait3A_415 : memref<1x125x16xf32, #tpu.memory_space<vmem>> -> memref<125x16xf32, #tpu.memory_space<vmem>>
        %dma_wait3A_417 = arith.constant 0 : i32
        %dma_wait3A_418 = tpu.memref_slice %arg6[%sub3A_412, %dma_wait3A_417] : memref<80x125xi32, #tpu.memory_space<vmem>> -> memref<1x125xi32, #tpu.memory_space<vmem>>
        %dma_wait3A_419 = tpu.memref_squeeze %dma_wait3A_418 : memref<1x125xi32, #tpu.memory_space<vmem>> -> memref<125xi32, #tpu.memory_space<vmem>>
        %dma_wait3A_420 = arith.constant 0 : i32
        %dma_wait3A_421 = arith.constant 0 : i32
        %dma_wait3A_422 = tpu.memref_slice %arg9[%dma_wait3A_420, %dma_wait3A_421] : memref<10240x16xf32, #tpu.memory_space<vmem_shared>> -> memref<10240x16xf32, #tpu.memory_space<vmem_shared>>
        tpu.wait_indirect_dma semaphore(%arg24 : memref<!tpu.dma_semaphore, #tpu.memory_space<semaphore_mem>>) src(%dma_wait3A_416 : memref<125x16xf32, #tpu.memory_space<vmem>>) dst(%dma_wait3A_422 : memref<10240x16xf32, #tpu.memory_space<vmem_shared>>)
      } else {
      }
      %add3A_224 = arith.constant 4 : i32
      %add3A_225 = arith.addi %add3A_198, %add3A_224 : i32
      %lt3A_226 = arith.constant 80 : i32
      %lt3A_227 = arith.cmpi slt, %add3A_225, %lt3A_226 : i32
      %convert_element_type3A_228 = arith.extui %lt3A_227 : i1 to i32
      %cond3A_229 = arith.constant 0 : i32
      %cond3A_230 = arith.cmpi ne, %convert_element_type3A_228, %cond3A_229 : i32
      scf.if %cond3A_230 {
        %add3A_412 = arith.constant 4 : i32
        %add3A_413 = arith.addi %add3A_198, %add3A_412 : i32
        %dma_start3A_414 = arith.constant 0 : i32
        %dma_start3A_415 = arith.constant 0 : i32
        %dma_start3A_416 = tpu.memref_slice %arg7[%scan3A_63, %dma_start3A_414, %dma_start3A_415] : memref<8x125x16xf32, #tpu.memory_space<vmem>> -> memref<1x125x16xf32, #tpu.memory_space<vmem>>
        %dma_start3A_417 = tpu.memref_squeeze %dma_start3A_416 : memref<1x125x16xf32, #tpu.memory_space<vmem>> -> memref<125x16xf32, #tpu.memory_space<vmem>>
        %dma_start3A_418 = arith.constant 0 : i32
        %dma_start3A_419 = tpu.memref_slice %arg5[%add3A_413, %dma_start3A_418] : memref<80x125xi32, #tpu.memory_space<vmem>> -> memref<1x125xi32, #tpu.memory_space<vmem>>
        %dma_start3A_420 = tpu.memref_squeeze %dma_start3A_419 : memref<1x125xi32, #tpu.memory_space<vmem>> -> memref<125xi32, #tpu.memory_space<vmem>>
        %dma_start3A_421 = arith.constant 0 : i32
        %dma_start3A_422 = arith.constant 0 : i32
        %dma_start3A_423 = tpu.memref_slice %arg2[%dma_start3A_421, %dma_start3A_422] : memref<10000x16xf32, #tpu.memory_space<hbm>> -> memref<10000x16xf32, #tpu.memory_space<hbm>>
        tpu.enqueue_indirect_dma source(%dma_start3A_423 : memref<10000x16xf32, #tpu.memory_space<hbm>>) target(%dma_start3A_417 : memref<125x16xf32, #tpu.memory_space<vmem>>) offsets(%dma_start3A_420 : memref<125xi32, #tpu.memory_space<vmem>>) semaphore(%arg16 : memref<!tpu.dma_semaphore, #tpu.memory_space<semaphore_mem>>)
      } else {
      }
      %mul3A_231 = arith.constant 8 : i32
      %mul3A_232 = arith.muli %mul3A_231, %scan3A_125 : i32
      %add3A_233 = arith.constant 3 : i32
      %add3A_234 = arith.addi %mul3A_232, %add3A_233 : i32
      %dma_wait3A_235 = arith.constant 0 : i32
      %dma_wait3A_236 = arith.constant 0 : i32
      %dma_wait3A_237 = tpu.memref_slice %arg7[%scan3A_64, %dma_wait3A_235, %dma_wait3A_236] : memref<8x125x16xf32, #tpu.memory_space<vmem>> -> memref<1x125x16xf32, #tpu.memory_space<vmem>>
      %dma_wait3A_238 = tpu.memref_squeeze %dma_wait3A_237 : memref<1x125x16xf32, #tpu.memory_space<vmem>> -> memref<125x16xf32, #tpu.memory_space<vmem>>
      %dma_wait3A_239 = arith.constant 0 : i32
      %dma_wait3A_240 = tpu.memref_slice %arg5[%add3A_234, %dma_wait3A_239] : memref<80x125xi32, #tpu.memory_space<vmem>> -> memref<1x125xi32, #tpu.memory_space<vmem>>
      %dma_wait3A_241 = tpu.memref_squeeze %dma_wait3A_240 : memref<1x125xi32, #tpu.memory_space<vmem>> -> memref<125xi32, #tpu.memory_space<vmem>>
      %dma_wait3A_242 = arith.constant 0 : i32
      %dma_wait3A_243 = arith.constant 0 : i32
      %dma_wait3A_244 = tpu.memref_slice %arg2[%dma_wait3A_242, %dma_wait3A_243] : memref<10000x16xf32, #tpu.memory_space<hbm>> -> memref<10000x16xf32, #tpu.memory_space<hbm>>
      tpu.wait_indirect_dma semaphore(%arg13 : memref<!tpu.dma_semaphore, #tpu.memory_space<semaphore_mem>>) src(%dma_wait3A_244 : memref<10000x16xf32, #tpu.memory_space<hbm>>) dst(%dma_wait3A_238 : memref<125x16xf32, #tpu.memory_space<vmem>>)
      %dma_start3A_245 = arith.constant 0 : i32
      %dma_start3A_246 = arith.constant 0 : i32
      %dma_start3A_247 = tpu.memref_slice %arg7[%scan3A_64, %dma_start3A_245, %dma_start3A_246] : memref<8x125x16xf32, #tpu.memory_space<vmem>> -> memref<1x125x16xf32, #tpu.memory_space<vmem>>
      %dma_start3A_248 = tpu.memref_squeeze %dma_start3A_247 : memref<1x125x16xf32, #tpu.memory_space<vmem>> -> memref<125x16xf32, #tpu.memory_space<vmem>>
      %dma_start3A_249 = arith.constant 0 : i32
      %dma_start3A_250 = tpu.memref_slice %arg6[%add3A_234, %dma_start3A_249] : memref<80x125xi32, #tpu.memory_space<vmem>> -> memref<1x125xi32, #tpu.memory_space<vmem>>
      %dma_start3A_251 = tpu.memref_squeeze %dma_start3A_250 : memref<1x125xi32, #tpu.memory_space<vmem>> -> memref<125xi32, #tpu.memory_space<vmem>>
      %dma_start3A_252 = arith.constant 0 : i32
      %dma_start3A_253 = arith.constant 0 : i32
      %dma_start3A_254 = tpu.memref_slice %arg9[%dma_start3A_252, %dma_start3A_253] : memref<10240x16xf32, #tpu.memory_space<vmem_shared>> -> memref<10240x16xf32, #tpu.memory_space<vmem_shared>>
      tpu.enqueue_indirect_dma source(%dma_start3A_248 : memref<125x16xf32, #tpu.memory_space<vmem>>) target(%dma_start3A_254 : memref<10240x16xf32, #tpu.memory_space<vmem_shared>>) offsets(%dma_start3A_251 : memref<125xi32, #tpu.memory_space<vmem>>) semaphore(%arg21 : memref<!tpu.dma_semaphore, #tpu.memory_space<semaphore_mem>>) {add = true}
      %ge3A_255 = arith.constant 4 : i32
      %ge3A_256 = arith.cmpi sge, %add3A_234, %ge3A_255 : i32
      %convert_element_type3A_257 = arith.extui %ge3A_256 : i1 to i32
      %cond3A_258 = arith.constant 0 : i32
      %cond3A_259 = arith.cmpi ne, %convert_element_type3A_257, %cond3A_258 : i32
      scf.if %cond3A_259 {
        %sub3A = arith.constant 4 : i32
        %sub3A_412 = arith.subi %add3A_234, %sub3A : i32
        %dma_wait3A_413 = arith.constant 0 : i32
        %dma_wait3A_414 = arith.constant 0 : i32
        %dma_wait3A_415 = tpu.memref_slice %arg7[%scan3A_65, %dma_wait3A_413, %dma_wait3A_414] : memref<8x125x16xf32, #tpu.memory_space<vmem>> -> memref<1x125x16xf32, #tpu.memory_space<vmem>>
        %dma_wait3A_416 = tpu.memref_squeeze %dma_wait3A_415 : memref<1x125x16xf32, #tpu.memory_space<vmem>> -> memref<125x16xf32, #tpu.memory_space<vmem>>
        %dma_wait3A_417 = arith.constant 0 : i32
        %dma_wait3A_418 = tpu.memref_slice %arg6[%sub3A_412, %dma_wait3A_417] : memref<80x125xi32, #tpu.memory_space<vmem>> -> memref<1x125xi32, #tpu.memory_space<vmem>>
        %dma_wait3A_419 = tpu.memref_squeeze %dma_wait3A_418 : memref<1x125xi32, #tpu.memory_space<vmem>> -> memref<125xi32, #tpu.memory_space<vmem>>
        %dma_wait3A_420 = arith.constant 0 : i32
        %dma_wait3A_421 = arith.constant 0 : i32
        %dma_wait3A_422 = tpu.memref_slice %arg9[%dma_wait3A_420, %dma_wait3A_421] : memref<10240x16xf32, #tpu.memory_space<vmem_shared>> -> memref<10240x16xf32, #tpu.memory_space<vmem_shared>>
        tpu.wait_indirect_dma semaphore(%arg25 : memref<!tpu.dma_semaphore, #tpu.memory_space<semaphore_mem>>) src(%dma_wait3A_416 : memref<125x16xf32, #tpu.memory_space<vmem>>) dst(%dma_wait3A_422 : memref<10240x16xf32, #tpu.memory_space<vmem_shared>>)
      } else {
      }
      %add3A_260 = arith.constant 4 : i32
      %add3A_261 = arith.addi %add3A_234, %add3A_260 : i32
      %lt3A_262 = arith.constant 80 : i32
      %lt3A_263 = arith.cmpi slt, %add3A_261, %lt3A_262 : i32
      %convert_element_type3A_264 = arith.extui %lt3A_263 : i1 to i32
      %cond3A_265 = arith.constant 0 : i32
      %cond3A_266 = arith.cmpi ne, %convert_element_type3A_264, %cond3A_265 : i32
      scf.if %cond3A_266 {
        %add3A_412 = arith.constant 4 : i32
        %add3A_413 = arith.addi %add3A_234, %add3A_412 : i32
        %dma_start3A_414 = arith.constant 0 : i32
        %dma_start3A_415 = arith.constant 0 : i32
        %dma_start3A_416 = tpu.memref_slice %arg7[%scan3A_65, %dma_start3A_414, %dma_start3A_415] : memref<8x125x16xf32, #tpu.memory_space<vmem>> -> memref<1x125x16xf32, #tpu.memory_space<vmem>>
        %dma_start3A_417 = tpu.memref_squeeze %dma_start3A_416 : memref<1x125x16xf32, #tpu.memory_space<vmem>> -> memref<125x16xf32, #tpu.memory_space<vmem>>
        %dma_start3A_418 = arith.constant 0 : i32
        %dma_start3A_419 = tpu.memref_slice %arg5[%add3A_413, %dma_start3A_418] : memref<80x125xi32, #tpu.memory_space<vmem>> -> memref<1x125xi32, #tpu.memory_space<vmem>>
        %dma_start3A_420 = tpu.memref_squeeze %dma_start3A_419 : memref<1x125xi32, #tpu.memory_space<vmem>> -> memref<125xi32, #tpu.memory_space<vmem>>
        %dma_start3A_421 = arith.constant 0 : i32
        %dma_start3A_422 = arith.constant 0 : i32
        %dma_start3A_423 = tpu.memref_slice %arg2[%dma_start3A_421, %dma_start3A_422] : memref<10000x16xf32, #tpu.memory_space<hbm>> -> memref<10000x16xf32, #tpu.memory_space<hbm>>
        tpu.enqueue_indirect_dma source(%dma_start3A_423 : memref<10000x16xf32, #tpu.memory_space<hbm>>) target(%dma_start3A_417 : memref<125x16xf32, #tpu.memory_space<vmem>>) offsets(%dma_start3A_420 : memref<125xi32, #tpu.memory_space<vmem>>) semaphore(%arg17 : memref<!tpu.dma_semaphore, #tpu.memory_space<semaphore_mem>>)
      } else {
      }
      %mul3A_267 = arith.constant 8 : i32
      %mul3A_268 = arith.muli %mul3A_267, %scan3A_125 : i32
      %add3A_269 = arith.constant 4 : i32
      %add3A_270 = arith.addi %mul3A_268, %add3A_269 : i32
      %dma_wait3A_271 = arith.constant 0 : i32
      %dma_wait3A_272 = arith.constant 0 : i32
      %dma_wait3A_273 = tpu.memref_slice %arg7[%scan3A_59, %dma_wait3A_271, %dma_wait3A_272] : memref<8x125x16xf32, #tpu.memory_space<vmem>> -> memref<1x125x16xf32, #tpu.memory_space<vmem>>
      %dma_wait3A_274 = tpu.memref_squeeze %dma_wait3A_273 : memref<1x125x16xf32, #tpu.memory_space<vmem>> -> memref<125x16xf32, #tpu.memory_space<vmem>>
      %dma_wait3A_275 = arith.constant 0 : i32
      %dma_wait3A_276 = tpu.memref_slice %arg5[%add3A_270, %dma_wait3A_275] : memref<80x125xi32, #tpu.memory_space<vmem>> -> memref<1x125xi32, #tpu.memory_space<vmem>>
      %dma_wait3A_277 = tpu.memref_squeeze %dma_wait3A_276 : memref<1x125xi32, #tpu.memory_space<vmem>> -> memref<125xi32, #tpu.memory_space<vmem>>
      %dma_wait3A_278 = arith.constant 0 : i32
      %dma_wait3A_279 = arith.constant 0 : i32
      %dma_wait3A_280 = tpu.memref_slice %arg2[%dma_wait3A_278, %dma_wait3A_279] : memref<10000x16xf32, #tpu.memory_space<hbm>> -> memref<10000x16xf32, #tpu.memory_space<hbm>>
      tpu.wait_indirect_dma semaphore(%arg14 : memref<!tpu.dma_semaphore, #tpu.memory_space<semaphore_mem>>) src(%dma_wait3A_280 : memref<10000x16xf32, #tpu.memory_space<hbm>>) dst(%dma_wait3A_274 : memref<125x16xf32, #tpu.memory_space<vmem>>)
      %dma_start3A_281 = arith.constant 0 : i32
      %dma_start3A_282 = arith.constant 0 : i32
      %dma_start3A_283 = tpu.memref_slice %arg7[%scan3A_59, %dma_start3A_281, %dma_start3A_282] : memref<8x125x16xf32, #tpu.memory_space<vmem>> -> memref<1x125x16xf32, #tpu.memory_space<vmem>>
      %dma_start3A_284 = tpu.memref_squeeze %dma_start3A_283 : memref<1x125x16xf32, #tpu.memory_space<vmem>> -> memref<125x16xf32, #tpu.memory_space<vmem>>
      %dma_start3A_285 = arith.constant 0 : i32
      %dma_start3A_286 = tpu.memref_slice %arg6[%add3A_270, %dma_start3A_285] : memref<80x125xi32, #tpu.memory_space<vmem>> -> memref<1x125xi32, #tpu.memory_space<vmem>>
      %dma_start3A_287 = tpu.memref_squeeze %dma_start3A_286 : memref<1x125xi32, #tpu.memory_space<vmem>> -> memref<125xi32, #tpu.memory_space<vmem>>
      %dma_start3A_288 = arith.constant 0 : i32
      %dma_start3A_289 = arith.constant 0 : i32
      %dma_start3A_290 = tpu.memref_slice %arg9[%dma_start3A_288, %dma_start3A_289] : memref<10240x16xf32, #tpu.memory_space<vmem_shared>> -> memref<10240x16xf32, #tpu.memory_space<vmem_shared>>
      tpu.enqueue_indirect_dma source(%dma_start3A_284 : memref<125x16xf32, #tpu.memory_space<vmem>>) target(%dma_start3A_290 : memref<10240x16xf32, #tpu.memory_space<vmem_shared>>) offsets(%dma_start3A_287 : memref<125xi32, #tpu.memory_space<vmem>>) semaphore(%arg22 : memref<!tpu.dma_semaphore, #tpu.memory_space<semaphore_mem>>) {add = true}
      %ge3A_291 = arith.constant 4 : i32
      %ge3A_292 = arith.cmpi sge, %add3A_270, %ge3A_291 : i32
      %convert_element_type3A_293 = arith.extui %ge3A_292 : i1 to i32
      %cond3A_294 = arith.constant 0 : i32
      %cond3A_295 = arith.cmpi ne, %convert_element_type3A_293, %cond3A_294 : i32
      scf.if %cond3A_295 {
        %sub3A = arith.constant 4 : i32
        %sub3A_412 = arith.subi %add3A_270, %sub3A : i32
        %dma_wait3A_413 = arith.constant 0 : i32
        %dma_wait3A_414 = arith.constant 0 : i32
        %dma_wait3A_415 = tpu.memref_slice %arg7[%scan3A_58, %dma_wait3A_413, %dma_wait3A_414] : memref<8x125x16xf32, #tpu.memory_space<vmem>> -> memref<1x125x16xf32, #tpu.memory_space<vmem>>
        %dma_wait3A_416 = tpu.memref_squeeze %dma_wait3A_415 : memref<1x125x16xf32, #tpu.memory_space<vmem>> -> memref<125x16xf32, #tpu.memory_space<vmem>>
        %dma_wait3A_417 = arith.constant 0 : i32
        %dma_wait3A_418 = tpu.memref_slice %arg6[%sub3A_412, %dma_wait3A_417] : memref<80x125xi32, #tpu.memory_space<vmem>> -> memref<1x125xi32, #tpu.memory_space<vmem>>
        %dma_wait3A_419 = tpu.memref_squeeze %dma_wait3A_418 : memref<1x125xi32, #tpu.memory_space<vmem>> -> memref<125xi32, #tpu.memory_space<vmem>>
        %dma_wait3A_420 = arith.constant 0 : i32
        %dma_wait3A_421 = arith.constant 0 : i32
        %dma_wait3A_422 = tpu.memref_slice %arg9[%dma_wait3A_420, %dma_wait3A_421] : memref<10240x16xf32, #tpu.memory_space<vmem_shared>> -> memref<10240x16xf32, #tpu.memory_space<vmem_shared>>
        tpu.wait_indirect_dma semaphore(%arg18 : memref<!tpu.dma_semaphore, #tpu.memory_space<semaphore_mem>>) src(%dma_wait3A_416 : memref<125x16xf32, #tpu.memory_space<vmem>>) dst(%dma_wait3A_422 : memref<10240x16xf32, #tpu.memory_space<vmem_shared>>)
      } else {
      }
      %add3A_296 = arith.constant 4 : i32
      %add3A_297 = arith.addi %add3A_270, %add3A_296 : i32
      %lt3A_298 = arith.constant 80 : i32
      %lt3A_299 = arith.cmpi slt, %add3A_297, %lt3A_298 : i32
      %convert_element_type3A_300 = arith.extui %lt3A_299 : i1 to i32
      %cond3A_301 = arith.constant 0 : i32
      %cond3A_302 = arith.cmpi ne, %convert_element_type3A_300, %cond3A_301 : i32
      scf.if %cond3A_302 {
        %add3A_412 = arith.constant 4 : i32
        %add3A_413 = arith.addi %add3A_270, %add3A_412 : i32
        %dma_start3A_414 = arith.constant 0 : i32
        %dma_start3A_415 = arith.constant 0 : i32
        %dma_start3A_416 = tpu.memref_slice %arg7[%scan3A_58, %dma_start3A_414, %dma_start3A_415] : memref<8x125x16xf32, #tpu.memory_space<vmem>> -> memref<1x125x16xf32, #tpu.memory_space<vmem>>
        %dma_start3A_417 = tpu.memref_squeeze %dma_start3A_416 : memref<1x125x16xf32, #tpu.memory_space<vmem>> -> memref<125x16xf32, #tpu.memory_space<vmem>>
        %dma_start3A_418 = arith.constant 0 : i32
        %dma_start3A_419 = tpu.memref_slice %arg5[%add3A_413, %dma_start3A_418] : memref<80x125xi32, #tpu.memory_space<vmem>> -> memref<1x125xi32, #tpu.memory_space<vmem>>
        %dma_start3A_420 = tpu.memref_squeeze %dma_start3A_419 : memref<1x125xi32, #tpu.memory_space<vmem>> -> memref<125xi32, #tpu.memory_space<vmem>>
        %dma_start3A_421 = arith.constant 0 : i32
        %dma_start3A_422 = arith.constant 0 : i32
        %dma_start3A_423 = tpu.memref_slice %arg2[%dma_start3A_421, %dma_start3A_422] : memref<10000x16xf32, #tpu.memory_space<hbm>> -> memref<10000x16xf32, #tpu.memory_space<hbm>>
        tpu.enqueue_indirect_dma source(%dma_start3A_423 : memref<10000x16xf32, #tpu.memory_space<hbm>>) target(%dma_start3A_417 : memref<125x16xf32, #tpu.memory_space<vmem>>) offsets(%dma_start3A_420 : memref<125xi32, #tpu.memory_space<vmem>>) semaphore(%arg10 : memref<!tpu.dma_semaphore, #tpu.memory_space<semaphore_mem>>)
      } else {
      }
      %mul3A_303 = arith.constant 8 : i32
      %mul3A_304 = arith.muli %mul3A_303, %scan3A_125 : i32
      %add3A_305 = arith.constant 5 : i32
      %add3A_306 = arith.addi %mul3A_304, %add3A_305 : i32
      %dma_wait3A_307 = arith.constant 0 : i32
      %dma_wait3A_308 = arith.constant 0 : i32
      %dma_wait3A_309 = tpu.memref_slice %arg7[%scan3A_61, %dma_wait3A_307, %dma_wait3A_308] : memref<8x125x16xf32, #tpu.memory_space<vmem>> -> memref<1x125x16xf32, #tpu.memory_space<vmem>>
      %dma_wait3A_310 = tpu.memref_squeeze %dma_wait3A_309 : memref<1x125x16xf32, #tpu.memory_space<vmem>> -> memref<125x16xf32, #tpu.memory_space<vmem>>
      %dma_wait3A_311 = arith.constant 0 : i32
      %dma_wait3A_312 = tpu.memref_slice %arg5[%add3A_306, %dma_wait3A_311] : memref<80x125xi32, #tpu.memory_space<vmem>> -> memref<1x125xi32, #tpu.memory_space<vmem>>
      %dma_wait3A_313 = tpu.memref_squeeze %dma_wait3A_312 : memref<1x125xi32, #tpu.memory_space<vmem>> -> memref<125xi32, #tpu.memory_space<vmem>>
      %dma_wait3A_314 = arith.constant 0 : i32
      %dma_wait3A_315 = arith.constant 0 : i32
      %dma_wait3A_316 = tpu.memref_slice %arg2[%dma_wait3A_314, %dma_wait3A_315] : memref<10000x16xf32, #tpu.memory_space<hbm>> -> memref<10000x16xf32, #tpu.memory_space<hbm>>
      tpu.wait_indirect_dma semaphore(%arg15 : memref<!tpu.dma_semaphore, #tpu.memory_space<semaphore_mem>>) src(%dma_wait3A_316 : memref<10000x16xf32, #tpu.memory_space<hbm>>) dst(%dma_wait3A_310 : memref<125x16xf32, #tpu.memory_space<vmem>>)
      %dma_start3A_317 = arith.constant 0 : i32
      %dma_start3A_318 = arith.constant 0 : i32
      %dma_start3A_319 = tpu.memref_slice %arg7[%scan3A_61, %dma_start3A_317, %dma_start3A_318] : memref<8x125x16xf32, #tpu.memory_space<vmem>> -> memref<1x125x16xf32, #tpu.memory_space<vmem>>
      %dma_start3A_320 = tpu.memref_squeeze %dma_start3A_319 : memref<1x125x16xf32, #tpu.memory_space<vmem>> -> memref<125x16xf32, #tpu.memory_space<vmem>>
      %dma_start3A_321 = arith.constant 0 : i32
      %dma_start3A_322 = tpu.memref_slice %arg6[%add3A_306, %dma_start3A_321] : memref<80x125xi32, #tpu.memory_space<vmem>> -> memref<1x125xi32, #tpu.memory_space<vmem>>
      %dma_start3A_323 = tpu.memref_squeeze %dma_start3A_322 : memref<1x125xi32, #tpu.memory_space<vmem>> -> memref<125xi32, #tpu.memory_space<vmem>>
      %dma_start3A_324 = arith.constant 0 : i32
      %dma_start3A_325 = arith.constant 0 : i32
      %dma_start3A_326 = tpu.memref_slice %arg9[%dma_start3A_324, %dma_start3A_325] : memref<10240x16xf32, #tpu.memory_space<vmem_shared>> -> memref<10240x16xf32, #tpu.memory_space<vmem_shared>>
      tpu.enqueue_indirect_dma source(%dma_start3A_320 : memref<125x16xf32, #tpu.memory_space<vmem>>) target(%dma_start3A_326 : memref<10240x16xf32, #tpu.memory_space<vmem_shared>>) offsets(%dma_start3A_323 : memref<125xi32, #tpu.memory_space<vmem>>) semaphore(%arg23 : memref<!tpu.dma_semaphore, #tpu.memory_space<semaphore_mem>>) {add = true}
      %ge3A_327 = arith.constant 4 : i32
      %ge3A_328 = arith.cmpi sge, %add3A_306, %ge3A_327 : i32
      %convert_element_type3A_329 = arith.extui %ge3A_328 : i1 to i32
      %cond3A_330 = arith.constant 0 : i32
      %cond3A_331 = arith.cmpi ne, %convert_element_type3A_329, %cond3A_330 : i32
      scf.if %cond3A_331 {
        %sub3A = arith.constant 4 : i32
        %sub3A_412 = arith.subi %add3A_306, %sub3A : i32
        %dma_wait3A_413 = arith.constant 0 : i32
        %dma_wait3A_414 = arith.constant 0 : i32
        %dma_wait3A_415 = tpu.memref_slice %arg7[%scan3A_60, %dma_wait3A_413, %dma_wait3A_414] : memref<8x125x16xf32, #tpu.memory_space<vmem>> -> memref<1x125x16xf32, #tpu.memory_space<vmem>>
        %dma_wait3A_416 = tpu.memref_squeeze %dma_wait3A_415 : memref<1x125x16xf32, #tpu.memory_space<vmem>> -> memref<125x16xf32, #tpu.memory_space<vmem>>
        %dma_wait3A_417 = arith.constant 0 : i32
        %dma_wait3A_418 = tpu.memref_slice %arg6[%sub3A_412, %dma_wait3A_417] : memref<80x125xi32, #tpu.memory_space<vmem>> -> memref<1x125xi32, #tpu.memory_space<vmem>>
        %dma_wait3A_419 = tpu.memref_squeeze %dma_wait3A_418 : memref<1x125xi32, #tpu.memory_space<vmem>> -> memref<125xi32, #tpu.memory_space<vmem>>
        %dma_wait3A_420 = arith.constant 0 : i32
        %dma_wait3A_421 = arith.constant 0 : i32
        %dma_wait3A_422 = tpu.memref_slice %arg9[%dma_wait3A_420, %dma_wait3A_421] : memref<10240x16xf32, #tpu.memory_space<vmem_shared>> -> memref<10240x16xf32, #tpu.memory_space<vmem_shared>>
        tpu.wait_indirect_dma semaphore(%arg19 : memref<!tpu.dma_semaphore, #tpu.memory_space<semaphore_mem>>) src(%dma_wait3A_416 : memref<125x16xf32, #tpu.memory_space<vmem>>) dst(%dma_wait3A_422 : memref<10240x16xf32, #tpu.memory_space<vmem_shared>>)
      } else {
      }
      %add3A_332 = arith.constant 4 : i32
      %add3A_333 = arith.addi %add3A_306, %add3A_332 : i32
      %lt3A_334 = arith.constant 80 : i32
      %lt3A_335 = arith.cmpi slt, %add3A_333, %lt3A_334 : i32
      %convert_element_type3A_336 = arith.extui %lt3A_335 : i1 to i32
      %cond3A_337 = arith.constant 0 : i32
      %cond3A_338 = arith.cmpi ne, %convert_element_type3A_336, %cond3A_337 : i32
      scf.if %cond3A_338 {
        %add3A_412 = arith.constant 4 : i32
        %add3A_413 = arith.addi %add3A_306, %add3A_412 : i32
        %dma_start3A_414 = arith.constant 0 : i32
        %dma_start3A_415 = arith.constant 0 : i32
        %dma_start3A_416 = tpu.memref_slice %arg7[%scan3A_60, %dma_start3A_414, %dma_start3A_415] : memref<8x125x16xf32, #tpu.memory_space<vmem>> -> memref<1x125x16xf32, #tpu.memory_space<vmem>>
        %dma_start3A_417 = tpu.memref_squeeze %dma_start3A_416 : memref<1x125x16xf32, #tpu.memory_space<vmem>> -> memref<125x16xf32, #tpu.memory_space<vmem>>
        %dma_start3A_418 = arith.constant 0 : i32
        %dma_start3A_419 = tpu.memref_slice %arg5[%add3A_413, %dma_start3A_418] : memref<80x125xi32, #tpu.memory_space<vmem>> -> memref<1x125xi32, #tpu.memory_space<vmem>>
        %dma_start3A_420 = tpu.memref_squeeze %dma_start3A_419 : memref<1x125xi32, #tpu.memory_space<vmem>> -> memref<125xi32, #tpu.memory_space<vmem>>
        %dma_start3A_421 = arith.constant 0 : i32
        %dma_start3A_422 = arith.constant 0 : i32
        %dma_start3A_423 = tpu.memref_slice %arg2[%dma_start3A_421, %dma_start3A_422] : memref<10000x16xf32, #tpu.memory_space<hbm>> -> memref<10000x16xf32, #tpu.memory_space<hbm>>
        tpu.enqueue_indirect_dma source(%dma_start3A_423 : memref<10000x16xf32, #tpu.memory_space<hbm>>) target(%dma_start3A_417 : memref<125x16xf32, #tpu.memory_space<vmem>>) offsets(%dma_start3A_420 : memref<125xi32, #tpu.memory_space<vmem>>) semaphore(%arg11 : memref<!tpu.dma_semaphore, #tpu.memory_space<semaphore_mem>>)
      } else {
      }
      %mul3A_339 = arith.constant 8 : i32
      %mul3A_340 = arith.muli %mul3A_339, %scan3A_125 : i32
      %add3A_341 = arith.constant 6 : i32
      %add3A_342 = arith.addi %mul3A_340, %add3A_341 : i32
      %dma_wait3A_343 = arith.constant 0 : i32
      %dma_wait3A_344 = arith.constant 0 : i32
      %dma_wait3A_345 = tpu.memref_slice %arg7[%scan3A_63, %dma_wait3A_343, %dma_wait3A_344] : memref<8x125x16xf32, #tpu.memory_space<vmem>> -> memref<1x125x16xf32, #tpu.memory_space<vmem>>
      %dma_wait3A_346 = tpu.memref_squeeze %dma_wait3A_345 : memref<1x125x16xf32, #tpu.memory_space<vmem>> -> memref<125x16xf32, #tpu.memory_space<vmem>>
      %dma_wait3A_347 = arith.constant 0 : i32
      %dma_wait3A_348 = tpu.memref_slice %arg5[%add3A_342, %dma_wait3A_347] : memref<80x125xi32, #tpu.memory_space<vmem>> -> memref<1x125xi32, #tpu.memory_space<vmem>>
      %dma_wait3A_349 = tpu.memref_squeeze %dma_wait3A_348 : memref<1x125xi32, #tpu.memory_space<vmem>> -> memref<125xi32, #tpu.memory_space<vmem>>
      %dma_wait3A_350 = arith.constant 0 : i32
      %dma_wait3A_351 = arith.constant 0 : i32
      %dma_wait3A_352 = tpu.memref_slice %arg2[%dma_wait3A_350, %dma_wait3A_351] : memref<10000x16xf32, #tpu.memory_space<hbm>> -> memref<10000x16xf32, #tpu.memory_space<hbm>>
      tpu.wait_indirect_dma semaphore(%arg16 : memref<!tpu.dma_semaphore, #tpu.memory_space<semaphore_mem>>) src(%dma_wait3A_352 : memref<10000x16xf32, #tpu.memory_space<hbm>>) dst(%dma_wait3A_346 : memref<125x16xf32, #tpu.memory_space<vmem>>)
      %dma_start3A_353 = arith.constant 0 : i32
      %dma_start3A_354 = arith.constant 0 : i32
      %dma_start3A_355 = tpu.memref_slice %arg7[%scan3A_63, %dma_start3A_353, %dma_start3A_354] : memref<8x125x16xf32, #tpu.memory_space<vmem>> -> memref<1x125x16xf32, #tpu.memory_space<vmem>>
      %dma_start3A_356 = tpu.memref_squeeze %dma_start3A_355 : memref<1x125x16xf32, #tpu.memory_space<vmem>> -> memref<125x16xf32, #tpu.memory_space<vmem>>
      %dma_start3A_357 = arith.constant 0 : i32
      %dma_start3A_358 = tpu.memref_slice %arg6[%add3A_342, %dma_start3A_357] : memref<80x125xi32, #tpu.memory_space<vmem>> -> memref<1x125xi32, #tpu.memory_space<vmem>>
      %dma_start3A_359 = tpu.memref_squeeze %dma_start3A_358 : memref<1x125xi32, #tpu.memory_space<vmem>> -> memref<125xi32, #tpu.memory_space<vmem>>
      %dma_start3A_360 = arith.constant 0 : i32
      %dma_start3A_361 = arith.constant 0 : i32
      %dma_start3A_362 = tpu.memref_slice %arg9[%dma_start3A_360, %dma_start3A_361] : memref<10240x16xf32, #tpu.memory_space<vmem_shared>> -> memref<10240x16xf32, #tpu.memory_space<vmem_shared>>
      tpu.enqueue_indirect_dma source(%dma_start3A_356 : memref<125x16xf32, #tpu.memory_space<vmem>>) target(%dma_start3A_362 : memref<10240x16xf32, #tpu.memory_space<vmem_shared>>) offsets(%dma_start3A_359 : memref<125xi32, #tpu.memory_space<vmem>>) semaphore(%arg24 : memref<!tpu.dma_semaphore, #tpu.memory_space<semaphore_mem>>) {add = true}
      %ge3A_363 = arith.constant 4 : i32
      %ge3A_364 = arith.cmpi sge, %add3A_342, %ge3A_363 : i32
      %convert_element_type3A_365 = arith.extui %ge3A_364 : i1 to i32
      %cond3A_366 = arith.constant 0 : i32
      %cond3A_367 = arith.cmpi ne, %convert_element_type3A_365, %cond3A_366 : i32
      scf.if %cond3A_367 {
        %sub3A = arith.constant 4 : i32
        %sub3A_412 = arith.subi %add3A_342, %sub3A : i32
        %dma_wait3A_413 = arith.constant 0 : i32
        %dma_wait3A_414 = arith.constant 0 : i32
        %dma_wait3A_415 = tpu.memref_slice %arg7[%scan3A_62, %dma_wait3A_413, %dma_wait3A_414] : memref<8x125x16xf32, #tpu.memory_space<vmem>> -> memref<1x125x16xf32, #tpu.memory_space<vmem>>
        %dma_wait3A_416 = tpu.memref_squeeze %dma_wait3A_415 : memref<1x125x16xf32, #tpu.memory_space<vmem>> -> memref<125x16xf32, #tpu.memory_space<vmem>>
        %dma_wait3A_417 = arith.constant 0 : i32
        %dma_wait3A_418 = tpu.memref_slice %arg6[%sub3A_412, %dma_wait3A_417] : memref<80x125xi32, #tpu.memory_space<vmem>> -> memref<1x125xi32, #tpu.memory_space<vmem>>
        %dma_wait3A_419 = tpu.memref_squeeze %dma_wait3A_418 : memref<1x125xi32, #tpu.memory_space<vmem>> -> memref<125xi32, #tpu.memory_space<vmem>>
        %dma_wait3A_420 = arith.constant 0 : i32
        %dma_wait3A_421 = arith.constant 0 : i32
        %dma_wait3A_422 = tpu.memref_slice %arg9[%dma_wait3A_420, %dma_wait3A_421] : memref<10240x16xf32, #tpu.memory_space<vmem_shared>> -> memref<10240x16xf32, #tpu.memory_space<vmem_shared>>
        tpu.wait_indirect_dma semaphore(%arg20 : memref<!tpu.dma_semaphore, #tpu.memory_space<semaphore_mem>>) src(%dma_wait3A_416 : memref<125x16xf32, #tpu.memory_space<vmem>>) dst(%dma_wait3A_422 : memref<10240x16xf32, #tpu.memory_space<vmem_shared>>)
      } else {
      }
      %add3A_368 = arith.constant 4 : i32
      %add3A_369 = arith.addi %add3A_342, %add3A_368 : i32
      %lt3A_370 = arith.constant 80 : i32
      %lt3A_371 = arith.cmpi slt, %add3A_369, %lt3A_370 : i32
      %convert_element_type3A_372 = arith.extui %lt3A_371 : i1 to i32
      %cond3A_373 = arith.constant 0 : i32
      %cond3A_374 = arith.cmpi ne, %convert_element_type3A_372, %cond3A_373 : i32
      scf.if %cond3A_374 {
        %add3A_412 = arith.constant 4 : i32
        %add3A_413 = arith.addi %add3A_342, %add3A_412 : i32
        %dma_start3A_414 = arith.constant 0 : i32
        %dma_start3A_415 = arith.constant 0 : i32
        %dma_start3A_416 = tpu.memref_slice %arg7[%scan3A_62, %dma_start3A_414, %dma_start3A_415] : memref<8x125x16xf32, #tpu.memory_space<vmem>> -> memref<1x125x16xf32, #tpu.memory_space<vmem>>
        %dma_start3A_417 = tpu.memref_squeeze %dma_start3A_416 : memref<1x125x16xf32, #tpu.memory_space<vmem>> -> memref<125x16xf32, #tpu.memory_space<vmem>>
        %dma_start3A_418 = arith.constant 0 : i32
        %dma_start3A_419 = tpu.memref_slice %arg5[%add3A_413, %dma_start3A_418] : memref<80x125xi32, #tpu.memory_space<vmem>> -> memref<1x125xi32, #tpu.memory_space<vmem>>
        %dma_start3A_420 = tpu.memref_squeeze %dma_start3A_419 : memref<1x125xi32, #tpu.memory_space<vmem>> -> memref<125xi32, #tpu.memory_space<vmem>>
        %dma_start3A_421 = arith.constant 0 : i32
        %dma_start3A_422 = arith.constant 0 : i32
        %dma_start3A_423 = tpu.memref_slice %arg2[%dma_start3A_421, %dma_start3A_422] : memref<10000x16xf32, #tpu.memory_space<hbm>> -> memref<10000x16xf32, #tpu.memory_space<hbm>>
        tpu.enqueue_indirect_dma source(%dma_start3A_423 : memref<10000x16xf32, #tpu.memory_space<hbm>>) target(%dma_start3A_417 : memref<125x16xf32, #tpu.memory_space<vmem>>) offsets(%dma_start3A_420 : memref<125xi32, #tpu.memory_space<vmem>>) semaphore(%arg12 : memref<!tpu.dma_semaphore, #tpu.memory_space<semaphore_mem>>)
      } else {
      }
      %mul3A_375 = arith.constant 8 : i32
      %mul3A_376 = arith.muli %mul3A_375, %scan3A_125 : i32
      %add3A_377 = arith.constant 7 : i32
      %add3A_378 = arith.addi %mul3A_376, %add3A_377 : i32
      %dma_wait3A_379 = arith.constant 0 : i32
      %dma_wait3A_380 = arith.constant 0 : i32
      %dma_wait3A_381 = tpu.memref_slice %arg7[%scan3A_65, %dma_wait3A_379, %dma_wait3A_380] : memref<8x125x16xf32, #tpu.memory_space<vmem>> -> memref<1x125x16xf32, #tpu.memory_space<vmem>>
      %dma_wait3A_382 = tpu.memref_squeeze %dma_wait3A_381 : memref<1x125x16xf32, #tpu.memory_space<vmem>> -> memref<125x16xf32, #tpu.memory_space<vmem>>
      %dma_wait3A_383 = arith.constant 0 : i32
      %dma_wait3A_384 = tpu.memref_slice %arg5[%add3A_378, %dma_wait3A_383] : memref<80x125xi32, #tpu.memory_space<vmem>> -> memref<1x125xi32, #tpu.memory_space<vmem>>
      %dma_wait3A_385 = tpu.memref_squeeze %dma_wait3A_384 : memref<1x125xi32, #tpu.memory_space<vmem>> -> memref<125xi32, #tpu.memory_space<vmem>>
      %dma_wait3A_386 = arith.constant 0 : i32
      %dma_wait3A_387 = arith.constant 0 : i32
      %dma_wait3A_388 = tpu.memref_slice %arg2[%dma_wait3A_386, %dma_wait3A_387] : memref<10000x16xf32, #tpu.memory_space<hbm>> -> memref<10000x16xf32, #tpu.memory_space<hbm>>
      tpu.wait_indirect_dma semaphore(%arg17 : memref<!tpu.dma_semaphore, #tpu.memory_space<semaphore_mem>>) src(%dma_wait3A_388 : memref<10000x16xf32, #tpu.memory_space<hbm>>) dst(%dma_wait3A_382 : memref<125x16xf32, #tpu.memory_space<vmem>>)
      %dma_start3A_389 = arith.constant 0 : i32
      %dma_start3A_390 = arith.constant 0 : i32
      %dma_start3A_391 = tpu.memref_slice %arg7[%scan3A_65, %dma_start3A_389, %dma_start3A_390] : memref<8x125x16xf32, #tpu.memory_space<vmem>> -> memref<1x125x16xf32, #tpu.memory_space<vmem>>
      %dma_start3A_392 = tpu.memref_squeeze %dma_start3A_391 : memref<1x125x16xf32, #tpu.memory_space<vmem>> -> memref<125x16xf32, #tpu.memory_space<vmem>>
      %dma_start3A_393 = arith.constant 0 : i32
      %dma_start3A_394 = tpu.memref_slice %arg6[%add3A_378, %dma_start3A_393] : memref<80x125xi32, #tpu.memory_space<vmem>> -> memref<1x125xi32, #tpu.memory_space<vmem>>
      %dma_start3A_395 = tpu.memref_squeeze %dma_start3A_394 : memref<1x125xi32, #tpu.memory_space<vmem>> -> memref<125xi32, #tpu.memory_space<vmem>>
      %dma_start3A_396 = arith.constant 0 : i32
      %dma_start3A_397 = arith.constant 0 : i32
      %dma_start3A_398 = tpu.memref_slice %arg9[%dma_start3A_396, %dma_start3A_397] : memref<10240x16xf32, #tpu.memory_space<vmem_shared>> -> memref<10240x16xf32, #tpu.memory_space<vmem_shared>>
      tpu.enqueue_indirect_dma source(%dma_start3A_392 : memref<125x16xf32, #tpu.memory_space<vmem>>) target(%dma_start3A_398 : memref<10240x16xf32, #tpu.memory_space<vmem_shared>>) offsets(%dma_start3A_395 : memref<125xi32, #tpu.memory_space<vmem>>) semaphore(%arg25 : memref<!tpu.dma_semaphore, #tpu.memory_space<semaphore_mem>>) {add = true}
      %ge3A_399 = arith.constant 4 : i32
      %ge3A_400 = arith.cmpi sge, %add3A_378, %ge3A_399 : i32
      %convert_element_type3A_401 = arith.extui %ge3A_400 : i1 to i32
      %cond3A_402 = arith.constant 0 : i32
      %cond3A_403 = arith.cmpi ne, %convert_element_type3A_401, %cond3A_402 : i32
      scf.if %cond3A_403 {
        %sub3A = arith.constant 4 : i32
        %sub3A_412 = arith.subi %add3A_378, %sub3A : i32
        %dma_wait3A_413 = arith.constant 0 : i32
        %dma_wait3A_414 = arith.constant 0 : i32
        %dma_wait3A_415 = tpu.memref_slice %arg7[%scan3A_64, %dma_wait3A_413, %dma_wait3A_414] : memref<8x125x16xf32, #tpu.memory_space<vmem>> -> memref<1x125x16xf32, #tpu.memory_space<vmem>>
        %dma_wait3A_416 = tpu.memref_squeeze %dma_wait3A_415 : memref<1x125x16xf32, #tpu.memory_space<vmem>> -> memref<125x16xf32, #tpu.memory_space<vmem>>
        %dma_wait3A_417 = arith.constant 0 : i32
        %dma_wait3A_418 = tpu.memref_slice %arg6[%sub3A_412, %dma_wait3A_417] : memref<80x125xi32, #tpu.memory_space<vmem>> -> memref<1x125xi32, #tpu.memory_space<vmem>>
        %dma_wait3A_419 = tpu.memref_squeeze %dma_wait3A_418 : memref<1x125xi32, #tpu.memory_space<vmem>> -> memref<125xi32, #tpu.memory_space<vmem>>
        %dma_wait3A_420 = arith.constant 0 : i32
        %dma_wait3A_421 = arith.constant 0 : i32
        %dma_wait3A_422 = tpu.memref_slice %arg9[%dma_wait3A_420, %dma_wait3A_421] : memref<10240x16xf32, #tpu.memory_space<vmem_shared>> -> memref<10240x16xf32, #tpu.memory_space<vmem_shared>>
        tpu.wait_indirect_dma semaphore(%arg21 : memref<!tpu.dma_semaphore, #tpu.memory_space<semaphore_mem>>) src(%dma_wait3A_416 : memref<125x16xf32, #tpu.memory_space<vmem>>) dst(%dma_wait3A_422 : memref<10240x16xf32, #tpu.memory_space<vmem_shared>>)
      } else {
      }
      %add3A_404 = arith.constant 4 : i32
      %add3A_405 = arith.addi %add3A_378, %add3A_404 : i32
      %lt3A_406 = arith.constant 80 : i32
      %lt3A_407 = arith.cmpi slt, %add3A_405, %lt3A_406 : i32
      %convert_element_type3A_408 = arith.extui %lt3A_407 : i1 to i32
      %cond3A_409 = arith.constant 0 : i32
      %cond3A_410 = arith.cmpi ne, %convert_element_type3A_408, %cond3A_409 : i32
      scf.if %cond3A_410 {
        %add3A_412 = arith.constant 4 : i32
        %add3A_413 = arith.addi %add3A_378, %add3A_412 : i32
        %dma_start3A_414 = arith.constant 0 : i32
        %dma_start3A_415 = arith.constant 0 : i32
        %dma_start3A_416 = tpu.memref_slice %arg7[%scan3A_64, %dma_start3A_414, %dma_start3A_415] : memref<8x125x16xf32, #tpu.memory_space<vmem>> -> memref<1x125x16xf32, #tpu.memory_space<vmem>>
        %dma_start3A_417 = tpu.memref_squeeze %dma_start3A_416 : memref<1x125x16xf32, #tpu.memory_space<vmem>> -> memref<125x16xf32, #tpu.memory_space<vmem>>
        %dma_start3A_418 = arith.constant 0 : i32
        %dma_start3A_419 = tpu.memref_slice %arg5[%add3A_413, %dma_start3A_418] : memref<80x125xi32, #tpu.memory_space<vmem>> -> memref<1x125xi32, #tpu.memory_space<vmem>>
        %dma_start3A_420 = tpu.memref_squeeze %dma_start3A_419 : memref<1x125xi32, #tpu.memory_space<vmem>> -> memref<125xi32, #tpu.memory_space<vmem>>
        %dma_start3A_421 = arith.constant 0 : i32
        %dma_start3A_422 = arith.constant 0 : i32
        %dma_start3A_423 = tpu.memref_slice %arg2[%dma_start3A_421, %dma_start3A_422] : memref<10000x16xf32, #tpu.memory_space<hbm>> -> memref<10000x16xf32, #tpu.memory_space<hbm>>
        tpu.enqueue_indirect_dma source(%dma_start3A_423 : memref<10000x16xf32, #tpu.memory_space<hbm>>) target(%dma_start3A_417 : memref<125x16xf32, #tpu.memory_space<vmem>>) offsets(%dma_start3A_420 : memref<125xi32, #tpu.memory_space<vmem>>) semaphore(%arg13 : memref<!tpu.dma_semaphore, #tpu.memory_space<semaphore_mem>>)
      } else {
      }
      %scan3A_411 = arith.constant 0 : i32
      scf.yield %scan3A_411 : i32
    }
    %scan3A_72 = arith.constant 10 : i32
    %dma_wait3A = arith.constant 4 : i32
    %dma_wait3A_73 = arith.constant 76 : i32
    %dma_wait3A_74 = arith.constant 0 : i32
    %dma_wait3A_75 = arith.constant 0 : i32
    %dma_wait3A_76 = tpu.memref_slice %arg7[%dma_wait3A, %dma_wait3A_74, %dma_wait3A_75] : memref<8x125x16xf32, #tpu.memory_space<vmem>> -> memref<1x125x16xf32, #tpu.memory_space<vmem>>
    %dma_wait3A_77 = tpu.memref_squeeze %dma_wait3A_76 : memref<1x125x16xf32, #tpu.memory_space<vmem>> -> memref<125x16xf32, #tpu.memory_space<vmem>>
    %dma_wait3A_78 = arith.constant 0 : i32
    %dma_wait3A_79 = tpu.memref_slice %arg6[%dma_wait3A_73, %dma_wait3A_78] : memref<80x125xi32, #tpu.memory_space<vmem>> -> memref<1x125xi32, #tpu.memory_space<vmem>>
    %dma_wait3A_80 = tpu.memref_squeeze %dma_wait3A_79 : memref<1x125xi32, #tpu.memory_space<vmem>> -> memref<125xi32, #tpu.memory_space<vmem>>
    %dma_wait3A_81 = arith.constant 0 : i32
    %dma_wait3A_82 = arith.constant 0 : i32
    %dma_wait3A_83 = tpu.memref_slice %arg9[%dma_wait3A_81, %dma_wait3A_82] : memref<10240x16xf32, #tpu.memory_space<vmem_shared>> -> memref<10240x16xf32, #tpu.memory_space<vmem_shared>>
    tpu.wait_indirect_dma semaphore(%arg22 : memref<!tpu.dma_semaphore, #tpu.memory_space<semaphore_mem>>) src(%dma_wait3A_77 : memref<125x16xf32, #tpu.memory_space<vmem>>) dst(%dma_wait3A_83 : memref<10240x16xf32, #tpu.memory_space<vmem_shared>>)
    %dma_wait3A_84 = arith.constant 5 : i32
    %dma_wait3A_85 = arith.constant 77 : i32
    %dma_wait3A_86 = arith.constant 0 : i32
    %dma_wait3A_87 = arith.constant 0 : i32
    %dma_wait3A_88 = tpu.memref_slice %arg7[%dma_wait3A_84, %dma_wait3A_86, %dma_wait3A_87] : memref<8x125x16xf32, #tpu.memory_space<vmem>> -> memref<1x125x16xf32, #tpu.memory_space<vmem>>
    %dma_wait3A_89 = tpu.memref_squeeze %dma_wait3A_88 : memref<1x125x16xf32, #tpu.memory_space<vmem>> -> memref<125x16xf32, #tpu.memory_space<vmem>>
    %dma_wait3A_90 = arith.constant 0 : i32
    %dma_wait3A_91 = tpu.memref_slice %arg6[%dma_wait3A_85, %dma_wait3A_90] : memref<80x125xi32, #tpu.memory_space<vmem>> -> memref<1x125xi32, #tpu.memory_space<vmem>>
    %dma_wait3A_92 = tpu.memref_squeeze %dma_wait3A_91 : memref<1x125xi32, #tpu.memory_space<vmem>> -> memref<125xi32, #tpu.memory_space<vmem>>
    %dma_wait3A_93 = arith.constant 0 : i32
    %dma_wait3A_94 = arith.constant 0 : i32
    %dma_wait3A_95 = tpu.memref_slice %arg9[%dma_wait3A_93, %dma_wait3A_94] : memref<10240x16xf32, #tpu.memory_space<vmem_shared>> -> memref<10240x16xf32, #tpu.memory_space<vmem_shared>>
    tpu.wait_indirect_dma semaphore(%arg23 : memref<!tpu.dma_semaphore, #tpu.memory_space<semaphore_mem>>) src(%dma_wait3A_89 : memref<125x16xf32, #tpu.memory_space<vmem>>) dst(%dma_wait3A_95 : memref<10240x16xf32, #tpu.memory_space<vmem_shared>>)
    %dma_wait3A_96 = arith.constant 6 : i32
    %dma_wait3A_97 = arith.constant 78 : i32
    %dma_wait3A_98 = arith.constant 0 : i32
    %dma_wait3A_99 = arith.constant 0 : i32
    %dma_wait3A_100 = tpu.memref_slice %arg7[%dma_wait3A_96, %dma_wait3A_98, %dma_wait3A_99] : memref<8x125x16xf32, #tpu.memory_space<vmem>> -> memref<1x125x16xf32, #tpu.memory_space<vmem>>
    %dma_wait3A_101 = tpu.memref_squeeze %dma_wait3A_100 : memref<1x125x16xf32, #tpu.memory_space<vmem>> -> memref<125x16xf32, #tpu.memory_space<vmem>>
    %dma_wait3A_102 = arith.constant 0 : i32
    %dma_wait3A_103 = tpu.memref_slice %arg6[%dma_wait3A_97, %dma_wait3A_102] : memref<80x125xi32, #tpu.memory_space<vmem>> -> memref<1x125xi32, #tpu.memory_space<vmem>>
    %dma_wait3A_104 = tpu.memref_squeeze %dma_wait3A_103 : memref<1x125xi32, #tpu.memory_space<vmem>> -> memref<125xi32, #tpu.memory_space<vmem>>
    %dma_wait3A_105 = arith.constant 0 : i32
    %dma_wait3A_106 = arith.constant 0 : i32
    %dma_wait3A_107 = tpu.memref_slice %arg9[%dma_wait3A_105, %dma_wait3A_106] : memref<10240x16xf32, #tpu.memory_space<vmem_shared>> -> memref<10240x16xf32, #tpu.memory_space<vmem_shared>>
    tpu.wait_indirect_dma semaphore(%arg24 : memref<!tpu.dma_semaphore, #tpu.memory_space<semaphore_mem>>) src(%dma_wait3A_101 : memref<125x16xf32, #tpu.memory_space<vmem>>) dst(%dma_wait3A_107 : memref<10240x16xf32, #tpu.memory_space<vmem_shared>>)
    %dma_wait3A_108 = arith.constant 7 : i32
    %dma_wait3A_109 = arith.constant 79 : i32
    %dma_wait3A_110 = arith.constant 0 : i32
    %dma_wait3A_111 = arith.constant 0 : i32
    %dma_wait3A_112 = tpu.memref_slice %arg7[%dma_wait3A_108, %dma_wait3A_110, %dma_wait3A_111] : memref<8x125x16xf32, #tpu.memory_space<vmem>> -> memref<1x125x16xf32, #tpu.memory_space<vmem>>
    %dma_wait3A_113 = tpu.memref_squeeze %dma_wait3A_112 : memref<1x125x16xf32, #tpu.memory_space<vmem>> -> memref<125x16xf32, #tpu.memory_space<vmem>>
    %dma_wait3A_114 = arith.constant 0 : i32
    %dma_wait3A_115 = tpu.memref_slice %arg6[%dma_wait3A_109, %dma_wait3A_114] : memref<80x125xi32, #tpu.memory_space<vmem>> -> memref<1x125xi32, #tpu.memory_space<vmem>>
    %dma_wait3A_116 = tpu.memref_squeeze %dma_wait3A_115 : memref<1x125xi32, #tpu.memory_space<vmem>> -> memref<125xi32, #tpu.memory_space<vmem>>
    %dma_wait3A_117 = arith.constant 0 : i32
    %dma_wait3A_118 = arith.constant 0 : i32
    %dma_wait3A_119 = tpu.memref_slice %arg9[%dma_wait3A_117, %dma_wait3A_118] : memref<10240x16xf32, #tpu.memory_space<vmem_shared>> -> memref<10240x16xf32, #tpu.memory_space<vmem_shared>>
    tpu.wait_indirect_dma semaphore(%arg25 : memref<!tpu.dma_semaphore, #tpu.memory_space<semaphore_mem>>) src(%dma_wait3A_113 : memref<125x16xf32, #tpu.memory_space<vmem>>) dst(%dma_wait3A_119 : memref<10240x16xf32, #tpu.memory_space<vmem_shared>>)
    %barrier3A_120 = arith.constant 0 : index
    tpu.barrier barrier_id(%barrier3A_120)
    %mul3A_121 = arith.constant 640 : i32
    %mul3A_122 = arith.muli %arg1, %mul3A_121 : i32
    "tpu.region"() ({
      %run_scoped3A_125 = tpu.sem_alloc : memref<!tpu.dma_semaphore, #tpu.memory_space<semaphore_mem>>
      %dma_start3A_126 = arith.constant 0 : i32
      %dma_start3A_127 = tpu.memref_slice %arg9[%mul3A_122, %dma_start3A_126] : memref<10240x16xf32, #tpu.memory_space<vmem_shared>> -> memref<640x16xf32, #tpu.memory_space<vmem_shared>>
      %dma_start3A_128 = arith.constant 0 : i32
      %dma_start3A_129 = tpu.memref_slice %arg9[%mul3A_122, %dma_start3A_128] : memref<10240x16xf32, #tpu.memory_space<vmem_shared>> -> memref<640x16xf32, #tpu.memory_space<vmem_shared>>
      tpu.enqueue_dma source(%dma_start3A_129 : memref<640x16xf32, #tpu.memory_space<vmem_shared>>) target(%arg8 : memref<640x16xf32, #tpu.memory_space<vmem>>) target_semaphore(%run_scoped3A_125 : memref<!tpu.dma_semaphore, #tpu.memory_space<semaphore_mem>>)
      %dma_wait3A_130 = arith.constant 0 : i32
      %dma_wait3A_131 = tpu.memref_slice %arg9[%mul3A_122, %dma_wait3A_130] : memref<10240x16xf32, #tpu.memory_space<vmem_shared>> -> memref<640x16xf32, #tpu.memory_space<vmem_shared>>
      %dma_wait3A_132 = arith.constant 0 : i32
      %dma_wait3A_133 = tpu.memref_slice %arg9[%mul3A_122, %dma_wait3A_132] : memref<10240x16xf32, #tpu.memory_space<vmem_shared>> -> memref<640x16xf32, #tpu.memory_space<vmem_shared>>
      tpu.wait_dma2 semaphore(%run_scoped3A_125 : memref<!tpu.dma_semaphore, #tpu.memory_space<semaphore_mem>>) src(%dma_wait3A_133 : memref<640x16xf32, #tpu.memory_space<vmem_shared>>) dst(%arg8 : memref<640x16xf32, #tpu.memory_space<vmem>>)
      tpu.yield
    }) : () -> ()
    %mul3A_123 = arith.constant 640 : i32
    %mul3A_124 = arith.muli %arg1, %mul3A_123 : i32
    "tpu.region"() ({
      %run_scoped3A_125 = tpu.sem_alloc : memref<!tpu.dma_semaphore, #tpu.memory_space<semaphore_mem>>
      %dma_start3A_126 = arith.constant 0 : i32
      %dma_start3A_127 = tpu.memref_slice %arg4[%arg0, %mul3A_124, %dma_start3A_126] : memref<2x10240x16xf32, #tpu.memory_space<hbm>> -> memref<1x640x16xf32, #tpu.memory_space<hbm>>
      %dma_start3A_128 = tpu.memref_squeeze %dma_start3A_127 : memref<1x640x16xf32, #tpu.memory_space<hbm>> -> memref<640x16xf32, #tpu.memory_space<hbm>>
      %dma_start3A_129 = arith.constant 0 : i32
      %dma_start3A_130 = tpu.memref_slice %arg4[%arg0, %mul3A_124, %dma_start3A_129] : memref<2x10240x16xf32, #tpu.memory_space<hbm>> -> memref<1x640x16xf32, #tpu.memory_space<hbm>>
      %dma_start3A_131 = tpu.memref_squeeze %dma_start3A_130 : memref<1x640x16xf32, #tpu.memory_space<hbm>> -> memref<640x16xf32, #tpu.memory_space<hbm>>
      tpu.enqueue_dma source(%arg8 : memref<640x16xf32, #tpu.memory_space<vmem>>) target(%dma_start3A_131 : memref<640x16xf32, #tpu.memory_space<hbm>>) target_semaphore(%run_scoped3A_125 : memref<!tpu.dma_semaphore, #tpu.memory_space<semaphore_mem>>)
      %dma_wait3A_132 = arith.constant 0 : i32
      %dma_wait3A_133 = tpu.memref_slice %arg4[%arg0, %mul3A_124, %dma_wait3A_132] : memref<2x10240x16xf32, #tpu.memory_space<hbm>> -> memref<1x640x16xf32, #tpu.memory_space<hbm>>
      %dma_wait3A_134 = tpu.memref_squeeze %dma_wait3A_133 : memref<1x640x16xf32, #tpu.memory_space<hbm>> -> memref<640x16xf32, #tpu.memory_space<hbm>>
      %dma_wait3A_135 = arith.constant 0 : i32
      %dma_wait3A_136 = tpu.memref_slice %arg4[%arg0, %mul3A_124, %dma_wait3A_135] : memref<2x10240x16xf32, #tpu.memory_space<hbm>> -> memref<1x640x16xf32, #tpu.memory_space<hbm>>
      %dma_wait3A_137 = tpu.memref_squeeze %dma_wait3A_136 : memref<1x640x16xf32, #tpu.memory_space<hbm>> -> memref<640x16xf32, #tpu.memory_space<hbm>>
      tpu.wait_dma2 semaphore(%run_scoped3A_125 : memref<!tpu.dma_semaphore, #tpu.memory_space<semaphore_mem>>) src(%arg8 : memref<640x16xf32, #tpu.memory_space<vmem>>) dst(%dma_wait3A_137 : memref<640x16xf32, #tpu.memory_space<hbm>>)
      tpu.yield
    }) : () -> ()
    return
  }
}

module attributes {stable_mosaic.version = 14 : i64} {
  func.func @_tc_layer1_body(%arg0: memref<625x2048xf32, #tpu.memory_space<vmem>>, %arg1: memref<2048x256xf32, #tpu.memory_space<vmem>>, %arg2: memref<2x2x640x16xf32, #tpu.memory_space<vmem>>, %arg3: memref<625x256xf32, #tpu.memory_space<vmem>>) attributes {dimension_semantics = [], scalar_prefetch = 0 : i64, scratch_operands = 0 : i64, tpu.core_type = #tpu.core_type<tc>} {
    %get3A = arith.constant 0 : index
    %get3A_0 = arith.constant 0 : index
    %get3A_1 = arith.constant 0 : index
    %get3A_2 = arith.constant 0 : index
    %get3A_3 = vector.load %arg2[%get3A, %get3A_0, %get3A_1, %get3A_2] : memref<2x2x640x16xf32, #tpu.memory_space<vmem>>, vector<1x1x625x16xf32>
    %get3A_4 = vector.shape_cast %get3A_3 : vector<1x1x625x16xf32> to vector<625x16xf32>
    %get3A_5 = arith.constant 1 : index
    %get3A_6 = arith.constant 0 : index
    %get3A_7 = arith.constant 0 : index
    %get3A_8 = arith.constant 0 : index
    %get3A_9 = vector.load %arg2[%get3A_5, %get3A_6, %get3A_7, %get3A_8] : memref<2x2x640x16xf32, #tpu.memory_space<vmem>>, vector<1x1x625x16xf32>
    %get3A_10 = vector.shape_cast %get3A_9 : vector<1x1x625x16xf32> to vector<625x16xf32>
    %add3A = arith.addf %get3A_4, %get3A_10 : vector<625x16xf32>
    %max3A = arith.constant 1.000000e+00 : f32
    %max3A_11 = vector.broadcast %max3A : f32 to vector<625x16xf32>
    %max3A_12 = arith.maximumf %add3A, %max3A_11 : vector<625x16xf32>
    %rsqrt3A = math.rsqrt %max3A_12 : vector<625x16xf32>
    %broadcast_in_dim3A = vector.shape_cast %rsqrt3A : vector<625x16xf32> to vector<625x16x1xf32>
    %broadcast_in_dim3A_13 = vector.broadcast %broadcast_in_dim3A : vector<625x16x1xf32> to vector<625x16x128xf32>
    %reshape3A = vector.shape_cast %broadcast_in_dim3A_13 : vector<625x16x128xf32> to vector<625x2048xf32>
    %get3A_14 = arith.constant 0 : index
    %get3A_15 = arith.constant 0 : index
    %get3A_16 = vector.load %arg0[%get3A_14, %get3A_15] : memref<625x2048xf32, #tpu.memory_space<vmem>>, vector<625x2048xf32>
    %mul3A = arith.mulf %get3A_16, %reshape3A : vector<625x2048xf32>
    %get3A_17 = arith.constant 0 : index
    %get3A_18 = arith.constant 0 : index
    %get3A_19 = vector.load %arg1[%get3A_17, %get3A_18] : memref<2048x256xf32, #tpu.memory_space<vmem>>, vector<2048x256xf32>
    %dot_general3A = arith.constant dense<0.000000e+00> : vector<625x256xf32>
    %dot_general3A_20 = tpu.matmul %mul3A, %get3A_19, %dot_general3A {dimension_numbers = #tpu.dot_dimension_numbers<[1], [0], [0], [1], [0, 0, 1, 1], [], []>, transpose_lhs_hint = false} : vector<625x2048xf32>, vector<2048x256xf32>, vector<625x256xf32> -> vector<625x256xf32>
    %swap3A = arith.constant 0 : index
    %swap3A_21 = arith.constant 0 : index
    %swap3A_22 = vector.load %arg3[%swap3A, %swap3A_21] : memref<625x256xf32, #tpu.memory_space<vmem>>, vector<625x256xf32>
    tpu.vector_store %arg3[%swap3A, %swap3A_21], %dot_general3A_20 {strides = array<i32>} : memref<625x256xf32, #tpu.memory_space<vmem>>, vector<625x256xf32>,
    return
  }
}

module attributes {stable_mosaic.version = 14 : i64} {
  func.func @_tc_mid_body(%arg0: memref<2x640x256xf32, #tpu.memory_space<vmem>>, %arg1: memref<2x2x640x16xf32, #tpu.memory_space<vmem>>, %arg2: memref<1x256xf32, #tpu.memory_space<vmem>>, %arg3: memref<640x256xf32, #tpu.memory_space<vmem>>) attributes {dimension_semantics = [], scalar_prefetch = 0 : i64, scratch_operands = 0 : i64, tpu.core_type = #tpu.core_type<tc>} {
    %get3A = arith.constant 0 : index
    %get3A_0 = arith.constant 1 : index
    %get3A_1 = arith.constant 0 : index
    %get3A_2 = arith.constant 0 : index
    %get3A_3 = vector.load %arg1[%get3A, %get3A_0, %get3A_1, %get3A_2] : memref<2x2x640x16xf32, #tpu.memory_space<vmem>>, vector<1x1x640x16xf32>
    %get3A_4 = vector.shape_cast %get3A_3 : vector<1x1x640x16xf32> to vector<640x16xf32>
    %get3A_5 = arith.constant 1 : index
    %get3A_6 = arith.constant 1 : index
    %get3A_7 = arith.constant 0 : index
    %get3A_8 = arith.constant 0 : index
    %get3A_9 = vector.load %arg1[%get3A_5, %get3A_6, %get3A_7, %get3A_8] : memref<2x2x640x16xf32, #tpu.memory_space<vmem>>, vector<1x1x640x16xf32>
    %get3A_10 = vector.shape_cast %get3A_9 : vector<1x1x640x16xf32> to vector<640x16xf32>
    %add3A = arith.addf %get3A_4, %get3A_10 : vector<640x16xf32>
    %max3A = arith.constant 1.000000e+00 : f32
    %max3A_11 = vector.broadcast %max3A : f32 to vector<640x16xf32>
    %max3A_12 = arith.maximumf %add3A, %max3A_11 : vector<640x16xf32>
    %rsqrt3A = math.rsqrt %max3A_12 : vector<640x16xf32>
    %broadcast_in_dim3A = vector.shape_cast %rsqrt3A : vector<640x16xf32> to vector<640x16x1xf32>
    %broadcast_in_dim3A_13 = vector.broadcast %broadcast_in_dim3A : vector<640x16x1xf32> to vector<640x16x16xf32>
    %reshape3A = vector.shape_cast %broadcast_in_dim3A_13 : vector<640x16x16xf32> to vector<640x256xf32>
    %get3A_14 = arith.constant 0 : index
    %get3A_15 = arith.constant 0 : index
    %get3A_16 = arith.constant 0 : index
    %get3A_17 = arith.constant 0 : index
    %get3A_18 = vector.load %arg1[%get3A_14, %get3A_15, %get3A_16, %get3A_17] : memref<2x2x640x16xf32, #tpu.memory_space<vmem>>, vector<1x1x640x16xf32>
    %get3A_19 = vector.shape_cast %get3A_18 : vector<1x1x640x16xf32> to vector<640x16xf32>
    %get3A_20 = arith.constant 1 : index
    %get3A_21 = arith.constant 0 : index
    %get3A_22 = arith.constant 0 : index
    %get3A_23 = arith.constant 0 : index
    %get3A_24 = vector.load %arg1[%get3A_20, %get3A_21, %get3A_22, %get3A_23] : memref<2x2x640x16xf32, #tpu.memory_space<vmem>>, vector<1x1x640x16xf32>
    %get3A_25 = vector.shape_cast %get3A_24 : vector<1x1x640x16xf32> to vector<640x16xf32>
    %add3A_26 = arith.addf %get3A_19, %get3A_25 : vector<640x16xf32>
    %max3A_27 = arith.constant 1.000000e+00 : f32
    %max3A_28 = vector.broadcast %max3A_27 : f32 to vector<640x16xf32>
    %max3A_29 = arith.maximumf %add3A_26, %max3A_28 : vector<640x16xf32>
    %rsqrt3A_30 = math.rsqrt %max3A_29 : vector<640x16xf32>
    %broadcast_in_dim3A_31 = vector.shape_cast %rsqrt3A_30 : vector<640x16xf32> to vector<640x16x1xf32>
    %broadcast_in_dim3A_32 = vector.broadcast %broadcast_in_dim3A_31 : vector<640x16x1xf32> to vector<640x16x16xf32>
    %reshape3A_33 = vector.shape_cast %broadcast_in_dim3A_32 : vector<640x16x16xf32> to vector<640x256xf32>
    %get3A_34 = arith.constant 0 : index
    %get3A_35 = arith.constant 0 : index
    %get3A_36 = arith.constant 0 : index
    %get3A_37 = vector.load %arg0[%get3A_34, %get3A_35, %get3A_36] : memref<2x640x256xf32, #tpu.memory_space<vmem>>, vector<1x640x256xf32>
    %get3A_38 = vector.shape_cast %get3A_37 : vector<1x640x256xf32> to vector<640x256xf32>
    %get3A_39 = arith.constant 1 : index
    %get3A_40 = arith.constant 0 : index
    %get3A_41 = arith.constant 0 : index
    %get3A_42 = vector.load %arg0[%get3A_39, %get3A_40, %get3A_41] : memref<2x640x256xf32, #tpu.memory_space<vmem>>, vector<1x640x256xf32>
    %get3A_43 = vector.shape_cast %get3A_42 : vector<1x640x256xf32> to vector<640x256xf32>
    %add3A_44 = arith.addf %get3A_38, %get3A_43 : vector<640x256xf32>
    %mul3A = arith.mulf %add3A_44, %reshape3A : vector<640x256xf32>
    %get3A_45 = arith.constant 0 : index
    %get3A_46 = arith.constant 0 : index
    %get3A_47 = vector.load %arg2[%get3A_45, %get3A_46] : memref<1x256xf32, #tpu.memory_space<vmem>>, vector<1x256xf32>
    %add3A_48 = vector.broadcast %get3A_47 : vector<1x256xf32> to vector<640x256xf32>
    %add3A_49 = arith.addf %mul3A, %add3A_48 : vector<640x256xf32>
    %max3A_50 = arith.constant 0.000000e+00 : f32
    %max3A_51 = vector.broadcast %max3A_50 : f32 to vector<640x256xf32>
    %max3A_52 = arith.maximumf %add3A_49, %max3A_51 : vector<640x256xf32>
    %mul3A_53 = arith.mulf %max3A_52, %reshape3A_33 : vector<640x256xf32>
    %swap3A = arith.constant 0 : index
    %swap3A_54 = arith.constant 0 : index
    %swap3A_55 = vector.load %arg3[%swap3A, %swap3A_54] : memref<640x256xf32, #tpu.memory_space<vmem>>, vector<640x256xf32>
    tpu.vector_store %arg3[%swap3A, %swap3A_54], %mul3A_53 {strides = array<i32>} : memref<640x256xf32, #tpu.memory_space<vmem>>, vector<640x256xf32>,
    return
  }
}

module attributes {stable_mosaic.version = 14 : i64} {
  func.func @_tc_layer2_body(%arg0: memref<2x640x256xf32, #tpu.memory_space<vmem>>, %arg1: memref<256x2048xf32, #tpu.memory_space<vmem>>, %arg2: memref<2x2x640x16xf32, #tpu.memory_space<vmem>>, %arg3: memref<1x2048xf32, #tpu.memory_space<vmem>>, %arg4: memref<640x2048xf32, #tpu.memory_space<vmem>>) attributes {dimension_semantics = [], scalar_prefetch = 0 : i64, scratch_operands = 0 : i64, tpu.core_type = #tpu.core_type<tc>} {
    %get3A = arith.constant 0 : index
    %get3A_0 = arith.constant 0 : index
    %get3A_1 = arith.constant 0 : index
    %get3A_2 = vector.load %arg0[%get3A, %get3A_0, %get3A_1] : memref<2x640x256xf32, #tpu.memory_space<vmem>>, vector<1x640x256xf32>
    %get3A_3 = vector.shape_cast %get3A_2 : vector<1x640x256xf32> to vector<640x256xf32>
    %get3A_4 = arith.constant 1 : index
    %get3A_5 = arith.constant 0 : index
    %get3A_6 = arith.constant 0 : index
    %get3A_7 = vector.load %arg0[%get3A_4, %get3A_5, %get3A_6] : memref<2x640x256xf32, #tpu.memory_space<vmem>>, vector<1x640x256xf32>
    %get3A_8 = vector.shape_cast %get3A_7 : vector<1x640x256xf32> to vector<640x256xf32>
    %add3A = arith.addf %get3A_3, %get3A_8 : vector<640x256xf32>
    %get3A_9 = arith.constant 0 : index
    %get3A_10 = arith.constant 0 : index
    %get3A_11 = vector.load %arg1[%get3A_9, %get3A_10] : memref<256x2048xf32, #tpu.memory_space<vmem>>, vector<256x2048xf32>
    %dot_general3A = arith.constant dense<0.000000e+00> : vector<640x2048xf32>
    %dot_general3A_12 = tpu.matmul %add3A, %get3A_11, %dot_general3A {dimension_numbers = #tpu.dot_dimension_numbers<[1], [0], [0], [1], [0, 0, 1, 1], [], []>, transpose_lhs_hint = false} : vector<640x256xf32>, vector<256x2048xf32>, vector<640x2048xf32> -> vector<640x2048xf32>
    %get3A_13 = arith.constant 0 : index
    %get3A_14 = arith.constant 1 : index
    %get3A_15 = arith.constant 0 : index
    %get3A_16 = arith.constant 0 : index
    %get3A_17 = vector.load %arg2[%get3A_13, %get3A_14, %get3A_15, %get3A_16] : memref<2x2x640x16xf32, #tpu.memory_space<vmem>>, vector<1x1x640x16xf32>
    %get3A_18 = vector.shape_cast %get3A_17 : vector<1x1x640x16xf32> to vector<640x16xf32>
    %get3A_19 = arith.constant 1 : index
    %get3A_20 = arith.constant 1 : index
    %get3A_21 = arith.constant 0 : index
    %get3A_22 = arith.constant 0 : index
    %get3A_23 = vector.load %arg2[%get3A_19, %get3A_20, %get3A_21, %get3A_22] : memref<2x2x640x16xf32, #tpu.memory_space<vmem>>, vector<1x1x640x16xf32>
    %get3A_24 = vector.shape_cast %get3A_23 : vector<1x1x640x16xf32> to vector<640x16xf32>
    %add3A_25 = arith.addf %get3A_18, %get3A_24 : vector<640x16xf32>
    %max3A = arith.constant 1.000000e+00 : f32
    %max3A_26 = vector.broadcast %max3A : f32 to vector<640x16xf32>
    %max3A_27 = arith.maximumf %add3A_25, %max3A_26 : vector<640x16xf32>
    %rsqrt3A = math.rsqrt %max3A_27 : vector<640x16xf32>
    %broadcast_in_dim3A = vector.shape_cast %rsqrt3A : vector<640x16xf32> to vector<640x16x1xf32>
    %broadcast_in_dim3A_28 = vector.broadcast %broadcast_in_dim3A : vector<640x16x1xf32> to vector<640x16x128xf32>
    %reshape3A = vector.shape_cast %broadcast_in_dim3A_28 : vector<640x16x128xf32> to vector<640x2048xf32>
    %mul3A = arith.mulf %dot_general3A_12, %reshape3A : vector<640x2048xf32>
    %get3A_29 = arith.constant 0 : index
    %get3A_30 = arith.constant 0 : index
    %get3A_31 = vector.load %arg3[%get3A_29, %get3A_30] : memref<1x2048xf32, #tpu.memory_space<vmem>>, vector<1x2048xf32>
    %add3A_32 = vector.broadcast %get3A_31 : vector<1x2048xf32> to vector<640x2048xf32>
    %add3A_33 = arith.addf %mul3A, %add3A_32 : vector<640x2048xf32>
    %swap3A = arith.constant 0 : index
    %swap3A_34 = arith.constant 0 : index
    %swap3A_35 = vector.load %arg4[%swap3A, %swap3A_34] : memref<640x2048xf32, #tpu.memory_space<vmem>>, vector<640x2048xf32>
    tpu.vector_store %arg4[%swap3A, %swap3A_34], %add3A_33 {strides = array<i32>} : memref<640x2048xf32, #tpu.memory_space<vmem>>, vector<640x2048xf32>,
    return
  }
}

</mosaic_0001>

<sc_bundles>
// kernel: kernel.11.cloned.1.call-start
scs
__scs_entry_jumppad:
0x0: {  	(pc) =	sbr.rel $0x88, $3  }
0x1: {  	(tag) =	ssettag $0x0;
	lr =	simm.s32 $0x1  }
0x2: {  	[smem:$0x3F9B] =	sst lr;
	_ =	strace $0xD0000000  }
0x3: {  	_ = 	snop  }
0x4: {  	_ = 	snop  }
0x5: {  	_ = 	snop  }
0x6: {  	_ = 	snop  }
0x7: {  	_ = 	snop  }
__scs_overlays_trampoline_lowered:
0x8: {  	[smem:$0x3FAA] =	sst s0  }
0x9: {  	[smem:$0x3FAB] =	sst s1  }
0xa: {  	[smem:$0x3FAC] =	sst s2  }
0xb: {  	[smem:$0x3FAD] =	sst s3  }
0xc: {  	[smem:$0x3FAE] =	sst s4  }
0xd: {  	[smem:$0x3FAF] =	sst s5  }
0xe: {  	[smem:$0x3FB0] =	sst s6  }
0xf: {  	[smem:$0x3FB1] =	sst s7  }
0x10: {  	[smem:$0x3FB2] =	sst s8  }
0x11: {  	[smem:$0x3FB3] =	sst s9;
	s0 =	simm.s32 @!p0 $0x0  }
0x12: {  	s1 =	sld [smem:$0x3F99];
	s0 =	simm.s32 @p0 $0x1  }
0x13: {  	[smem:$0x3FB4] =	sst s0;
	s0 =	simm.s32 @!p1 $0x0  }
0x14: {  	s2 =	sld [smem:$0x3F98];
	s0 =	simm.s32 @p1 $0x1  }
0x15: {  	[smem:$0x3FB5] =	sst s0;
	s0 =	simm.s32 @!p2 $0x0  }
0x16: {  	s3 =	sld [smem:$0x3FDB];
	s0 =	simm.s32 @p2 $0x1  }
0x17: {  	s4 =	simm.s32 $0x1BF5;
	[smem:$0x3FB7] =	sst s0  }
0x18: {  	s0 =	sld [smem:$0x3F9A];
	_ =	swait.ge [sflag:s4], $0x0  }
0x19: {  	s7 =	sld [smem:$0x3F9B]  }
0x1a: {  	s8 =	sadd.s32 $0xFFFFE003, lr  }
0x1b: {  	s9 =	sadd.s32 $0xFFFFFEF7, lr;
	s5 =	simm.s32 $0xFFFFFFFF;
	p2 =	slt.u32 s8, $0xFFFFF086  }
0x1c: {  	p1 =	slt.u32 s9, $0xF7A;
	s5 =	simm.s32 @!p2 $0x0  }
0x1d: {  	s5 =	simm.s32 @p1 $0x1;
	p0 =	seq.s32 s7, s2  }
0x1e: {  	s7 =	smul.u32 @!p0 $0xF7A, s2;
	p2 =	seq.s32 @!p0 s5, $0x0  }
0x1f: {  	s9 =	smul.u32 $0xF7A, s1;
	s8 =	simm.s32 @!p0 $0x1BF5;
	p2 =	por !p2, p0  }
0x20: {  	[sflag:s8] =	ssyncset.s32 @!p0 $0xFFFFF086;
	s6 =	sadd.s32 @!p0 s3, s7;
	s7 =	simm.s32 @!p0 $0x108  }
0x21: {  	s3 =	sadd.s32 s3, s9;
	s6 =	sadd.s32 @!p0 $0x88, s6;
	s7 =	simm.s32 @p2 $0x1082  }
0x22: {  	[simem:s7], [sflag:s8] =	dma.local @!p0 [hbm:s6], $0xF7A  }
0x23: {  	s9 =	sor.u32 $0xD0000000, s2;
	s6 =	simm.s32 $0x108;
	_ =	swait.ge @!p0 [sflag:s8], $0x0  }
0x24: {  	s3 =	sadd.s32 $0x88, s3;
	s6 =	simm.s32 @!p1 $0x1082;
	[sflag:s4] =	ssyncset.s32 $0xFFFFF086  }
0x25: {  	[simem:s6], [sflag:s4] =	dma.local [hbm:s3], $0xF7A  }
0x26: {  	[smem:$0x3F9B] =	sst s1;
	(tag) =	ssettag s2;
	_ =	strace s9  }
0x27: {  	s1 =	sld [smem:$0x3FAB]  }
0x28: {  	s2 =	sld [smem:$0x3FAC]  }
0x29: {  	s4 =	sld [smem:$0x3FAE]  }
0x2a: {  	p0 =	seq.s32 s5, $0x0;
	s5 =	sld [smem:$0x3FAF]  }
0x2b: {  	s6 =	sld [smem:$0x3FB0]  }
0x2c: {  	s7 =	sld [smem:$0x3FB1]  }
0x2d: {  	s3 =	simm.s32 $0x108;
	s8 =	sld [smem:$0x3FB2]  }
0x2e: {  	s3 =	simm.s32 @!p0 $0x1082;
	s9 =	sld [smem:$0x3FB3]  }
0x2f: {  	lr =	sadd.s32 s0, s3;
	s0 =	sld [smem:$0x3FAA]  }
0x30: {  	s3 =	sld [smem:$0x3FAD]  }
0x31: {  	[smem:$0x3FB6] =	sst s10  }
0x32: {  	s10 =	sld [smem:$0x3FB4];
	_ =	sdelay $0x3  }
0x33: {  	p0 =	seq.s32 s10, $0x1;
	s10 =	sld [smem:$0x3FB6];
	_ =	sdelay $0x3  }
0x34: {  	[smem:$0x3FB6] =	sst s10  }
0x35: {  	s10 =	sld [smem:$0x3FB5];
	_ =	sdelay $0x3  }
0x36: {  	p1 =	seq.s32 s10, $0x1;
	s10 =	sld [smem:$0x3FB6];
	_ =	sdelay $0x3  }
0x37: {  	[smem:$0x3FB6] =	sst s10  }
0x38: {  	s10 =	sld [smem:$0x3FB7]  }
0x39: {  	_ = 	snop;
	(pc) =	sbr.ind lr, $3  }
0x3a: {  	_ = 	snop  }
0x3b: {  	_ = 	snop  }
0x3c: {  	p2 =	seq.s32 s10, $0x1;
	s10 =	sld [smem:$0x3FB6]  }
0x3d: {  	_ =	shalt  }
0x3e: {  	_ =	shalt  }
0x3f: {  	_ =	shalt  }
0x40: {  	_ =	shalt  }
0x41: {  	_ =	shalt  }
0x42: {  	_ =	shalt  }
0x43: {  	_ =	shalt  }
0x44: {  	_ =	shalt  }
0x45: {  	_ =	shalt  }
0x46: {  	_ =	shalt  }
0x47: {  	_ =	shalt  }
0x48: {  	_ =	shalt  }
0x49: {  	_ =	shalt  }
0x4a: {  	_ =	shalt  }
0x4b: {  	_ =	shalt  }
0x4c: {  	_ =	shalt  }
0x4d: {  	_ =	shalt  }
0x4e: {  	_ =	shalt  }
0x4f: {  	_ =	shalt  }
0x50: {  	_ =	shalt  }
0x51: {  	_ =	shalt  }
0x52: {  	_ =	shalt  }
0x53: {  	_ =	shalt  }
0x54: {  	_ =	shalt  }
0x55: {  	_ =	shalt  }
0x56: {  	_ =	shalt  }
0x57: {  	_ =	shalt  }
0x58: {  	_ =	shalt  }
0x59: {  	_ =	shalt  }
0x5a: {  	_ =	shalt  }
0x5b: {  	_ =	shalt  }
0x5c: {  	_ =	shalt  }
0x5d: {  	_ =	shalt  }
0x5e: {  	_ =	shalt  }
0x5f: {  	_ =	shalt  }
0x60: {  	_ =	shalt  }
0x61: {  	_ =	shalt  }
0x62: {  	_ =	shalt  }
0x63: {  	_ =	shalt  }
0x64: {  	_ =	shalt  }
0x65: {  	_ =	shalt  }
0x66: {  	_ =	shalt  }
0x67: {  	_ =	shalt  }
0x68: {  	_ =	shalt  }
0x69: {  	_ =	shalt  }
0x6a: {  	_ =	shalt  }
0x6b: {  	_ =	shalt  }
0x6c: {  	_ =	shalt  }
0x6d: {  	_ =	shalt  }
0x6e: {  	_ =	shalt  }
0x6f: {  	_ =	shalt  }
0x70: {  	_ =	shalt  }
0x71: {  	_ =	shalt  }
0x72: {  	_ =	shalt  }
0x73: {  	_ =	shalt  }
0x74: {  	_ =	shalt  }
0x75: {  	_ =	shalt  }
0x76: {  	_ =	shalt  }
0x77: {  	_ =	shalt  }
0x78: {  	_ =	shalt  }
0x79: {  	_ =	shalt  }
0x7a: {  	_ =	shalt  }
0x7b: {  	_ =	shalt  }
0x7c: {  	_ =	shalt  }
0x7d: {  	_ =	shalt  }
0x7e: {  	_ =	shalt  }
0x7f: {  	_ =	shalt  }
0x80: {  	_ =	shalt  }
0x81: {  	_ =	shalt  }
0x82: {  	_ =	shalt  }
0x83: {  	_ =	shalt  }
0x84: {  	_ =	shalt  }
0x85: {  	_ =	shalt  }
0x86: {  	_ =	shalt  }
0x87: {  	_ =	shalt  }
.Lfunc_end0:
.L_simem_size_0:
called_computation.1_lowered:
.L_overlay_start_0:
0x88: {  	s2 =	sld [smem:$0x3FD9]  }
0x89: {  	s3 =	sld [smem:$0x3FFE];
	_ =	sdelay $0x1  }
0x8a: {  	s1 =	srdreg.scid  }
0x8b: {  	s0 =	sand.u32 $0x1, s1  }
0x8c: {  	s17 =	sshll.u32 s0, $0xA;
	s2 =	sadd.s32 s3, s2  }
0x8d: {  	s2 =	sadd.s32 s2, s17  }
0x8e: {  	[smem:$0x3FC2] =	sst s2  }
0x8f: {  	_ = 	snop  }
0x90: {  	s2 =	sld [smem:$0x3FD0];
	(tm) =	ssettm $0x1  }
0x91: {  	s18 =	sld [smem:$0x3FFB];
	_ =	sdelay $0x3  }
0x92: {  	_ =	strace s18  }
0x93: {  	s3 =	sld [smem:$0x3FFC];
	_ =	sdelay $0x3  }
0x94: {  	_ =	strace s3  }
0x95: {  	s3 =	sld [smem:$0x3FFD];
	_ =	sdelay $0x3  }
0x96: {  	_ =	strace s3  }
0x97: {  	_ =	strace $0x8FFFFFFF  }
0x98: {  	s19 =	sld [smem:$0x3FDB];
	_ =	sdelay $0x1  }
0x99: {  	s4 =	simm.s32 $_scs_section_size  }
0x9a: {  	s5 =	simm.s32 $_size__tile_overlayer_lowered;
	s6 =	simm.s32 $_tile_overlayer_lowered  }
0x9b: {  	s22 =	simm.s32 $0x1BFF;
	s21 =	sshll.u32 s6, $0x1;
	s3 =	sadd.s32 s4, s19  }
0x9c: {  	s7 =	simm.s32 $0x0;
	s20 =	sshll.u32 s5, $0x1;
	s5 =	sadd.s32 s21, s3  }
0x9d: {  	[timem:s7], [sflag:s22] =	dma.local [hbm:s5], s20  }
0x9e: {  	_ =	swait.ge [sflag:s22], s20  }
0x9f: {  	s4 =	ssub.s32 $0x0, s20;
	[sflag:s22] =	ssyncset.done $0x0  }
0xa0: {  	[sflag:s22] =	ssyncadd.s32 s4;
	_ =	sdelay $0x1  }
0xa1: {  	s23 =	simm.s32 $0x1B8B  }
0xa2: {  	_ =	swait.ge [sflag:s23], $0x1  }
0xa3: {  	[sflag:s23] =	ssyncset.done $0x0  }
0xa4: {  	s25 =	simm.s32 $0x1B8E;
	s24 =	sld [smem:$0x3FFE];
	[sflag:s23] =	ssyncadd.s32 $0xFFFFFFFF  }
0xa5: {  	s26 =	simm.s32 $execute0_lowered;
	[smem:$0x3FD2] =	sst s25  }
0xa6: {  	s5 =	sshll.u32 s26, $0x1;
	_ =	strace $0x80000049;
	[dreg:$0x1] =	wrdreg $0xFFFFFFFF  }
0xa7: {  	s28 =	simm.s32 $_size_execute0_lowered;
	s3 =	sadd.s32 s3, s5;
	[dreg:$0x0] =	wrdreg $0x0  }
0xa8: {  	s5 =	sshll.u32 s28, $0x1;
	[dreg:$0x2] =	wrdreg s3  }
0xa9: {  	[dreg:$0x3] =	wrdreg s5  }
0xaa: {  	[dreg:$0x4] =	wrdreg $0xC0  }
0xab: {  	_ =	task [dreg:s7], $0x5FFFF  }
0xac: {  	[dreg:$0x1] =	wrdreg $0xFFFFFFFF  }
0xad: {  	[dreg:$0x0] =	wrdreg $0x60  }
0xae: {  	[dreg:$0x2] =	wrdreg s24  }
0xaf: {  	[dreg:$0x3] =	wrdreg s2  }
0xb0: {  	[dreg:$0x4] =	wrdreg $0xB6800  }
0xb1: {  	[dreg:$0x5] =	wrdreg $0x9  }
0xb2: {  	_ =	task.clear_ibuf [dreg:s7], $0x6FFFF;
	_ =	strace $0x90000049  }
0xb3: {  	s29 =	simm.s32 $0x9;
	_ =	strace $0x8000004B  }
0xb4: {  	_ =	swait.ge [sflag:s29], $0x1  }
0xb5: {  	[sflag:s29] =	ssyncadd.s32 $0xFFFFFFFF  }
0xb6: {  	_ =	strace $0x9000004B  }
0xb7: {  	_ =	sfence  }
0xb8: {  	s30 =	sld [smem:$0x0];
	_ =	sdelay $0x2  }
0xb9: {  	s31 =	sshll.u32 s1, $0xD;
	s1 =	sshrl.u32 s1, $0x2  }
0xba: {  	s3 =	sand.u32 $0x4000, s31;
	s1 =	sadd.s32 s1, s30  }
0xbb: {  	s0 =	sor.u32 s3, s0;
	s1 =	sshll.u32 s1, $0x11  }
0xbc: {  	s0 =	sor.u32 s1, s0  }
0xbd: {  	s0 =	sadd.s32 $0x8F2B, s0  }
0xbe: {  	[sflag:s0] =	ssyncadd.remote.s32 $0x1  }
0xbf: {  	_ =	sfence.sel $0xFFFF  }
0xc0: {  	[dreg:$0x0] =	wrdreg $0xFFFFFFFF;
	(pc) =	sbr.abs _section_cstart, $3  }
0xc1: {  	[dreg:$0x1] =	wrdreg $0xFFFFFFFF  }
0xc2: {  	_ =	task.clear_ibuf [dreg:s7], $0x2FFFF;
	_ =	strace $0x9FFFFFFF  }
0xc3: {  	(tm) =	ssettm $0x7FFFFFFF  }
tec
execute0_lowered:
.L_overlay_start_1:
0x0: {  	(tag) =	ssettag $0x1  }
0x1: {  	s0 =	rddreg [dreg:$0x0]  }
0x2: {  	s1 =	rddreg [dreg:$0x1]  }
0x3: {  	s2 =	rddreg [dreg:$0x2];
	s3 =	srdreg.scid  }
0x4: {  	s7 =	stileid.u32;
	s8 =	simm.s32 $0x0;
	s10 =	simm.s32 $0x8E80  }
0x5: {  	s11 =	simm.s32 $0x11;
	s13 =	simm.s32 $0x7D;
	s14 =	simm.s32 $0x5000  }
0x6: {  	s16 =	simm.s32 $0x57D0;
	s18 =	simm.s32 $0x5FA0;
	s20 =	simm.s32 $0x6770  }
0x7: {  	s21 =	simm.s32 $0x1;
	s22 =	simm.s32 $0x6F40;
	s23 =	simm.s32 $0x2  }
0x8: {  	s28 =	simm.s32 $0x4;
	s29 =	simm.s32 $0x86B0;
	s30 =	simm.s32 $0x5  }
0x9: {  	s31 =	simm.s32 $0x9;
	s12 =	simm.s32 $0xC;
	s3 =	sand.u32 $0x1, s3  }
0xa: {  	s5 =	smul.u32 $0x2800, s7;
	[smem:$0x7FF] =	sst s8;
	s8 =	simm.s32 $0x0  }
0xb: {  	s4 =	smul.u32 $0x28000, s3;
	s6 =	sshll.u32 s3, $0x4;
	s3 =	ssub.s32 $0x2, s3  }
0xc: {  	_ =	strace $0x8000004A;
	s6 =	sor.u32 s7, s6;
	s25 =	sshrl.u32 s3, $0x1  }
0xd: {  	s24 =	sadd.s32 s5, s4;
	s6 =	smul.u32 $0x2800, s6;
	s4 =	sadd.s32 $0x1C00, s0  }
0xe: {  	s3 =	ssub.s32 s3, s25;
	s5 =	sadd.s32 s5, s2;
	s25 =	simm.s32 $0x3  }
0xf: {  	s7 =	sshrl.u32 s24, $0x3;
	s26 =	smax.u32 s3, $0x1;
	s24 =	simm.s32 $0x7710  }
.Ltmp0:
0x10: {  	s3 =	simm.s32 $0x8;
	s6 =	sshrl.u32 s6, $0x3;
	(pc) =	sbr.rel .LBB2_1-.Ltmp0, $4  }
0x11: {  	s0 =	sadd.s32 s7, s0;
	[dreg:$0x7] =	wrdreg s26;
	s1 =	sadd.s32 s1, s6  }
0x12: {  	s26 =	simm.s32 $0x7EE0;
	s0 =	sadd.s32 $0x6C00, s0;
	[dreg:$0x4] =	wrdreg s1  }
0x13: {  	s7 =	simm.s32 $0x10;
	s1 =	sadd.s32 $0xA000, s1;
	[dreg:$0x6] =	wrdreg s0  }
0x14: {  	v0 =	vimm.f32 $0.0e+00;
	s0 =	simm.s32 $0x7;
	[dreg:$0x5] =	wrdreg s1;
	s1 =	simm.s32 $0xB  }
.LBB2_6:
0x15: {  	_ =	swait.ge [sflag:s3], $0x7D0  }
0x16: {  	[sflag:s3] =	ssyncset.done $0x0  }
0x17: {  	[sflag:s3] =	ssyncadd.s32 $0xFFFFF830  }
0x18: {  	[spmem:s2] =	stream.indirect.scatter.add.f32 [tilespmem:s29], [sflag:$0x10], $0x10, s10, s13, $0xb8;
	[tilespmem:$0xDE80] =	vst v63  }
0x19: {  	_ =	swait.ge [sflag:s12], $0x7D0  }
0x1a: {  	[sflag:s12] =	ssyncset.done $0x0  }
0x1b: {  	s6 =	simm.s32 $0xD;
	[sflag:s12] =	ssyncadd.s32 $0xFFFFF830  }
0x1c: {  	_ =	swait.ge [sflag:s6], $0x7D0  }
0x1d: {  	[sflag:s6] =	ssyncset.done $0x0  }
0x1e: {  	s10 =	simm.s32 $0xE;
	[sflag:s6] =	ssyncadd.s32 $0xFFFFF830  }
0x1f: {  	_ =	swait.ge [sflag:s10], $0x7D0  }
0x20: {  	[sflag:s10] =	ssyncset.done $0x0  }
0x21: {  	s15 =	simm.s32 $0xF;
	[sflag:s10] =	ssyncadd.s32 $0xFFFFF830  }
0x22: {  	_ =	swait.ge [sflag:s15], $0x7D0  }
0x23: {  	[sflag:s15] =	ssyncset.done $0x0  }
0x24: {  	[sflag:s15] =	ssyncadd.s32 $0xFFFFF830  }
0x25: {  	_ =	swait.ge [sflag:s7], $0x7D0  }
0x26: {  	[sflag:s7] =	ssyncset.done $0x0  }
0x27: {  	[sflag:s7] =	ssyncadd.s32 $0xFFFFF830  }
0x28: {  	s10 =	simm.s32 $0x8E80;
	[bflag:$0x0] =	sbarrier.arrive $0xFFFF  }
0x29: {  	[tilespmem:s10], [sflag:$0x11] =	stream.linear.gather [spmem:s5], $0x2800, $0x38;
	[tilespmem:$0xDE80] =	vst v63  }
0x2a: {  	_ =	swait.ge [sflag:s11], $0x2800  }
0x2b: {  	[sflag:s11] =	ssyncset.done $0x0  }
0x2c: {  	s17 =	simm.s32 $0x0;
	s9 =	rddreg [dreg:$0x6];
	[sflag:s11] =	ssyncadd.s32 $0xFFFFD800  }
0x2d: {  	[hbm4b:s9+s17] =	stream.linear.scatter [tilespmem:s10], [sflag:$0x11], $0x2800, $0x38;
	[tilespmem:$0xDE80] =	vst v63  }
0x2e: {  	_ =	swait.ge [sflag:s11], $0x2800  }
0x2f: {  	s8 =	sadd.s32 $0x1, s8;
	s19 =	rddreg [dreg:$0x7]  }
0x30: {  	p0 =	sne.s32 s8, s19  }
.Ltmp1:
0x31: {  	_ = 	snop;
	(pc) =	sbr.rel @!p0 .LBB2_7-.Ltmp1, $3  }
0x32: {  	_ =	sdelay $0x1  }
0x33: {  	[sflag:s11] =	ssyncset.done $0x0  }
0x34: {  	[sflag:s11] =	ssyncadd.s32 $0xFFFFD800  }
.LBB2_1:
0x35: {  	s6 =	simm.s32 $0x40;
	s9 =	simm.s32 $0x0  }
.LBB2_2:
0x36: {  	p0 =	sne.s32 s6, $0x9FC0;
	[tilespmem:s9+$0x8E80] =	vst v0;
	s9 =	smov.u32 s6;
	s6 =	sadd.s32 $0x40, s6  }
.Ltmp2:
0x37: {  	(pc) =	sbr.rel @p0 .LBB2_2-.Ltmp2, $2  }
0x38: {  	_ =	sdelay $0x2  }
0x39: {  	s9 =	sshra.s32 s9, $0x2  }
0x3a: {  	[tilespmem:s9+$0x8E80] =	vst v0  }
0x3b: {  	[spmem:s5] =	stream.linear.scatter [tilespmem:s10], [sflag:$0x11], $0x2800, $0x38;
	[tilespmem:$0xDE80] =	vst v63  }
0x3c: {  	_ =	swait.ge [sflag:s11], $0x2800  }
0x3d: {  	[sflag:s11] =	ssyncset.done $0x0  }
0x3e: {  	[sflag:s11] =	ssyncadd.s32 $0xFFFFD800  }
0x3f: {  	[bflag:$0x0] =	sbarrier.arrive $0xFFFF  }
0x40: {  	s9 =	simm.s32 $0x0;
	s6 =	rddreg [dreg:$0x4]  }
0x41: {  	[tilespmem:s9], [sflag:$0x11] =	stream.linear.gather [hbm4b:s6+s9], $0x2800, $0x38;
	[tilespmem:$0xDE80] =	vst v63  }
0x42: {  	_ =	swait.ge [sflag:s11], $0x2800  }
0x43: {  	[sflag:s11] =	ssyncset.done $0x0  }
0x44: {  	s19 =	simm.s32 $0x2800;
	s17 =	rddreg [dreg:$0x5];
	[sflag:s11] =	ssyncadd.s32 $0xFFFFD800  }
0x45: {  	[tilespmem:s19], [sflag:$0x11] =	stream.linear.gather [hbm4b:s17+s9], $0x2800, $0x38;
	[tilespmem:$0xDE80] =	vst v63  }
0x46: {  	_ =	swait.ge [sflag:s11], $0x2800  }
0x47: {  	[sflag:s11] =	ssyncset.done $0x0  }
0x48: {  	[sflag:s11] =	ssyncadd.s32 $0xFFFFD800  }
0x49: {  	[tilespmem:s14], [sflag:$0x1] =	stream.indirect.gather [hbm4b:s4+s13], $0x10, s9, s13, $0xb8;
	[tilespmem:$0xDE80] =	vst v63  }
0x4a: {  	s15 =	simm.s32 $0x80  }
0x4b: {  	[tilespmem:s16], [sflag:$0x2] =	stream.indirect.gather [hbm4b:s4+s13], $0x10, s15, s13, $0xb8;
	[tilespmem:$0xDE80] =	vst v63  }
0x4c: {  	s17 =	simm.s32 $0x100  }
0x4d: {  	[tilespmem:s18], [sflag:$0x3] =	stream.indirect.gather [hbm4b:s4+s13], $0x10, s17, s13, $0xb8;
	[tilespmem:$0xDE80] =	vst v63  }
0x4e: {  	s19 =	simm.s32 $0x180  }
0x4f: {  	[tilespmem:s20], [sflag:$0x4] =	stream.indirect.gather [hbm4b:s4+s13], $0x10, s19, s13, $0xb8;
	[tilespmem:$0xDE80] =	vst v63  }
.LBB2_4:
0x50: {  	_ =	swait.ge [sflag:s21], $0x7D0  }
0x51: {  	s6 =	sshra.s32 s9, $0x2;
	[sflag:s21] =	ssyncset.done $0x0  }
0x52: {  	p0 =	seq.s32 s9, $0x0;
	s10 =	sadd.s32 $0x2800, s6;
	[sflag:s21] =	ssyncadd.s32 $0xFFFFF830  }
0x53: {  	[spmem:s2] =	stream.indirect.scatter.add.f32 [tilespmem:s14], [sflag:$0x9], $0x10, s10, s13, $0xb8;
	[tilespmem:$0xDE80] =	vst v63  }
0x54: {  	s10 =	simm.s32 @!p0 $0xD  }
0x55: {  	_ =	swait.ge @!p0 [sflag:s10], $0x7D0  }
0x56: {  	[sflag:s10] =	ssyncset.done @!p0 $0x0  }
0x57: {  	s15 =	sadd.s32 $0x200, s6;
	[sflag:s10] =	ssyncadd.s32 @!p0 $0xFFFFF830  }
0x58: {  	[tilespmem:s22], [sflag:$0x5] =	stream.indirect.gather [hbm4b:s4+s13], $0x10, s15, s13, $0xb8;
	[tilespmem:$0xDE80] =	vst v63  }
0x59: {  	_ =	swait.ge [sflag:s23], $0x7D0  }
0x5a: {  	[sflag:s23] =	ssyncset.done $0x0  }
0x5b: {  	s17 =	sadd.s32 $0x2880, s6;
	s10 =	simm.s32 @!p0 $0xE;
	[sflag:s23] =	ssyncadd.s32 $0xFFFFF830  }
0x5c: {  	[spmem:s2] =	stream.indirect.scatter.add.f32 [tilespmem:s16], [sflag:$0xA], $0x10, s17, s13, $0xb8;
	[tilespmem:$0xDE80] =	vst v63  }
0x5d: {  	_ =	swait.ge @!p0 [sflag:s10], $0x7D0  }
0x5e: {  	[sflag:s10] =	ssyncset.done @!p0 $0x0  }
0x5f: {  	s19 =	sadd.s32 $0x280, s6;
	[sflag:s10] =	ssyncadd.s32 @!p0 $0xFFFFF830  }
0x60: {  	[tilespmem:s24], [sflag:$0x6] =	stream.indirect.gather [hbm4b:s4+s13], $0x10, s19, s13, $0xb8;
	[tilespmem:$0xDE80] =	vst v63  }
0x61: {  	_ =	swait.ge [sflag:s25], $0x7D0  }
0x62: {  	[sflag:s25] =	ssyncset.done $0x0  }
0x63: {  	s15 =	sadd.s32 $0x2900, s6;
	s10 =	simm.s32 @!p0 $0xF;
	[sflag:s25] =	ssyncadd.s32 $0xFFFFF830  }
0x64: {  	[spmem:s2] =	stream.indirect.scatter.add.f32 [tilespmem:s18], [sflag:$0xB], $0x10, s15, s13, $0xb8;
	[tilespmem:$0xDE80] =	vst v63  }
0x65: {  	_ =	swait.ge @!p0 [sflag:s10], $0x7D0  }
0x66: {  	[sflag:s10] =	ssyncset.done @!p0 $0x0  }
0x67: {  	s17 =	sadd.s32 $0x300, s6;
	[sflag:s10] =	ssyncadd.s32 @!p0 $0xFFFFF830  }
0x68: {  	[tilespmem:s26], [sflag:$0x7] =	stream.indirect.gather [hbm4b:s4+s13], $0x10, s17, s13, $0xb8;
	[tilespmem:$0xDE80] =	vst v63  }
0x69: {  	_ =	swait.ge [sflag:s28], $0x7D0  }
0x6a: {  	[sflag:s28] =	ssyncset.done $0x0  }
0x6b: {  	s19 =	sadd.s32 $0x2980, s6;
	s10 =	simm.s32 @!p0 $0x10;
	[sflag:s28] =	ssyncadd.s32 $0xFFFFF830  }
0x6c: {  	[spmem:s2] =	stream.indirect.scatter.add.f32 [tilespmem:s20], [sflag:$0xC], $0x10, s19, s13, $0xb8;
	[tilespmem:$0xDE80] =	vst v63  }
0x6d: {  	_ =	swait.ge @!p0 [sflag:s10], $0x7D0  }
0x6e: {  	[sflag:s10] =	ssyncset.done @!p0 $0x0  }
0x6f: {  	s15 =	sadd.s32 $0x380, s6;
	[sflag:s10] =	ssyncadd.s32 @!p0 $0xFFFFF830  }
0x70: {  	[tilespmem:s29], [sflag:$0x8] =	stream.indirect.gather [hbm4b:s4+s13], $0x10, s15, s13, $0xb8;
	[tilespmem:$0xDE80] =	vst v63  }
0x71: {  	_ =	swait.ge [sflag:s30], $0x7D0  }
0x72: {  	[sflag:s30] =	ssyncset.done $0x0  }
0x73: {  	s17 =	sadd.s32 $0x2A00, s6;
	[sflag:s30] =	ssyncadd.s32 $0xFFFFF830  }
0x74: {  	[spmem:s2] =	stream.indirect.scatter.add.f32 [tilespmem:s22], [sflag:$0xD], $0x10, s17, s13, $0xb8;
	[tilespmem:$0xDE80] =	vst v63  }
0x75: {  	_ =	swait.ge [sflag:s31], $0x7D0  }
0x76: {  	p0 =	seq.s32 s9, $0x9000;
	[sflag:s31] =	ssyncset.done $0x0  }
0x77: {  	s10 =	simm.s32 @p0 $0x6;
	[sflag:s31] =	ssyncadd.s32 $0xFFFFF830  }
0x78: {  	_ =	swait.ge @p0 [sflag:s10], $0x7D0  }
0x79: {  	[sflag:s10] =	ssyncset.done @p0 $0x0  }
0x7a: {  	[sflag:s10] =	ssyncadd.s32 @p0 $0xFFFFF830;
	s10 =	sshra.s32 @p0 s9, $0x2  }
0x7b: {  	s15 =	simm.s32 @p0 $0x7D;
	s17 =	simm.s32 @p0 $0x7710;
	s10 =	sadd.s32 @p0 $0x2A80, s10  }
0x7c: {  	[spmem:s2] =	stream.indirect.scatter.add.f32 @p0 [tilespmem:s17], [sflag:$0xE], $0x10, s10, s15, $0xb8;
	[tilespmem:$0xDE80] =	vst v63  }
0x7d: {  	s10 =	simm.s32 @p0 $0xA  }
0x7e: {  	_ =	swait.ge @p0 [sflag:s10], $0x7D0  }
0x7f: {  	[sflag:s10] =	ssyncset.done @p0 $0x0  }
0x80: {  	[sflag:s10] =	ssyncadd.s32 @p0 $0xFFFFF830;
	s10 =	sshra.s32 @!p0 s9, $0x2  }
0x81: {  	s19 =	simm.s32 @!p0 $0x5000;
	s17 =	simm.s32 @!p0 $0x7D;
	s15 =	sadd.s32 @!p0 $0x400, s10  }
0x82: {  	[tilespmem:s19], [sflag:$0x1] =	stream.indirect.gather @!p0 [hbm4b:s4+s17], $0x10, s15, s17, $0xb8;
	[tilespmem:$0xDE80] =	vst v63  }
0x83: {  	s15 =	simm.s32 @!p0 $0x6  }
0x84: {  	_ =	swait.ge @!p0 [sflag:s15], $0x7D0  }
0x85: {  	[sflag:s15] =	ssyncset.done @!p0 $0x0  }
0x86: {  	s19 =	simm.s32 @!p0 $0x7710;
	[sflag:s15] =	ssyncadd.s32 @!p0 $0xFFFFF830;
	s15 =	sadd.s32 @!p0 $0x2A80, s10  }
0x87: {  	[spmem:s2] =	stream.indirect.scatter.add.f32 @!p0 [tilespmem:s19], [sflag:$0xE], $0x10, s15, s17, $0xb8;
	[tilespmem:$0xDE80] =	vst v63  }
0x88: {  	s15 =	simm.s32 @!p0 $0xA  }
0x89: {  	_ =	swait.ge @!p0 [sflag:s15], $0x7D0  }
0x8a: {  	[sflag:s15] =	ssyncset.done @!p0 $0x0  }
0x8b: {  	s10 =	sadd.s32 @!p0 $0x480, s10;
	[sflag:s15] =	ssyncadd.s32 @!p0 $0xFFFFF830;
	s15 =	simm.s32 @!p0 $0x57D0  }
0x8c: {  	[tilespmem:s15], [sflag:$0x2] =	stream.indirect.gather @!p0 [hbm4b:s4+s17], $0x10, s10, s17, $0xb8;
	[tilespmem:$0xDE80] =	vst v63  }
0x8d: {  	_ =	swait.ge [sflag:s0], $0x7D0  }
0x8e: {  	[sflag:s0] =	ssyncset.done $0x0  }
.Ltmp3:
0x8f: {  	s19 =	sadd.s32 $0x2B00, s6;
	[sflag:s0] =	ssyncadd.s32 $0xFFFFF830;
	(pc) =	sbr.rel @p0 .LBB2_6-.Ltmp3, $4  }
0x90: {  	[spmem:s2] =	stream.indirect.scatter.add.f32 [tilespmem:s26], [sflag:$0xF], $0x10, s19, s13, $0xb8;
	[tilespmem:$0xDE80] =	vst v63  }
0x91: {  	_ =	swait.ge [sflag:s1], $0x7D0  }
0x92: {  	[sflag:s1] =	ssyncset.done $0x0  }
0x93: {  	s10 =	sadd.s32 $0x2B80, s6;
	[sflag:s1] =	ssyncadd.s32 $0xFFFFF830  }
0x94: {  	s15 =	sadd.s32 $0x500, s6  }
0x95: {  	[tilespmem:s18], [sflag:$0x3] =	stream.indirect.gather [hbm4b:s4+s13], $0x10, s15, s13, $0xb8;
	[tilespmem:$0xDE80] =	vst v63  }
0x96: {  	_ =	swait.ge [sflag:s3], $0x7D0  }
0x97: {  	[sflag:s3] =	ssyncset.done $0x0  }
0x98: {  	[sflag:s3] =	ssyncadd.s32 $0xFFFFF830  }
0x99: {  	[spmem:s2] =	stream.indirect.scatter.add.f32 [tilespmem:s29], [sflag:$0x10], $0x10, s10, s13, $0xb8;
	[tilespmem:$0xDE80] =	vst v63  }
.Ltmp4:
0x9a: {  	_ = 	snop;
	(pc) =	sbr.rel .LBB2_4-.Ltmp4, $4  }
0x9b: {  	_ =	swait.ge [sflag:s12], $0x7D0  }
0x9c: {  	[sflag:s12] =	ssyncset.done $0x0  }
0x9d: {  	s19 =	sadd.s32 $0x580, s6;
	s9 =	sadd.s32 $0x1000, s9;
	[sflag:s12] =	ssyncadd.s32 $0xFFFFF830  }
0x9e: {  	[tilespmem:s20], [sflag:$0x4] =	stream.indirect.gather [hbm4b:s4+s13], $0x10, s19, s13, $0xb8;
	[tilespmem:$0xDE80] =	vst v63  }
.LBB2_7:
0x9f: {  	_ =	sfence.sel $0x180000  }
0xa0: {  	[bflag:$0x0] =	sbarrier.arrive $0xFFFF  }
0xa1: {  	_ =	strace $0x9000004A  }
0xa2: {  	s0 =	stileid.u32;
	[bflag:$0x2] =	sbarrier.arrive $0xFFFF  }
0xa3: {  	p0 =	sne.s32 s0, $0x0;
	s0 =	rddreg [dreg:$0x3]  }
0xa4: {  	s0 =	sadd.s32 @!p0 $0x100000, s0  }
0xa5: {  	[sflag:s0] =	ssyncadd.tile.s32 @!p0 $0x1;
	_ =	shalt  }
.Lfunc_end2:
_tile_overlayer_lowered:
.L_overlay_start_2:
0xa6: {  	(tag) =	ssettag $0x2  }
0xa7: {  	s0 =	rddreg [dreg:$0x0];
	s2 =	stileid.u32  }
0xa8: {  	s1 =	rddreg [dreg:$0x1];
	p0 =	sne.s32 s2, $0x0  }
0xa9: {  	s3 =	rddreg [dreg:$0x2];
	[bflag:$0x3] =	sbarrier.arrive $0xFFFF;
	s2 =	simm.s32 @!p0 $0x1C11  }
0xaa: {  	[timem:s3], [sflag:s2] =	dma.local @!p0 [hbm:s0], s1  }
0xab: {  	s0 =	simm.s32 @!p0 $0x11  }
0xac: {  	_ =	swait.ge @!p0 [sflag:s0], s1  }
0xad: {  	s1 =	ssub.s32 @!p0 $0x0, s1;
	[sflag:s0] =	ssyncset.done @!p0 $0x0  }
0xae: {  	[sflag:s0] =	ssyncadd.s32 @!p0 s1  }
0xaf: {  	[bflag:$0x3] =	sbarrier.arrive $0xFFFF  }
0xb0: {  	_ =	shalt  }

// kernel: kernel.14.cloned.1.call-start
scs
__scs_entry_jumppad:
0x0: {  	(pc) =	sbr.rel $0x88, $3  }
0x1: {  	(tag) =	ssettag $0x0;
	lr =	simm.s32 $0x1  }
0x2: {  	[smem:$0x3F9B] =	sst lr;
	_ =	strace $0xD0000000  }
0x3: {  	_ = 	snop  }
0x4: {  	_ = 	snop  }
0x5: {  	_ = 	snop  }
0x6: {  	_ = 	snop  }
0x7: {  	_ = 	snop  }
__scs_overlays_trampoline_lowered:
0x8: {  	[smem:$0x3FAA] =	sst s0  }
0x9: {  	[smem:$0x3FAB] =	sst s1  }
0xa: {  	[smem:$0x3FAC] =	sst s2  }
0xb: {  	[smem:$0x3FAD] =	sst s3  }
0xc: {  	[smem:$0x3FAE] =	sst s4  }
0xd: {  	[smem:$0x3FAF] =	sst s5  }
0xe: {  	[smem:$0x3FB0] =	sst s6  }
0xf: {  	[smem:$0x3FB1] =	sst s7  }
0x10: {  	[smem:$0x3FB2] =	sst s8  }
0x11: {  	[smem:$0x3FB3] =	sst s9;
	s0 =	simm.s32 @!p0 $0x0  }
0x12: {  	s1 =	sld [smem:$0x3F99];
	s0 =	simm.s32 @p0 $0x1  }
0x13: {  	[smem:$0x3FB4] =	sst s0;
	s0 =	simm.s32 @!p1 $0x0  }
0x14: {  	s2 =	sld [smem:$0x3F98];
	s0 =	simm.s32 @p1 $0x1  }
0x15: {  	[smem:$0x3FB5] =	sst s0;
	s0 =	simm.s32 @!p2 $0x0  }
0x16: {  	s3 =	sld [smem:$0x3FDB];
	s0 =	simm.s32 @p2 $0x1  }
0x17: {  	s4 =	simm.s32 $0x1BF5;
	[smem:$0x3FB7] =	sst s0  }
0x18: {  	s0 =	sld [smem:$0x3F9A];
	_ =	swait.ge [sflag:s4], $0x0  }
0x19: {  	s7 =	sld [smem:$0x3F9B]  }
0x1a: {  	s8 =	sadd.s32 $0xFFFFE003, lr  }
0x1b: {  	s9 =	sadd.s32 $0xFFFFFEF7, lr;
	s5 =	simm.s32 $0xFFFFFFFF;
	p2 =	slt.u32 s8, $0xFFFFF086  }
0x1c: {  	p1 =	slt.u32 s9, $0xF7A;
	s5 =	simm.s32 @!p2 $0x0  }
0x1d: {  	s5 =	simm.s32 @p1 $0x1;
	p0 =	seq.s32 s7, s2  }
0x1e: {  	s7 =	smul.u32 @!p0 $0xF7A, s2;
	p2 =	seq.s32 @!p0 s5, $0x0  }
0x1f: {  	s9 =	smul.u32 $0xF7A, s1;
	s8 =	simm.s32 @!p0 $0x1BF5;
	p2 =	por !p2, p0  }
0x20: {  	[sflag:s8] =	ssyncset.s32 @!p0 $0xFFFFF086;
	s6 =	sadd.s32 @!p0 s3, s7;
	s7 =	simm.s32 @!p0 $0x108  }
0x21: {  	s3 =	sadd.s32 s3, s9;
	s6 =	sadd.s32 @!p0 $0x88, s6;
	s7 =	simm.s32 @p2 $0x1082  }
0x22: {  	[simem:s7], [sflag:s8] =	dma.local @!p0 [hbm:s6], $0xF7A  }
0x23: {  	s9 =	sor.u32 $0xD0000000, s2;
	s6 =	simm.s32 $0x108;
	_ =	swait.ge @!p0 [sflag:s8], $0x0  }
0x24: {  	s3 =	sadd.s32 $0x88, s3;
	s6 =	simm.s32 @!p1 $0x1082;
	[sflag:s4] =	ssyncset.s32 $0xFFFFF086  }
0x25: {  	[simem:s6], [sflag:s4] =	dma.local [hbm:s3], $0xF7A  }
0x26: {  	[smem:$0x3F9B] =	sst s1;
	(tag) =	ssettag s2;
	_ =	strace s9  }
0x27: {  	s1 =	sld [smem:$0x3FAB]  }
0x28: {  	s2 =	sld [smem:$0x3FAC]  }
0x29: {  	s4 =	sld [smem:$0x3FAE]  }
0x2a: {  	p0 =	seq.s32 s5, $0x0;
	s5 =	sld [smem:$0x3FAF]  }
0x2b: {  	s6 =	sld [smem:$0x3FB0]  }
0x2c: {  	s7 =	sld [smem:$0x3FB1]  }
0x2d: {  	s3 =	simm.s32 $0x108;
	s8 =	sld [smem:$0x3FB2]  }
0x2e: {  	s3 =	simm.s32 @!p0 $0x1082;
	s9 =	sld [smem:$0x3FB3]  }
0x2f: {  	lr =	sadd.s32 s0, s3;
	s0 =	sld [smem:$0x3FAA]  }
0x30: {  	s3 =	sld [smem:$0x3FAD]  }
0x31: {  	[smem:$0x3FB6] =	sst s10  }
0x32: {  	s10 =	sld [smem:$0x3FB4];
	_ =	sdelay $0x3  }
0x33: {  	p0 =	seq.s32 s10, $0x1;
	s10 =	sld [smem:$0x3FB6];
	_ =	sdelay $0x3  }
0x34: {  	[smem:$0x3FB6] =	sst s10  }
0x35: {  	s10 =	sld [smem:$0x3FB5];
	_ =	sdelay $0x3  }
0x36: {  	p1 =	seq.s32 s10, $0x1;
	s10 =	sld [smem:$0x3FB6];
	_ =	sdelay $0x3  }
0x37: {  	[smem:$0x3FB6] =	sst s10  }
0x38: {  	s10 =	sld [smem:$0x3FB7]  }
0x39: {  	_ = 	snop;
	(pc) =	sbr.ind lr, $3  }
0x3a: {  	_ = 	snop  }
0x3b: {  	_ = 	snop  }
0x3c: {  	p2 =	seq.s32 s10, $0x1;
	s10 =	sld [smem:$0x3FB6]  }
0x3d: {  	_ =	shalt  }
0x3e: {  	_ =	shalt  }
0x3f: {  	_ =	shalt  }
0x40: {  	_ =	shalt  }
0x41: {  	_ =	shalt  }
0x42: {  	_ =	shalt  }
0x43: {  	_ =	shalt  }
0x44: {  	_ =	shalt  }
0x45: {  	_ =	shalt  }
0x46: {  	_ =	shalt  }
0x47: {  	_ =	shalt  }
0x48: {  	_ =	shalt  }
0x49: {  	_ =	shalt  }
0x4a: {  	_ =	shalt  }
0x4b: {  	_ =	shalt  }
0x4c: {  	_ =	shalt  }
0x4d: {  	_ =	shalt  }
0x4e: {  	_ =	shalt  }
0x4f: {  	_ =	shalt  }
0x50: {  	_ =	shalt  }
0x51: {  	_ =	shalt  }
0x52: {  	_ =	shalt  }
0x53: {  	_ =	shalt  }
0x54: {  	_ =	shalt  }
0x55: {  	_ =	shalt  }
0x56: {  	_ =	shalt  }
0x57: {  	_ =	shalt  }
0x58: {  	_ =	shalt  }
0x59: {  	_ =	shalt  }
0x5a: {  	_ =	shalt  }
0x5b: {  	_ =	shalt  }
0x5c: {  	_ =	shalt  }
0x5d: {  	_ =	shalt  }
0x5e: {  	_ =	shalt  }
0x5f: {  	_ =	shalt  }
0x60: {  	_ =	shalt  }
0x61: {  	_ =	shalt  }
0x62: {  	_ =	shalt  }
0x63: {  	_ =	shalt  }
0x64: {  	_ =	shalt  }
0x65: {  	_ =	shalt  }
0x66: {  	_ =	shalt  }
0x67: {  	_ =	shalt  }
0x68: {  	_ =	shalt  }
0x69: {  	_ =	shalt  }
0x6a: {  	_ =	shalt  }
0x6b: {  	_ =	shalt  }
0x6c: {  	_ =	shalt  }
0x6d: {  	_ =	shalt  }
0x6e: {  	_ =	shalt  }
0x6f: {  	_ =	shalt  }
0x70: {  	_ =	shalt  }
0x71: {  	_ =	shalt  }
0x72: {  	_ =	shalt  }
0x73: {  	_ =	shalt  }
0x74: {  	_ =	shalt  }
0x75: {  	_ =	shalt  }
0x76: {  	_ =	shalt  }
0x77: {  	_ =	shalt  }
0x78: {  	_ =	shalt  }
0x79: {  	_ =	shalt  }
0x7a: {  	_ =	shalt  }
0x7b: {  	_ =	shalt  }
0x7c: {  	_ =	shalt  }
0x7d: {  	_ =	shalt  }
0x7e: {  	_ =	shalt  }
0x7f: {  	_ =	shalt  }
0x80: {  	_ =	shalt  }
0x81: {  	_ =	shalt  }
0x82: {  	_ =	shalt  }
0x83: {  	_ =	shalt  }
0x84: {  	_ =	shalt  }
0x85: {  	_ =	shalt  }
0x86: {  	_ =	shalt  }
0x87: {  	_ =	shalt  }
.Lfunc_end0:
.L_simem_size_0:
called_computation.2_lowered:
.L_overlay_start_0:
0x88: {  	s2 =	sld [smem:$0x3FD9]  }
0x89: {  	s3 =	sld [smem:$0x3FFE];
	_ =	sdelay $0x1  }
0x8a: {  	s1 =	srdreg.scid  }
0x8b: {  	s0 =	sand.u32 $0x1, s1  }
0x8c: {  	s17 =	sshll.u32 s0, $0xA;
	s2 =	sadd.s32 s3, s2  }
0x8d: {  	s2 =	sadd.s32 s2, s17  }
0x8e: {  	[smem:$0x3FC2] =	sst s2  }
0x8f: {  	_ = 	snop  }
0x90: {  	s2 =	sld [smem:$0x3FD0];
	(tm) =	ssettm $0x1  }
0x91: {  	s18 =	sld [smem:$0x3FFB];
	_ =	sdelay $0x3  }
0x92: {  	_ =	strace s18  }
0x93: {  	s3 =	sld [smem:$0x3FFC];
	_ =	sdelay $0x3  }
0x94: {  	_ =	strace s3  }
0x95: {  	s3 =	sld [smem:$0x3FFD];
	_ =	sdelay $0x3  }
0x96: {  	_ =	strace s3  }
0x97: {  	_ =	strace $0x8FFFFFFF  }
0x98: {  	s19 =	sld [smem:$0x3FDB];
	_ =	sdelay $0x1  }
0x99: {  	s4 =	simm.s32 $_scs_section_size  }
0x9a: {  	s5 =	simm.s32 $_size__tile_overlayer_lowered;
	s6 =	simm.s32 $_tile_overlayer_lowered  }
0x9b: {  	s22 =	simm.s32 $0x1BFF;
	s21 =	sshll.u32 s6, $0x1;
	s3 =	sadd.s32 s4, s19  }
0x9c: {  	s7 =	simm.s32 $0x0;
	s20 =	sshll.u32 s5, $0x1;
	s5 =	sadd.s32 s21, s3  }
0x9d: {  	[timem:s7], [sflag:s22] =	dma.local [hbm:s5], s20  }
0x9e: {  	_ =	swait.ge [sflag:s22], s20  }
0x9f: {  	s4 =	ssub.s32 $0x0, s20;
	[sflag:s22] =	ssyncset.done $0x0  }
0xa0: {  	[sflag:s22] =	ssyncadd.s32 s4;
	_ =	sdelay $0x1  }
0xa1: {  	s23 =	simm.s32 $0x1B8B  }
0xa2: {  	_ =	swait.ge [sflag:s23], $0x1  }
0xa3: {  	[sflag:s23] =	ssyncset.done $0x0  }
0xa4: {  	s25 =	simm.s32 $0x1B8E;
	s24 =	sld [smem:$0x3FFE];
	[sflag:s23] =	ssyncadd.s32 $0xFFFFFFFF  }
0xa5: {  	s26 =	simm.s32 $execute0_lowered;
	[smem:$0x3FD2] =	sst s25  }
0xa6: {  	s5 =	sshll.u32 s26, $0x1;
	_ =	strace $0x8000004C;
	[dreg:$0x1] =	wrdreg $0xFFFFFFFF  }
0xa7: {  	s28 =	simm.s32 $_size_execute0_lowered;
	s3 =	sadd.s32 s3, s5;
	[dreg:$0x0] =	wrdreg $0x0  }
0xa8: {  	s5 =	sshll.u32 s28, $0x1;
	[dreg:$0x2] =	wrdreg s3  }
0xa9: {  	[dreg:$0x3] =	wrdreg s5  }
0xaa: {  	[dreg:$0x4] =	wrdreg $0xC0  }
0xab: {  	_ =	task [dreg:s7], $0x5FFFF  }
0xac: {  	[dreg:$0x1] =	wrdreg $0xFFFFFFFF  }
0xad: {  	[dreg:$0x0] =	wrdreg $0x60  }
0xae: {  	[dreg:$0x2] =	wrdreg s24  }
0xaf: {  	[dreg:$0x3] =	wrdreg s2  }
0xb0: {  	[dreg:$0x4] =	wrdreg $0xB6800  }
0xb1: {  	[dreg:$0x5] =	wrdreg $0x9  }
0xb2: {  	_ =	task.clear_ibuf [dreg:s7], $0x6FFFF;
	_ =	strace $0x9000004C  }
0xb3: {  	s29 =	simm.s32 $0x9;
	_ =	strace $0x8000004E  }
0xb4: {  	_ =	swait.ge [sflag:s29], $0x1  }
0xb5: {  	[sflag:s29] =	ssyncadd.s32 $0xFFFFFFFF  }
0xb6: {  	_ =	strace $0x9000004E  }
0xb7: {  	_ =	sfence  }
0xb8: {  	s30 =	sld [smem:$0x0];
	_ =	sdelay $0x2  }
0xb9: {  	s31 =	sshll.u32 s1, $0xD;
	s1 =	sshrl.u32 s1, $0x2  }
0xba: {  	s3 =	sand.u32 $0x4000, s31;
	s1 =	sadd.s32 s1, s30  }
0xbb: {  	s0 =	sor.u32 s3, s0;
	s1 =	sshll.u32 s1, $0x11  }
0xbc: {  	s0 =	sor.u32 s1, s0  }
0xbd: {  	s0 =	sadd.s32 $0x8F2B, s0  }
0xbe: {  	[sflag:s0] =	ssyncadd.remote.s32 $0x1  }
0xbf: {  	_ =	sfence.sel $0xFFFF  }
0xc0: {  	[dreg:$0x0] =	wrdreg $0xFFFFFFFF;
	(pc) =	sbr.abs _section_cstart, $3  }
0xc1: {  	[dreg:$0x1] =	wrdreg $0xFFFFFFFF  }
0xc2: {  	_ =	task.clear_ibuf [dreg:s7], $0x2FFFF;
	_ =	strace $0x9FFFFFFF  }
0xc3: {  	(tm) =	ssettm $0x7FFFFFFF  }
tec
execute0_lowered:
.L_overlay_start_1:
0x0: {  	(tag) =	ssettag $0x1  }
0x1: {  	s0 =	rddreg [dreg:$0x0]  }
0x2: {  	s1 =	rddreg [dreg:$0x1]  }
0x3: {  	s2 =	rddreg [dreg:$0x2];
	s3 =	srdreg.scid  }
0x4: {  	s7 =	stileid.u32;
	s8 =	simm.s32 $0x0;
	s10 =	simm.s32 $0x8E80  }
0x5: {  	s11 =	simm.s32 $0x11;
	s13 =	simm.s32 $0x7D;
	s14 =	simm.s32 $0x5000  }
0x6: {  	s16 =	simm.s32 $0x57D0;
	s18 =	simm.s32 $0x5FA0;
	s20 =	simm.s32 $0x6770  }
0x7: {  	s21 =	simm.s32 $0x1;
	s22 =	simm.s32 $0x6F40;
	s23 =	simm.s32 $0x2  }
0x8: {  	s28 =	simm.s32 $0x4;
	s29 =	simm.s32 $0x86B0;
	s30 =	simm.s32 $0x5  }
0x9: {  	s31 =	simm.s32 $0x9;
	s12 =	simm.s32 $0xC;
	s3 =	sand.u32 $0x1, s3  }
0xa: {  	s5 =	smul.u32 $0x2800, s7;
	[smem:$0x7FF] =	sst s8;
	s8 =	simm.s32 $0x0  }
0xb: {  	s4 =	smul.u32 $0x28000, s3;
	s6 =	sshll.u32 s3, $0x4;
	s3 =	ssub.s32 $0x2, s3  }
0xc: {  	_ =	strace $0x8000004D;
	s6 =	sor.u32 s7, s6;
	s25 =	sshrl.u32 s3, $0x1  }
0xd: {  	s24 =	sadd.s32 s5, s4;
	s6 =	smul.u32 $0x2800, s6;
	s4 =	sadd.s32 $0x1C00, s0  }
0xe: {  	s3 =	ssub.s32 s3, s25;
	s5 =	sadd.s32 s5, s2;
	s25 =	simm.s32 $0x3  }
0xf: {  	s7 =	sshrl.u32 s24, $0x3;
	s26 =	smax.u32 s3, $0x1;
	s24 =	simm.s32 $0x7710  }
.Ltmp0:
0x10: {  	s3 =	simm.s32 $0x8;
	s6 =	sshrl.u32 s6, $0x3;
	(pc) =	sbr.rel .LBB2_1-.Ltmp0, $4  }
0x11: {  	s0 =	sadd.s32 s7, s0;
	[dreg:$0x7] =	wrdreg s26;
	s1 =	sadd.s32 s1, s6  }
0x12: {  	s26 =	simm.s32 $0x7EE0;
	s0 =	sadd.s32 $0x6C00, s0;
	[dreg:$0x4] =	wrdreg s1  }
0x13: {  	s7 =	simm.s32 $0x10;
	s1 =	sadd.s32 $0xA000, s1;
	[dreg:$0x6] =	wrdreg s0  }
0x14: {  	v0 =	vimm.f32 $0.0e+00;
	s0 =	simm.s32 $0x7;
	[dreg:$0x5] =	wrdreg s1;
	s1 =	simm.s32 $0xB  }
.LBB2_6:
0x15: {  	_ =	swait.ge [sflag:s3], $0x7D0  }
0x16: {  	[sflag:s3] =	ssyncset.done $0x0  }
0x17: {  	[sflag:s3] =	ssyncadd.s32 $0xFFFFF830  }
0x18: {  	[spmem:s2] =	stream.indirect.scatter.add.f32 [tilespmem:s29], [sflag:$0x10], $0x10, s10, s13, $0xb8;
	[tilespmem:$0xDE80] =	vst v63  }
0x19: {  	_ =	swait.ge [sflag:s12], $0x7D0  }
0x1a: {  	[sflag:s12] =	ssyncset.done $0x0  }
0x1b: {  	s6 =	simm.s32 $0xD;
	[sflag:s12] =	ssyncadd.s32 $0xFFFFF830  }
0x1c: {  	_ =	swait.ge [sflag:s6], $0x7D0  }
0x1d: {  	[sflag:s6] =	ssyncset.done $0x0  }
0x1e: {  	s10 =	simm.s32 $0xE;
	[sflag:s6] =	ssyncadd.s32 $0xFFFFF830  }
0x1f: {  	_ =	swait.ge [sflag:s10], $0x7D0  }
0x20: {  	[sflag:s10] =	ssyncset.done $0x0  }
0x21: {  	s15 =	simm.s32 $0xF;
	[sflag:s10] =	ssyncadd.s32 $0xFFFFF830  }
0x22: {  	_ =	swait.ge [sflag:s15], $0x7D0  }
0x23: {  	[sflag:s15] =	ssyncset.done $0x0  }
0x24: {  	[sflag:s15] =	ssyncadd.s32 $0xFFFFF830  }
0x25: {  	_ =	swait.ge [sflag:s7], $0x7D0  }
0x26: {  	[sflag:s7] =	ssyncset.done $0x0  }
0x27: {  	[sflag:s7] =	ssyncadd.s32 $0xFFFFF830  }
0x28: {  	s10 =	simm.s32 $0x8E80;
	[bflag:$0x0] =	sbarrier.arrive $0xFFFF  }
0x29: {  	[tilespmem:s10], [sflag:$0x11] =	stream.linear.gather [spmem:s5], $0x2800, $0x38;
	[tilespmem:$0xDE80] =	vst v63  }
0x2a: {  	_ =	swait.ge [sflag:s11], $0x2800  }
0x2b: {  	[sflag:s11] =	ssyncset.done $0x0  }
0x2c: {  	s17 =	simm.s32 $0x0;
	s9 =	rddreg [dreg:$0x6];
	[sflag:s11] =	ssyncadd.s32 $0xFFFFD800  }
0x2d: {  	[hbm4b:s9+s17] =	stream.linear.scatter [tilespmem:s10], [sflag:$0x11], $0x2800, $0x38;
	[tilespmem:$0xDE80] =	vst v63  }
0x2e: {  	_ =	swait.ge [sflag:s11], $0x2800  }
0x2f: {  	s8 =	sadd.s32 $0x1, s8;
	s19 =	rddreg [dreg:$0x7]  }
0x30: {  	p0 =	sne.s32 s8, s19  }
.Ltmp1:
0x31: {  	_ = 	snop;
	(pc) =	sbr.rel @!p0 .LBB2_7-.Ltmp1, $3  }
0x32: {  	_ =	sdelay $0x1  }
0x33: {  	[sflag:s11] =	ssyncset.done $0x0  }
0x34: {  	[sflag:s11] =	ssyncadd.s32 $0xFFFFD800  }
.LBB2_1:
0x35: {  	s6 =	simm.s32 $0x40;
	s9 =	simm.s32 $0x0  }
.LBB2_2:
0x36: {  	p0 =	sne.s32 s6, $0x9FC0;
	[tilespmem:s9+$0x8E80] =	vst v0;
	s9 =	smov.u32 s6;
	s6 =	sadd.s32 $0x40, s6  }
.Ltmp2:
0x37: {  	(pc) =	sbr.rel @p0 .LBB2_2-.Ltmp2, $2  }
0x38: {  	_ =	sdelay $0x2  }
0x39: {  	s9 =	sshra.s32 s9, $0x2  }
0x3a: {  	[tilespmem:s9+$0x8E80] =	vst v0  }
0x3b: {  	[spmem:s5] =	stream.linear.scatter [tilespmem:s10], [sflag:$0x11], $0x2800, $0x38;
	[tilespmem:$0xDE80] =	vst v63  }
0x3c: {  	_ =	swait.ge [sflag:s11], $0x2800  }
0x3d: {  	[sflag:s11] =	ssyncset.done $0x0  }
0x3e: {  	[sflag:s11] =	ssyncadd.s32 $0xFFFFD800  }
0x3f: {  	[bflag:$0x0] =	sbarrier.arrive $0xFFFF  }
0x40: {  	s9 =	simm.s32 $0x0;
	s6 =	rddreg [dreg:$0x4]  }
0x41: {  	[tilespmem:s9], [sflag:$0x11] =	stream.linear.gather [hbm4b:s6+s9], $0x2800, $0x38;
	[tilespmem:$0xDE80] =	vst v63  }
0x42: {  	_ =	swait.ge [sflag:s11], $0x2800  }
0x43: {  	[sflag:s11] =	ssyncset.done $0x0  }
0x44: {  	s19 =	simm.s32 $0x2800;
	s17 =	rddreg [dreg:$0x5];
	[sflag:s11] =	ssyncadd.s32 $0xFFFFD800  }
0x45: {  	[tilespmem:s19], [sflag:$0x11] =	stream.linear.gather [hbm4b:s17+s9], $0x2800, $0x38;
	[tilespmem:$0xDE80] =	vst v63  }
0x46: {  	_ =	swait.ge [sflag:s11], $0x2800  }
0x47: {  	[sflag:s11] =	ssyncset.done $0x0  }
0x48: {  	[sflag:s11] =	ssyncadd.s32 $0xFFFFD800  }
0x49: {  	[tilespmem:s14], [sflag:$0x1] =	stream.indirect.gather [hbm4b:s4+s13], $0x10, s9, s13, $0xb8;
	[tilespmem:$0xDE80] =	vst v63  }
0x4a: {  	s15 =	simm.s32 $0x80  }
0x4b: {  	[tilespmem:s16], [sflag:$0x2] =	stream.indirect.gather [hbm4b:s4+s13], $0x10, s15, s13, $0xb8;
	[tilespmem:$0xDE80] =	vst v63  }
0x4c: {  	s17 =	simm.s32 $0x100  }
0x4d: {  	[tilespmem:s18], [sflag:$0x3] =	stream.indirect.gather [hbm4b:s4+s13], $0x10, s17, s13, $0xb8;
	[tilespmem:$0xDE80] =	vst v63  }
0x4e: {  	s19 =	simm.s32 $0x180  }
0x4f: {  	[tilespmem:s20], [sflag:$0x4] =	stream.indirect.gather [hbm4b:s4+s13], $0x10, s19, s13, $0xb8;
	[tilespmem:$0xDE80] =	vst v63  }
.LBB2_4:
0x50: {  	_ =	swait.ge [sflag:s21], $0x7D0  }
0x51: {  	s6 =	sshra.s32 s9, $0x2;
	[sflag:s21] =	ssyncset.done $0x0  }
0x52: {  	p0 =	seq.s32 s9, $0x0;
	s10 =	sadd.s32 $0x2800, s6;
	[sflag:s21] =	ssyncadd.s32 $0xFFFFF830  }
0x53: {  	[spmem:s2] =	stream.indirect.scatter.add.f32 [tilespmem:s14], [sflag:$0x9], $0x10, s10, s13, $0xb8;
	[tilespmem:$0xDE80] =	vst v63  }
0x54: {  	s10 =	simm.s32 @!p0 $0xD  }
0x55: {  	_ =	swait.ge @!p0 [sflag:s10], $0x7D0  }
0x56: {  	[sflag:s10] =	ssyncset.done @!p0 $0x0  }
0x57: {  	s15 =	sadd.s32 $0x200, s6;
	[sflag:s10] =	ssyncadd.s32 @!p0 $0xFFFFF830  }
0x58: {  	[tilespmem:s22], [sflag:$0x5] =	stream.indirect.gather [hbm4b:s4+s13], $0x10, s15, s13, $0xb8;
	[tilespmem:$0xDE80] =	vst v63  }
0x59: {  	_ =	swait.ge [sflag:s23], $0x7D0  }
0x5a: {  	[sflag:s23] =	ssyncset.done $0x0  }
0x5b: {  	s17 =	sadd.s32 $0x2880, s6;
	s10 =	simm.s32 @!p0 $0xE;
	[sflag:s23] =	ssyncadd.s32 $0xFFFFF830  }
0x5c: {  	[spmem:s2] =	stream.indirect.scatter.add.f32 [tilespmem:s16], [sflag:$0xA], $0x10, s17, s13, $0xb8;
	[tilespmem:$0xDE80] =	vst v63  }
0x5d: {  	_ =	swait.ge @!p0 [sflag:s10], $0x7D0  }
0x5e: {  	[sflag:s10] =	ssyncset.done @!p0 $0x0  }
0x5f: {  	s19 =	sadd.s32 $0x280, s6;
	[sflag:s10] =	ssyncadd.s32 @!p0 $0xFFFFF830  }
0x60: {  	[tilespmem:s24], [sflag:$0x6] =	stream.indirect.gather [hbm4b:s4+s13], $0x10, s19, s13, $0xb8;
	[tilespmem:$0xDE80] =	vst v63  }
0x61: {  	_ =	swait.ge [sflag:s25], $0x7D0  }
0x62: {  	[sflag:s25] =	ssyncset.done $0x0  }
0x63: {  	s15 =	sadd.s32 $0x2900, s6;
	s10 =	simm.s32 @!p0 $0xF;
	[sflag:s25] =	ssyncadd.s32 $0xFFFFF830  }
0x64: {  	[spmem:s2] =	stream.indirect.scatter.add.f32 [tilespmem:s18], [sflag:$0xB], $0x10, s15, s13, $0xb8;
	[tilespmem:$0xDE80] =	vst v63  }
0x65: {  	_ =	swait.ge @!p0 [sflag:s10], $0x7D0  }
0x66: {  	[sflag:s10] =	ssyncset.done @!p0 $0x0  }
0x67: {  	s17 =	sadd.s32 $0x300, s6;
	[sflag:s10] =	ssyncadd.s32 @!p0 $0xFFFFF830  }
0x68: {  	[tilespmem:s26], [sflag:$0x7] =	stream.indirect.gather [hbm4b:s4+s13], $0x10, s17, s13, $0xb8;
	[tilespmem:$0xDE80] =	vst v63  }
0x69: {  	_ =	swait.ge [sflag:s28], $0x7D0  }
0x6a: {  	[sflag:s28] =	ssyncset.done $0x0  }
0x6b: {  	s19 =	sadd.s32 $0x2980, s6;
	s10 =	simm.s32 @!p0 $0x10;
	[sflag:s28] =	ssyncadd.s32 $0xFFFFF830  }
0x6c: {  	[spmem:s2] =	stream.indirect.scatter.add.f32 [tilespmem:s20], [sflag:$0xC], $0x10, s19, s13, $0xb8;
	[tilespmem:$0xDE80] =	vst v63  }
0x6d: {  	_ =	swait.ge @!p0 [sflag:s10], $0x7D0  }
0x6e: {  	[sflag:s10] =	ssyncset.done @!p0 $0x0  }
0x6f: {  	s15 =	sadd.s32 $0x380, s6;
	[sflag:s10] =	ssyncadd.s32 @!p0 $0xFFFFF830  }
0x70: {  	[tilespmem:s29], [sflag:$0x8] =	stream.indirect.gather [hbm4b:s4+s13], $0x10, s15, s13, $0xb8;
	[tilespmem:$0xDE80] =	vst v63  }
0x71: {  	_ =	swait.ge [sflag:s30], $0x7D0  }
0x72: {  	[sflag:s30] =	ssyncset.done $0x0  }
0x73: {  	s17 =	sadd.s32 $0x2A00, s6;
	[sflag:s30] =	ssyncadd.s32 $0xFFFFF830  }
0x74: {  	[spmem:s2] =	stream.indirect.scatter.add.f32 [tilespmem:s22], [sflag:$0xD], $0x10, s17, s13, $0xb8;
	[tilespmem:$0xDE80] =	vst v63  }
0x75: {  	_ =	swait.ge [sflag:s31], $0x7D0  }
0x76: {  	p0 =	seq.s32 s9, $0x9000;
	[sflag:s31] =	ssyncset.done $0x0  }
0x77: {  	s10 =	simm.s32 @p0 $0x6;
	[sflag:s31] =	ssyncadd.s32 $0xFFFFF830  }
0x78: {  	_ =	swait.ge @p0 [sflag:s10], $0x7D0  }
0x79: {  	[sflag:s10] =	ssyncset.done @p0 $0x0  }
0x7a: {  	[sflag:s10] =	ssyncadd.s32 @p0 $0xFFFFF830;
	s10 =	sshra.s32 @p0 s9, $0x2  }
0x7b: {  	s15 =	simm.s32 @p0 $0x7D;
	s17 =	simm.s32 @p0 $0x7710;
	s10 =	sadd.s32 @p0 $0x2A80, s10  }
0x7c: {  	[spmem:s2] =	stream.indirect.scatter.add.f32 @p0 [tilespmem:s17], [sflag:$0xE], $0x10, s10, s15, $0xb8;
	[tilespmem:$0xDE80] =	vst v63  }
0x7d: {  	s10 =	simm.s32 @p0 $0xA  }
0x7e: {  	_ =	swait.ge @p0 [sflag:s10], $0x7D0  }
0x7f: {  	[sflag:s10] =	ssyncset.done @p0 $0x0  }
0x80: {  	[sflag:s10] =	ssyncadd.s32 @p0 $0xFFFFF830;
	s10 =	sshra.s32 @!p0 s9, $0x2  }
0x81: {  	s19 =	simm.s32 @!p0 $0x5000;
	s17 =	simm.s32 @!p0 $0x7D;
	s15 =	sadd.s32 @!p0 $0x400, s10  }
0x82: {  	[tilespmem:s19], [sflag:$0x1] =	stream.indirect.gather @!p0 [hbm4b:s4+s17], $0x10, s15, s17, $0xb8;
	[tilespmem:$0xDE80] =	vst v63  }
0x83: {  	s15 =	simm.s32 @!p0 $0x6  }
0x84: {  	_ =	swait.ge @!p0 [sflag:s15], $0x7D0  }
0x85: {  	[sflag:s15] =	ssyncset.done @!p0 $0x0  }
0x86: {  	s19 =	simm.s32 @!p0 $0x7710;
	[sflag:s15] =	ssyncadd.s32 @!p0 $0xFFFFF830;
	s15 =	sadd.s32 @!p0 $0x2A80, s10  }
0x87: {  	[spmem:s2] =	stream.indirect.scatter.add.f32 @!p0 [tilespmem:s19], [sflag:$0xE], $0x10, s15, s17, $0xb8;
	[tilespmem:$0xDE80] =	vst v63  }
0x88: {  	s15 =	simm.s32 @!p0 $0xA  }
0x89: {  	_ =	swait.ge @!p0 [sflag:s15], $0x7D0  }
0x8a: {  	[sflag:s15] =	ssyncset.done @!p0 $0x0  }
0x8b: {  	s10 =	sadd.s32 @!p0 $0x480, s10;
	[sflag:s15] =	ssyncadd.s32 @!p0 $0xFFFFF830;
	s15 =	simm.s32 @!p0 $0x57D0  }
0x8c: {  	[tilespmem:s15], [sflag:$0x2] =	stream.indirect.gather @!p0 [hbm4b:s4+s17], $0x10, s10, s17, $0xb8;
	[tilespmem:$0xDE80] =	vst v63  }
0x8d: {  	_ =	swait.ge [sflag:s0], $0x7D0  }
0x8e: {  	[sflag:s0] =	ssyncset.done $0x0  }
.Ltmp3:
0x8f: {  	s19 =	sadd.s32 $0x2B00, s6;
	[sflag:s0] =	ssyncadd.s32 $0xFFFFF830;
	(pc) =	sbr.rel @p0 .LBB2_6-.Ltmp3, $4  }
0x90: {  	[spmem:s2] =	stream.indirect.scatter.add.f32 [tilespmem:s26], [sflag:$0xF], $0x10, s19, s13, $0xb8;
	[tilespmem:$0xDE80] =	vst v63  }
0x91: {  	_ =	swait.ge [sflag:s1], $0x7D0  }
0x92: {  	[sflag:s1] =	ssyncset.done $0x0  }
0x93: {  	s10 =	sadd.s32 $0x2B80, s6;
	[sflag:s1] =	ssyncadd.s32 $0xFFFFF830  }
0x94: {  	s15 =	sadd.s32 $0x500, s6  }
0x95: {  	[tilespmem:s18], [sflag:$0x3] =	stream.indirect.gather [hbm4b:s4+s13], $0x10, s15, s13, $0xb8;
	[tilespmem:$0xDE80] =	vst v63  }
0x96: {  	_ =	swait.ge [sflag:s3], $0x7D0  }
0x97: {  	[sflag:s3] =	ssyncset.done $0x0  }
0x98: {  	[sflag:s3] =	ssyncadd.s32 $0xFFFFF830  }
0x99: {  	[spmem:s2] =	stream.indirect.scatter.add.f32 [tilespmem:s29], [sflag:$0x10], $0x10, s10, s13, $0xb8;
	[tilespmem:$0xDE80] =	vst v63  }
.Ltmp4:
0x9a: {  	_ = 	snop;
	(pc) =	sbr.rel .LBB2_4-.Ltmp4, $4  }
0x9b: {  	_ =	swait.ge [sflag:s12], $0x7D0  }
0x9c: {  	[sflag:s12] =	ssyncset.done $0x0  }
0x9d: {  	s19 =	sadd.s32 $0x580, s6;
	s9 =	sadd.s32 $0x1000, s9;
	[sflag:s12] =	ssyncadd.s32 $0xFFFFF830  }
0x9e: {  	[tilespmem:s20], [sflag:$0x4] =	stream.indirect.gather [hbm4b:s4+s13], $0x10, s19, s13, $0xb8;
	[tilespmem:$0xDE80] =	vst v63  }
.LBB2_7:
0x9f: {  	_ =	sfence.sel $0x180000  }
0xa0: {  	[bflag:$0x0] =	sbarrier.arrive $0xFFFF  }
0xa1: {  	_ =	strace $0x9000004D  }
0xa2: {  	s0 =	stileid.u32;
	[bflag:$0x2] =	sbarrier.arrive $0xFFFF  }
0xa3: {  	p0 =	sne.s32 s0, $0x0;
	s0 =	rddreg [dreg:$0x3]  }
0xa4: {  	s0 =	sadd.s32 @!p0 $0x100000, s0  }
0xa5: {  	[sflag:s0] =	ssyncadd.tile.s32 @!p0 $0x1;
	_ =	shalt  }
.Lfunc_end2:
_tile_overlayer_lowered:
.L_overlay_start_2:
0xa6: {  	(tag) =	ssettag $0x2  }
0xa7: {  	s0 =	rddreg [dreg:$0x0];
	s2 =	stileid.u32  }
0xa8: {  	s1 =	rddreg [dreg:$0x1];
	p0 =	sne.s32 s2, $0x0  }
0xa9: {  	s3 =	rddreg [dreg:$0x2];
	[bflag:$0x3] =	sbarrier.arrive $0xFFFF;
	s2 =	simm.s32 @!p0 $0x1C11  }
0xaa: {  	[timem:s3], [sflag:s2] =	dma.local @!p0 [hbm:s0], s1  }
0xab: {  	s0 =	simm.s32 @!p0 $0x11  }
0xac: {  	_ =	swait.ge @!p0 [sflag:s0], s1  }
0xad: {  	s1 =	ssub.s32 @!p0 $0x0, s1;
	[sflag:s0] =	ssyncset.done @!p0 $0x0  }
0xae: {  	[sflag:s0] =	ssyncadd.s32 @!p0 s1  }
0xaf: {  	[bflag:$0x3] =	sbarrier.arrive $0xFFFF  }
0xb0: {  	_ =	shalt  }

// kernel: kernel.8.cloned.1.call-start
scs
__scs_entry_jumppad:
0x0: {  	(pc) =	sbr.rel $0x88, $3  }
0x1: {  	(tag) =	ssettag $0x0;
	lr =	simm.s32 $0x1  }
0x2: {  	[smem:$0x3F9B] =	sst lr;
	_ =	strace $0xD0000000  }
0x3: {  	_ = 	snop  }
0x4: {  	_ = 	snop  }
0x5: {  	_ = 	snop  }
0x6: {  	_ = 	snop  }
0x7: {  	_ = 	snop  }
__scs_overlays_trampoline_lowered:
0x8: {  	[smem:$0x3FAA] =	sst s0  }
0x9: {  	[smem:$0x3FAB] =	sst s1  }
0xa: {  	[smem:$0x3FAC] =	sst s2  }
0xb: {  	[smem:$0x3FAD] =	sst s3  }
0xc: {  	[smem:$0x3FAE] =	sst s4  }
0xd: {  	[smem:$0x3FAF] =	sst s5  }
0xe: {  	[smem:$0x3FB0] =	sst s6  }
0xf: {  	[smem:$0x3FB1] =	sst s7  }
0x10: {  	[smem:$0x3FB2] =	sst s8  }
0x11: {  	[smem:$0x3FB3] =	sst s9;
	s0 =	simm.s32 @!p0 $0x0  }
0x12: {  	s1 =	sld [smem:$0x3F99];
	s0 =	simm.s32 @p0 $0x1  }
0x13: {  	[smem:$0x3FB4] =	sst s0;
	s0 =	simm.s32 @!p1 $0x0  }
0x14: {  	s2 =	sld [smem:$0x3F98];
	s0 =	simm.s32 @p1 $0x1  }
0x15: {  	[smem:$0x3FB5] =	sst s0;
	s0 =	simm.s32 @!p2 $0x0  }
0x16: {  	s3 =	sld [smem:$0x3FDB];
	s0 =	simm.s32 @p2 $0x1  }
0x17: {  	s4 =	simm.s32 $0x1BF5;
	[smem:$0x3FB7] =	sst s0  }
0x18: {  	s0 =	sld [smem:$0x3F9A];
	_ =	swait.ge [sflag:s4], $0x0  }
0x19: {  	s7 =	sld [smem:$0x3F9B]  }
0x1a: {  	s8 =	sadd.s32 $0xFFFFE003, lr  }
0x1b: {  	s9 =	sadd.s32 $0xFFFFFEF7, lr;
	s5 =	simm.s32 $0xFFFFFFFF;
	p2 =	slt.u32 s8, $0xFFFFF086  }
0x1c: {  	p1 =	slt.u32 s9, $0xF7A;
	s5 =	simm.s32 @!p2 $0x0  }
0x1d: {  	s5 =	simm.s32 @p1 $0x1;
	p0 =	seq.s32 s7, s2  }
0x1e: {  	s7 =	smul.u32 @!p0 $0xF7A, s2;
	p2 =	seq.s32 @!p0 s5, $0x0  }
0x1f: {  	s9 =	smul.u32 $0xF7A, s1;
	s8 =	simm.s32 @!p0 $0x1BF5;
	p2 =	por !p2, p0  }
0x20: {  	[sflag:s8] =	ssyncset.s32 @!p0 $0xFFFFF086;
	s6 =	sadd.s32 @!p0 s3, s7;
	s7 =	simm.s32 @!p0 $0x108  }
0x21: {  	s3 =	sadd.s32 s3, s9;
	s6 =	sadd.s32 @!p0 $0x88, s6;
	s7 =	simm.s32 @p2 $0x1082  }
0x22: {  	[simem:s7], [sflag:s8] =	dma.local @!p0 [hbm:s6], $0xF7A  }
0x23: {  	s9 =	sor.u32 $0xD0000000, s2;
	s6 =	simm.s32 $0x108;
	_ =	swait.ge @!p0 [sflag:s8], $0x0  }
0x24: {  	s3 =	sadd.s32 $0x88, s3;
	s6 =	simm.s32 @!p1 $0x1082;
	[sflag:s4] =	ssyncset.s32 $0xFFFFF086  }
0x25: {  	[simem:s6], [sflag:s4] =	dma.local [hbm:s3], $0xF7A  }
0x26: {  	[smem:$0x3F9B] =	sst s1;
	(tag) =	ssettag s2;
	_ =	strace s9  }
0x27: {  	s1 =	sld [smem:$0x3FAB]  }
0x28: {  	s2 =	sld [smem:$0x3FAC]  }
0x29: {  	s4 =	sld [smem:$0x3FAE]  }
0x2a: {  	p0 =	seq.s32 s5, $0x0;
	s5 =	sld [smem:$0x3FAF]  }
0x2b: {  	s6 =	sld [smem:$0x3FB0]  }
0x2c: {  	s7 =	sld [smem:$0x3FB1]  }
0x2d: {  	s3 =	simm.s32 $0x108;
	s8 =	sld [smem:$0x3FB2]  }
0x2e: {  	s3 =	simm.s32 @!p0 $0x1082;
	s9 =	sld [smem:$0x3FB3]  }
0x2f: {  	lr =	sadd.s32 s0, s3;
	s0 =	sld [smem:$0x3FAA]  }
0x30: {  	s3 =	sld [smem:$0x3FAD]  }
0x31: {  	[smem:$0x3FB6] =	sst s10  }
0x32: {  	s10 =	sld [smem:$0x3FB4];
	_ =	sdelay $0x3  }
0x33: {  	p0 =	seq.s32 s10, $0x1;
	s10 =	sld [smem:$0x3FB6];
	_ =	sdelay $0x3  }
0x34: {  	[smem:$0x3FB6] =	sst s10  }
0x35: {  	s10 =	sld [smem:$0x3FB5];
	_ =	sdelay $0x3  }
0x36: {  	p1 =	seq.s32 s10, $0x1;
	s10 =	sld [smem:$0x3FB6];
	_ =	sdelay $0x3  }
0x37: {  	[smem:$0x3FB6] =	sst s10  }
0x38: {  	s10 =	sld [smem:$0x3FB7]  }
0x39: {  	_ = 	snop;
	(pc) =	sbr.ind lr, $3  }
0x3a: {  	_ = 	snop  }
0x3b: {  	_ = 	snop  }
0x3c: {  	p2 =	seq.s32 s10, $0x1;
	s10 =	sld [smem:$0x3FB6]  }
0x3d: {  	_ =	shalt  }
0x3e: {  	_ =	shalt  }
0x3f: {  	_ =	shalt  }
0x40: {  	_ =	shalt  }
0x41: {  	_ =	shalt  }
0x42: {  	_ =	shalt  }
0x43: {  	_ =	shalt  }
0x44: {  	_ =	shalt  }
0x45: {  	_ =	shalt  }
0x46: {  	_ =	shalt  }
0x47: {  	_ =	shalt  }
0x48: {  	_ =	shalt  }
0x49: {  	_ =	shalt  }
0x4a: {  	_ =	shalt  }
0x4b: {  	_ =	shalt  }
0x4c: {  	_ =	shalt  }
0x4d: {  	_ =	shalt  }
0x4e: {  	_ =	shalt  }
0x4f: {  	_ =	shalt  }
0x50: {  	_ =	shalt  }
0x51: {  	_ =	shalt  }
0x52: {  	_ =	shalt  }
0x53: {  	_ =	shalt  }
0x54: {  	_ =	shalt  }
0x55: {  	_ =	shalt  }
0x56: {  	_ =	shalt  }
0x57: {  	_ =	shalt  }
0x58: {  	_ =	shalt  }
0x59: {  	_ =	shalt  }
0x5a: {  	_ =	shalt  }
0x5b: {  	_ =	shalt  }
0x5c: {  	_ =	shalt  }
0x5d: {  	_ =	shalt  }
0x5e: {  	_ =	shalt  }
0x5f: {  	_ =	shalt  }
0x60: {  	_ =	shalt  }
0x61: {  	_ =	shalt  }
0x62: {  	_ =	shalt  }
0x63: {  	_ =	shalt  }
0x64: {  	_ =	shalt  }
0x65: {  	_ =	shalt  }
0x66: {  	_ =	shalt  }
0x67: {  	_ =	shalt  }
0x68: {  	_ =	shalt  }
0x69: {  	_ =	shalt  }
0x6a: {  	_ =	shalt  }
0x6b: {  	_ =	shalt  }
0x6c: {  	_ =	shalt  }
0x6d: {  	_ =	shalt  }
0x6e: {  	_ =	shalt  }
0x6f: {  	_ =	shalt  }
0x70: {  	_ =	shalt  }
0x71: {  	_ =	shalt  }
0x72: {  	_ =	shalt  }
0x73: {  	_ =	shalt  }
0x74: {  	_ =	shalt  }
0x75: {  	_ =	shalt  }
0x76: {  	_ =	shalt  }
0x77: {  	_ =	shalt  }
0x78: {  	_ =	shalt  }
0x79: {  	_ =	shalt  }
0x7a: {  	_ =	shalt  }
0x7b: {  	_ =	shalt  }
0x7c: {  	_ =	shalt  }
0x7d: {  	_ =	shalt  }
0x7e: {  	_ =	shalt  }
0x7f: {  	_ =	shalt  }
0x80: {  	_ =	shalt  }
0x81: {  	_ =	shalt  }
0x82: {  	_ =	shalt  }
0x83: {  	_ =	shalt  }
0x84: {  	_ =	shalt  }
0x85: {  	_ =	shalt  }
0x86: {  	_ =	shalt  }
0x87: {  	_ =	shalt  }
.Lfunc_end0:
.L_simem_size_0:
called_computation_lowered:
.L_overlay_start_0:
0x88: {  	s2 =	sld [smem:$0x3FD9]  }
0x89: {  	s3 =	sld [smem:$0x3FFE];
	_ =	sdelay $0x1  }
0x8a: {  	s1 =	srdreg.scid  }
0x8b: {  	s0 =	sand.u32 $0x1, s1  }
0x8c: {  	s17 =	sshll.u32 s0, $0xA;
	s2 =	sadd.s32 s3, s2  }
0x8d: {  	s2 =	sadd.s32 s2, s17  }
0x8e: {  	[smem:$0x3FC2] =	sst s2  }
0x8f: {  	_ = 	snop  }
0x90: {  	s2 =	sld [smem:$0x3FD0];
	(tm) =	ssettm $0x1  }
0x91: {  	s18 =	sld [smem:$0x3FFB];
	_ =	sdelay $0x3  }
0x92: {  	_ =	strace s18  }
0x93: {  	s3 =	sld [smem:$0x3FFC];
	_ =	sdelay $0x3  }
0x94: {  	_ =	strace s3  }
0x95: {  	s3 =	sld [smem:$0x3FFD];
	_ =	sdelay $0x3  }
0x96: {  	_ =	strace s3  }
0x97: {  	_ =	strace $0x8FFFFFFF  }
0x98: {  	s19 =	sld [smem:$0x3FDB];
	_ =	sdelay $0x1  }
0x99: {  	s4 =	simm.s32 $_scs_section_size  }
0x9a: {  	s5 =	simm.s32 $_size__tile_overlayer_lowered;
	s6 =	simm.s32 $_tile_overlayer_lowered  }
0x9b: {  	s22 =	simm.s32 $0x1BFF;
	s21 =	sshll.u32 s6, $0x1;
	s3 =	sadd.s32 s4, s19  }
0x9c: {  	s7 =	simm.s32 $0x0;
	s20 =	sshll.u32 s5, $0x1;
	s5 =	sadd.s32 s21, s3  }
0x9d: {  	[timem:s7], [sflag:s22] =	dma.local [hbm:s5], s20  }
0x9e: {  	_ =	swait.ge [sflag:s22], s20  }
0x9f: {  	s4 =	ssub.s32 $0x0, s20;
	[sflag:s22] =	ssyncset.done $0x0  }
0xa0: {  	[sflag:s22] =	ssyncadd.s32 s4;
	_ =	sdelay $0x1  }
0xa1: {  	s23 =	simm.s32 $0x1B8B  }
0xa2: {  	_ =	swait.ge [sflag:s23], $0x1  }
0xa3: {  	[sflag:s23] =	ssyncset.done $0x0  }
0xa4: {  	s25 =	simm.s32 $0x1B8E;
	s24 =	sld [smem:$0x3FFE];
	[sflag:s23] =	ssyncadd.s32 $0xFFFFFFFF  }
0xa5: {  	s26 =	simm.s32 $execute0_lowered;
	[smem:$0x3FD2] =	sst s25  }
0xa6: {  	s5 =	sshll.u32 s26, $0x1;
	_ =	strace $0x80000046;
	[dreg:$0x1] =	wrdreg $0xFFFFFFFF  }
0xa7: {  	s28 =	simm.s32 $_size_execute0_lowered;
	s3 =	sadd.s32 s3, s5;
	[dreg:$0x0] =	wrdreg $0x0  }
0xa8: {  	s5 =	sshll.u32 s28, $0x1;
	[dreg:$0x2] =	wrdreg s3  }
0xa9: {  	[dreg:$0x3] =	wrdreg s5  }
0xaa: {  	[dreg:$0x4] =	wrdreg $0xC0  }
0xab: {  	_ =	task [dreg:s7], $0x5FFFF  }
0xac: {  	[dreg:$0x1] =	wrdreg $0xFFFFFFFF  }
0xad: {  	[dreg:$0x0] =	wrdreg $0x60  }
0xae: {  	[dreg:$0x2] =	wrdreg s2  }
0xaf: {  	[dreg:$0x3] =	wrdreg s24  }
0xb0: {  	[dreg:$0x4] =	wrdreg $0x53000  }
0xb1: {  	[dreg:$0x5] =	wrdreg $0x55800  }
0xb2: {  	[dreg:$0x6] =	wrdreg $0x9  }
0xb3: {  	_ =	task.clear_ibuf [dreg:s7], $0x7FFFF;
	_ =	strace $0x90000046  }
0xb4: {  	s29 =	simm.s32 $0x9;
	_ =	strace $0x80000048  }
0xb5: {  	_ =	swait.ge [sflag:s29], $0x1  }
0xb6: {  	[sflag:s29] =	ssyncadd.s32 $0xFFFFFFFF  }
0xb7: {  	_ =	strace $0x90000048  }
0xb8: {  	_ =	sfence  }
0xb9: {  	s30 =	sld [smem:$0x0];
	_ =	sdelay $0x2  }
0xba: {  	s31 =	sshll.u32 s1, $0xD;
	s1 =	sshrl.u32 s1, $0x2  }
0xbb: {  	s3 =	sand.u32 $0x4000, s31;
	s1 =	sadd.s32 s1, s30  }
0xbc: {  	s0 =	sor.u32 s3, s0;
	s1 =	sshll.u32 s1, $0x11  }
0xbd: {  	s0 =	sor.u32 s1, s0  }
0xbe: {  	s0 =	sadd.s32 $0x8F2B, s0  }
0xbf: {  	[sflag:s0] =	ssyncadd.remote.s32 $0x1  }
0xc0: {  	_ =	sfence.sel $0xFFFF  }
0xc1: {  	[dreg:$0x0] =	wrdreg $0xFFFFFFFF;
	(pc) =	sbr.abs _section_cstart, $3  }
0xc2: {  	[dreg:$0x1] =	wrdreg $0xFFFFFFFF  }
0xc3: {  	_ =	task.clear_ibuf [dreg:s7], $0x2FFFF;
	_ =	strace $0x9FFFFFFF  }
0xc4: {  	(tm) =	ssettm $0x7FFFFFFF  }
0xc5: {  	_ =	shalt  }
tec
execute0_lowered:
.L_overlay_start_1:
0x0: {  	(tag) =	ssettag $0x1  }
0x1: {  	s6 =	rddreg [dreg:$0x0]  }
0x2: {  	s5 =	rddreg [dreg:$0x1]  }
0x3: {  	s1 =	srdreg.scid;
	s2 =	rddreg [dreg:$0x2]  }
0x4: {  	s0 =	stileid.u32;
	s3 =	rddreg [dreg:$0x3];
	s4 =	simm.s32 $0x0  }
0x5: {  	s13 =	simm.s32 $0x3;
	s14 =	simm.s32 $0x7D;
	s15 =	simm.s32 $0x5000  }
0x6: {  	s16 =	simm.s32 $0x1;
	s17 =	simm.s32 $0x2;
	s18 =	simm.s32 $0x0  }
0x7: {  	s7 =	sand.u32 $0x1, s1;
	s8 =	smul.u32 $0x280, s0;
	s1 =	rddreg [dreg:$0x4]  }
0x8: {  	[smem:$0x7FF] =	sst s4;
	s9 =	smul.u32 $0x5000, s7;
	s10 =	sshll.u32 s7, $0x4  }
0x9: {  	_ =	strace $0x80000047;
	s7 =	ssub.s32 $0x2, s7;
	s10 =	sor.u32 s0, s10  }
0xa: {  	s30 =	sshrl.u32 s7, $0x1;
	s9 =	sadd.s32 s8, s9;
	s10 =	smul.u32 $0x2800, s10  }
0xb: {  	s12 =	ssub.s32 s7, s30;
	s7 =	sadd.s32 s8, s3;
	s9 =	sshrl.u32 s9, $0x3  }
0xc: {  	s11 =	sadd.s32 s9, s5;
	s31 =	sshrl.u32 s10, $0x3;
	s5 =	sadd.s32 s8, s2  }
0xd: {  	s6 =	sadd.s32 s6, s31;
	s9 =	sadd.s32 $0x1C00, s11;
	s10 =	sadd.s32 $0x2100, s11  }
0xe: {  	v0 =	vimm.f32 $0.0e+00;
	v1 =	vimm.f32 $1.000000000e+00;
	s11 =	smax.u32 s12, $0x1;
	s12 =	simm.s32 $0x5080;
	s8 =	sadd.s32 $0xA000, s6  }
.LBB2_1:
0xf: {  	[tilespmem:$0x5080] =	vst v0  }
0x10: {  	[tilespmem:$0x5090] =	vst v0  }
0x11: {  	[tilespmem:$0x50A0] =	vst v0  }
0x12: {  	[tilespmem:$0x50B0] =	vst v0  }
0x13: {  	[tilespmem:$0x50C0] =	vst v0  }
0x14: {  	[tilespmem:$0x50D0] =	vst v0  }
0x15: {  	[tilespmem:$0x50E0] =	vst v0  }
0x16: {  	[tilespmem:$0x50F0] =	vst v0  }
0x17: {  	[tilespmem:$0x5100] =	vst v0  }
0x18: {  	[tilespmem:$0x5110] =	vst v0  }
0x19: {  	[tilespmem:$0x5120] =	vst v0  }
0x1a: {  	[tilespmem:$0x5130] =	vst v0  }
0x1b: {  	[tilespmem:$0x5140] =	vst v0  }
0x1c: {  	[tilespmem:$0x5150] =	vst v0  }
0x1d: {  	[tilespmem:$0x5160] =	vst v0  }
0x1e: {  	[tilespmem:$0x5170] =	vst v0  }
0x1f: {  	[tilespmem:$0x5180] =	vst v0  }
0x20: {  	[tilespmem:$0x5190] =	vst v0  }
0x21: {  	[tilespmem:$0x51A0] =	vst v0  }
0x22: {  	[tilespmem:$0x51B0] =	vst v0  }
0x23: {  	[tilespmem:$0x51C0] =	vst v0  }
0x24: {  	[tilespmem:$0x51D0] =	vst v0  }
0x25: {  	[tilespmem:$0x51E0] =	vst v0  }
0x26: {  	[tilespmem:$0x51F0] =	vst v0  }
0x27: {  	[tilespmem:$0x5200] =	vst v0  }
0x28: {  	[tilespmem:$0x5210] =	vst v0  }
0x29: {  	[tilespmem:$0x5220] =	vst v0  }
0x2a: {  	[tilespmem:$0x5230] =	vst v0  }
0x2b: {  	[tilespmem:$0x5240] =	vst v0  }
0x2c: {  	[tilespmem:$0x5250] =	vst v0  }
0x2d: {  	[tilespmem:$0x5260] =	vst v0  }
0x2e: {  	[tilespmem:$0x5270] =	vst v0  }
0x2f: {  	[tilespmem:$0x5280] =	vst v0  }
0x30: {  	[tilespmem:$0x5290] =	vst v0  }
0x31: {  	[tilespmem:$0x52A0] =	vst v0  }
0x32: {  	[tilespmem:$0x52B0] =	vst v0  }
0x33: {  	[tilespmem:$0x52C0] =	vst v0  }
0x34: {  	[tilespmem:$0x52D0] =	vst v0  }
0x35: {  	[tilespmem:$0x52E0] =	vst v0  }
0x36: {  	[tilespmem:$0x52F0] =	vst v0  }
0x37: {  	[tilespmem:$0x5000] =	vst v1  }
0x38: {  	[tilespmem:$0x5010] =	vst v1  }
0x39: {  	[tilespmem:$0x5020] =	vst v1  }
0x3a: {  	[tilespmem:$0x5030] =	vst v1  }
0x3b: {  	[tilespmem:$0x5040] =	vst v1  }
0x3c: {  	[tilespmem:$0x5050] =	vst v1  }
0x3d: {  	[tilespmem:$0x5060] =	vst v1  }
0x3e: {  	[tilespmem:$0x5070] =	vst v1  }
0x3f: {  	[spmem:s5] =	stream.linear.scatter [tilespmem:s12], [sflag:$0x3], $0x280, $0x38;
	[tilespmem:$0x5800] =	vst v63  }
0x40: {  	_ =	swait.ge [sflag:s13], $0x280  }
0x41: {  	[sflag:s13] =	ssyncset.done $0x0  }
0x42: {  	[sflag:s13] =	ssyncadd.s32 $0xFFFFFD80  }
0x43: {  	[spmem:s7] =	stream.linear.scatter [tilespmem:s12], [sflag:$0x3], $0x280, $0x38;
	[tilespmem:$0x5800] =	vst v63  }
0x44: {  	_ =	swait.ge [sflag:s13], $0x280  }
0x45: {  	[sflag:s13] =	ssyncset.done $0x0  }
0x46: {  	[sflag:s13] =	ssyncadd.s32 $0xFFFFFD80  }
0x47: {  	[bflag:$0x0] =	sbarrier.arrive $0xFFFF  }
0x48: {  	[tilespmem:s4], [sflag:$0x3] =	stream.linear.gather [hbm4b:s6+s4], $0x2800, $0x38;
	[tilespmem:$0x5800] =	vst v63  }
0x49: {  	_ =	swait.ge [sflag:s13], $0x2800  }
0x4a: {  	[sflag:s13] =	ssyncset.done $0x0  }
0x4b: {  	s19 =	simm.s32 $0x2800;
	[sflag:s13] =	ssyncadd.s32 $0xFFFFD800  }
0x4c: {  	[tilespmem:s19], [sflag:$0x3] =	stream.linear.gather [hbm4b:s8+s4], $0x2800, $0x38;
	[tilespmem:$0x5800] =	vst v63  }
0x4d: {  	_ =	swait.ge [sflag:s13], $0x2800  }
0x4e: {  	[sflag:s13] =	ssyncset.done $0x0  }
0x4f: {  	p0 =	por $0x1, $0x1;
	[sflag:s13] =	ssyncadd.s32 $0xFFFFD800  }
0x50: {  	[spmem:s2] =	stream.indirect.scatter.add.f32 [tilespmem:s15], [sflag:$0x1], $0x1, s4, s14, $0xb8;
	[tilespmem:$0x5800] =	vst v63  }
0x51: {  	s20 =	simm.s32 @!p0 $0x1  }
0x52: {  	[spmem:s3] =	stream.indirect.scatter.add.f32 [tilespmem:s15], [sflag:$0x2], $0x1, s19, s14, $0xb8;
	[tilespmem:$0x5800] =	vst v63  }
0x53: {  	_ =	swait.ge @!p0 [sflag:s20], $0x7D  }
0x54: {  	[sflag:s20] =	ssyncset.done @!p0 $0x0  }
0x55: {  	s21 =	simm.s32 $0x0;
	s22 =	simm.s32 @!p0 $0x2;
	[sflag:s20] =	ssyncadd.s32 @!p0 $0xFFFFFF83  }
0x56: {  	s19 =	simm.s32 $0x1;
	s20 =	simm.s32 $0x2880;
	_ =	swait.ge @!p0 [sflag:s22], $0x7D  }
.LBB2_2:
0x57: {  	[sflag:s22] =	ssyncset.done @!p0 $0x0  }
0x58: {  	s21 =	sadd.s32 $0x80, s21;
	s23 =	smov.u32 s19;
	s19 =	sadd.s32 $0x1, s19  }
0x59: {  	p1 =	sne.s32 s19, $0x50;
	[sflag:s22] =	ssyncadd.s32 @!p0 $0xFFFFFF83  }
0x5a: {  	[spmem:s2] =	stream.indirect.scatter.add.f32 [tilespmem:s15], [sflag:$0x1], $0x1, s21, s14, $0xb8;
	[tilespmem:$0x5800] =	vst v63  }
0x5b: {  	p0 =	slt.u32 s23, $0x8  }
0x5c: {  	[spmem:s3] =	stream.indirect.scatter.add.f32 [tilespmem:s15], [sflag:$0x2], $0x1, s20, s14, $0xb8;
	[tilespmem:$0x5800] =	vst v63  }
.Ltmp0:
0x5d: {  	s23 =	simm.s32 @!p0 $0x1;
	(pc) =	sbr.rel @p1 .LBB2_2-.Ltmp0, $4  }
0x5e: {  	_ =	swait.ge @!p0 [sflag:s23], $0x7D  }
0x5f: {  	s22 =	simm.s32 @!p0 $0x2;
	[sflag:s23] =	ssyncset.done @!p0 $0x0  }
0x60: {  	[sflag:s23] =	ssyncadd.s32 @!p0 $0xFFFFFF83  }
0x61: {  	s20 =	sadd.s32 $0x80, s20;
	_ =	swait.ge @!p0 [sflag:s22], $0x7D  }
0x62: {  	[sflag:s22] =	ssyncset.done @!p0 $0x0  }
0x63: {  	[sflag:s22] =	ssyncadd.s32 @!p0 $0xFFFFFF83  }
0x64: {  	_ =	swait.ge [sflag:s16], $0x7D  }
0x65: {  	[sflag:s16] =	ssyncset.done $0x0  }
0x66: {  	[sflag:s16] =	ssyncadd.s32 $0xFFFFFF83  }
0x67: {  	_ =	swait.ge [sflag:s17], $0x7D  }
0x68: {  	[sflag:s17] =	ssyncset.done $0x0  }
0x69: {  	[sflag:s17] =	ssyncadd.s32 $0xFFFFFF83  }
0x6a: {  	_ =	swait.ge [sflag:s16], $0x7D  }
0x6b: {  	[sflag:s16] =	ssyncset.done $0x0  }
0x6c: {  	[sflag:s16] =	ssyncadd.s32 $0xFFFFFF83  }
0x6d: {  	_ =	swait.ge [sflag:s17], $0x7D  }
0x6e: {  	[sflag:s17] =	ssyncset.done $0x0  }
0x6f: {  	[sflag:s17] =	ssyncadd.s32 $0xFFFFFF83  }
0x70: {  	_ =	swait.ge [sflag:s16], $0x7D  }
0x71: {  	[sflag:s16] =	ssyncset.done $0x0  }
0x72: {  	[sflag:s16] =	ssyncadd.s32 $0xFFFFFF83  }
0x73: {  	_ =	swait.ge [sflag:s17], $0x7D  }
0x74: {  	[sflag:s17] =	ssyncset.done $0x0  }
0x75: {  	[sflag:s17] =	ssyncadd.s32 $0xFFFFFF83  }
0x76: {  	_ =	swait.ge [sflag:s16], $0x7D  }
0x77: {  	[sflag:s16] =	ssyncset.done $0x0  }
0x78: {  	[sflag:s16] =	ssyncadd.s32 $0xFFFFFF83  }
0x79: {  	_ =	swait.ge [sflag:s17], $0x7D  }
0x7a: {  	[sflag:s17] =	ssyncset.done $0x0  }
0x7b: {  	[sflag:s17] =	ssyncadd.s32 $0xFFFFFF83  }
0x7c: {  	_ =	swait.ge [sflag:s16], $0x7D  }
0x7d: {  	[sflag:s16] =	ssyncset.done $0x0  }
0x7e: {  	[sflag:s16] =	ssyncadd.s32 $0xFFFFFF83  }
0x7f: {  	_ =	swait.ge [sflag:s17], $0x7D  }
0x80: {  	[sflag:s17] =	ssyncset.done $0x0  }
0x81: {  	[sflag:s17] =	ssyncadd.s32 $0xFFFFFF83  }
0x82: {  	_ =	swait.ge [sflag:s16], $0x7D  }
0x83: {  	[sflag:s16] =	ssyncset.done $0x0  }
0x84: {  	[sflag:s16] =	ssyncadd.s32 $0xFFFFFF83  }
0x85: {  	_ =	swait.ge [sflag:s17], $0x7D  }
0x86: {  	[sflag:s17] =	ssyncset.done $0x0  }
0x87: {  	[sflag:s17] =	ssyncadd.s32 $0xFFFFFF83  }
0x88: {  	_ =	swait.ge [sflag:s16], $0x7D  }
0x89: {  	[sflag:s16] =	ssyncset.done $0x0  }
0x8a: {  	[sflag:s16] =	ssyncadd.s32 $0xFFFFFF83  }
0x8b: {  	_ =	swait.ge [sflag:s17], $0x7D  }
0x8c: {  	[sflag:s17] =	ssyncset.done $0x0  }
0x8d: {  	[sflag:s17] =	ssyncadd.s32 $0xFFFFFF83  }
0x8e: {  	_ =	swait.ge [sflag:s16], $0x7D  }
0x8f: {  	[sflag:s16] =	ssyncset.done $0x0  }
0x90: {  	[sflag:s16] =	ssyncadd.s32 $0xFFFFFF83  }
0x91: {  	_ =	swait.ge [sflag:s17], $0x7D  }
0x92: {  	[sflag:s17] =	ssyncset.done $0x0  }
0x93: {  	[sflag:s17] =	ssyncadd.s32 $0xFFFFFF83  }
0x94: {  	[bflag:$0x0] =	sbarrier.arrive $0xFFFF  }
0x95: {  	[tilespmem:s12], [sflag:$0x3] =	stream.linear.gather [spmem:s5], $0x280, $0x38;
	[tilespmem:$0x5800] =	vst v63  }
0x96: {  	_ =	swait.ge [sflag:s13], $0x280  }
0x97: {  	[sflag:s13] =	ssyncset.done $0x0  }
0x98: {  	[sflag:s13] =	ssyncadd.s32 $0xFFFFFD80  }
0x99: {  	[hbm4b:s9+s4] =	stream.linear.scatter [tilespmem:s12], [sflag:$0x3], $0x280, $0x38;
	[tilespmem:$0x5800] =	vst v63  }
0x9a: {  	_ =	swait.ge [sflag:s13], $0x280  }
0x9b: {  	[sflag:s13] =	ssyncset.done $0x0  }
0x9c: {  	[sflag:s13] =	ssyncadd.s32 $0xFFFFFD80  }
0x9d: {  	[tilespmem:s12], [sflag:$0x3] =	stream.linear.gather [spmem:s7], $0x280, $0x38;
	[tilespmem:$0x5800] =	vst v63  }
0x9e: {  	s18 =	sadd.s32 $0x1, s18;
	_ =	swait.ge [sflag:s13], $0x280  }
0x9f: {  	p0 =	sne.s32 s18, s11;
	[sflag:s13] =	ssyncset.done $0x0  }
.Ltmp1:
0xa0: {  	[sflag:s13] =	ssyncadd.s32 $0xFFFFFD80;
	(pc) =	sbr.rel @p0 .LBB2_1-.Ltmp1, $4  }
0xa1: {  	[hbm4b:s10+s4] =	stream.linear.scatter [tilespmem:s12], [sflag:$0x3], $0x280, $0x38;
	[tilespmem:$0x5800] =	vst v63  }
0xa2: {  	_ =	swait.ge [sflag:s13], $0x280  }
0xa3: {  	[sflag:s13] =	ssyncset.done $0x0  }
0xa4: {  	[sflag:s13] =	ssyncadd.s32 $0xFFFFFD80  }
0xa5: {  	_ =	sfence.sel $0x180000  }
0xa6: {  	[bflag:$0x0] =	sbarrier.arrive $0xFFFF  }
0xa7: {  	p0 =	sne.s32 s0, $0x0;
	_ =	strace $0x90000047  }
0xa8: {  	s0 =	sadd.s32 @!p0 $0x100000, s1;
	[bflag:$0x2] =	sbarrier.arrive $0xFFFF  }
0xa9: {  	[sflag:s0] =	ssyncadd.tile.s32 @!p0 $0x1;
	_ =	shalt  }
.Lfunc_end2:
_tile_overlayer_lowered:
.L_overlay_start_2:
0xaa: {  	(tag) =	ssettag $0x2  }
0xab: {  	s0 =	rddreg [dreg:$0x0];
	s2 =	stileid.u32  }
0xac: {  	s1 =	rddreg [dreg:$0x1];
	p0 =	sne.s32 s2, $0x0  }
0xad: {  	s3 =	rddreg [dreg:$0x2];
	[bflag:$0x3] =	sbarrier.arrive $0xFFFF;
	s2 =	simm.s32 @!p0 $0x1C03  }
0xae: {  	[timem:s3], [sflag:s2] =	dma.local @!p0 [hbm:s0], s1  }
0xaf: {  	s0 =	simm.s32 @!p0 $0x3  }
0xb0: {  	_ =	swait.ge @!p0 [sflag:s0], s1  }
0xb1: {  	s1 =	ssub.s32 @!p0 $0x0, s1;
	[sflag:s0] =	ssyncset.done @!p0 $0x0  }
0xb2: {  	[sflag:s0] =	ssyncadd.s32 @!p0 s1  }
0xb3: {  	[bflag:$0x3] =	sbarrier.arrive $0xFFFF  }
0xb4: {  	_ =	shalt  }

</sc_bundles>
